<compile_context>
chip_gen: v7x
topology: tpu7x:2x2x1
jax: 0.10.2.dev20260603
libtpu: 0.0.44.dev20260713+nightly
codegen_flags: <defaults>
</compile_context>

<pallas_src>
import functools

import jax
import jax.numpy as jnp
from jax import lax
from jax.experimental import pallas as pl
from jax.experimental.pallas import tpu as pltpu
from jax.experimental.pallas import tpu_sc as plsc

B, A, N, G, F = 2, 10000, 16, 16, 128
TA = 1000
TM = 2000

SC_NC, SC_NS = 2, 16
SC_NW = SC_NC * SC_NS
SC_R = A * N
SC_PW = SC_R // SC_NW
SC_C = 40
SC_NB = 5
SC_NCH = SC_PW // SC_C


def _sc_gather_body(x_hbm, gidx_hbm, out_hbm, idx_all, rows, *sems):
    gsem = sems[:SC_NB]
    wsem = sems[SC_NB:]
    wid = lax.axis_index("s") * SC_NC + lax.axis_index("c")
    base = wid * SC_PW
    pltpu.sync_copy(gidx_hbm.at[pl.ds(base, SC_PW)], idx_all)

    def g_desc(k, b):
        return pltpu.make_async_copy(
            x_hbm.at[idx_all.at[pl.ds(k * SC_C, SC_C)]], rows.at[b], gsem[b])

    def w_desc(k, b):
        return pltpu.make_async_copy(
            rows.at[b], out_hbm.at[pl.ds(base + k * SC_C, SC_C)], wsem[b])

    for b in range(SC_NB):
        g_desc(b, b).start()

    def outer(t, carry):
        for b in range(SC_NB):
            k = SC_NB * t + b
            g_desc(k, b).wait()
            w_desc(k, b).start()
            w_desc(k, b).wait()
            g_desc(k + SC_NB, b).start()
        return carry

    lax.fori_loop(0, SC_NCH // SC_NB - 1, outer, 0)
    for b in range(SC_NB):
        k = SC_NCH - SC_NB + b
        g_desc(k, b).wait()
        w_desc(k, b).start()
        w_desc(k, b).wait()


@functools.partial(
    pl.kernel,
    out_type=jax.ShapeDtypeStruct((SC_R, F), jnp.float32),
    mesh=plsc.VectorSubcoreMesh(core_axis_name="c", subcore_axis_name="s"),
    scratch_types=(
        [pltpu.VMEM((SC_PW,), jnp.int32),
         pltpu.VMEM((SC_NB, SC_C, F), jnp.float32)]
        + [pltpu.SemaphoreType.DMA] * (2 * SC_NB)
    ),
)
def _sc_gather(x_hbm, gidx_hbm, out_hbm, idx_all, rows, *sems):
    _sc_gather_body(x_hbm, gidx_hbm, out_hbm, idx_all, rows, *sems)


def _xw_body(f_ref, w_ref, o_ref):
    o_ref[...] = jnp.dot(f_ref[...], w_ref[...], preferred_element_type=jnp.float32)


def _project_x(features2, W0):
    M = features2.shape[0]
    return pl.pallas_call(
        _xw_body,
        grid=(M // TM,),
        in_specs=[
            pl.BlockSpec((TM, F), lambda i: (i, 0)),
            pl.BlockSpec((F, F), lambda i: (0, 0)),
        ],
        out_specs=pl.BlockSpec((TM, F), lambda i: (i, 0)),
        out_shape=jax.ShapeDtypeStruct((M, F), jnp.float32),
    )(features2, W0)


def _fused_body(nbr_ref, rbf_ref, wf1_ref, bf1_ref, wf2_ref, bf2_ref, v_ref,
                emat_ref, w1_ref, b1_ref, w2_ref, b2_ref, out_ref, attn_ref,
                filt_scr):
    cols = []
    for n in range(N):
        r_n = rbf_ref[:, n * G:(n + 1) * G]
        h_n = jnp.tanh(jnp.dot(r_n, wf1_ref[...], preferred_element_type=jnp.float32)
                       + bf1_ref[...])
        f_n = jnp.dot(h_n, wf2_ref[...], preferred_element_type=jnp.float32) + bf2_ref[...]
        filt_n = nbr_ref[n] * f_n
        filt_scr[n] = filt_n
        cols.append(jnp.dot(filt_n, v_ref[...], preferred_element_type=jnp.float32))
    logits = jnp.concatenate(cols, axis=1)
    m = jnp.max(logits, axis=-1, keepdims=True)
    e = jnp.exp(logits - m)
    s = jnp.sum(e, axis=-1, keepdims=True)
    attn = e / s
    attn_ref[...] = attn
    bc = jnp.dot(attn, emat_ref[...], preferred_element_type=jnp.float32)
    conv = jnp.zeros((TA, F), dtype=jnp.float32)
    for n in range(N):
        conv = conv + bc[:, n * F:(n + 1) * F] * filt_scr[n]
    t = jnp.tanh(jnp.dot(conv, w1_ref[...], preferred_element_type=jnp.float32)
                 + b1_ref[...])
    out_ref[...] = jnp.dot(t, w2_ref[...], preferred_element_type=jnp.float32) + b2_ref[...]


def _fused_one(nbr3, rbf2, Wf1, bf1, Wf2, bf2, v, emat, W1, b1, W2, b2):
    full = lambda j: (0, 0)
    out_shape = (
        jax.ShapeDtypeStruct((A, F), jnp.float32),
        jax.ShapeDtypeStruct((A, N), jnp.float32),
    )
    return pl.pallas_call(
        _fused_body,
        grid=(A // TA,),
        in_specs=[
            pl.BlockSpec((N, TA, F), lambda j: (0, j, 0)),
            pl.BlockSpec((TA, N * G), lambda j: (j, 0)),
            pl.BlockSpec((G, F), full),
            pl.BlockSpec((1, F), full),
            pl.BlockSpec((F, F), full),
            pl.BlockSpec((1, F), full),
            pl.BlockSpec((F, 1), full),
            pl.BlockSpec((N, N * F), full),
            pl.BlockSpec((F, F), full),
            pl.BlockSpec((1, F), full),
            pl.BlockSpec((F, F), full),
            pl.BlockSpec((1, F), full),
        ],
        out_specs=(
            pl.BlockSpec((TA, F), lambda j: (j, 0)),
            pl.BlockSpec((TA, N), lambda j: (j, 0)),
        ),
        out_shape=out_shape,
        scratch_shapes=[
            pltpu.VMEM((N, TA, F), jnp.float32),
        ],
    )(nbr3, rbf2, Wf1, bf1, Wf2, bf2, v, emat, W1, b1, W2, b2)


def kernel(features, rbf_expansion, neighbor_list, W0, Wf1, bf1, Wf2, bf2,
           nbr_filter, W1, b1, W2, b2):
    bf1r, bf2r = bf1.reshape(1, F), bf2.reshape(1, F)
    b1r, b2r = b1.reshape(1, F), b2.reshape(1, F)
    emat = jnp.repeat(jnp.eye(N, dtype=jnp.float32), F, axis=1)
    outs, attns = [], []
    for b in range(B):
        x2 = _project_x(features[b], W0)
        gidx = jnp.swapaxes(neighbor_list[b], 0, 1).reshape(-1)
        nbr3 = _sc_gather(x2, gidx).reshape(N, A, F)
        o, at = _fused_one(
            nbr3, rbf_expansion[b].reshape(A, N * G), Wf1, bf1r, Wf2, bf2r,
            nbr_filter, emat, W1, b1r, W2, b2r)
        outs.append(o)
        attns.append(at)
    return (jnp.stack(outs), jnp.stack(attns))

# --- scband reference (transcript-rebuilt; emitter-appended) ---
"""Pipeline reference for scband-classic-interaction-block-61418032333204 (READ-ONLY COPY).

The authoritative reference and input builder live on the scoring server;
editing this copy changes nothing except your own understanding.
"""

import jax, jax.numpy as jnp
import numpy as np

B, A, N, G, F = 2, 10000, 16, 16, 128

def setup_inputs(seed: int = 0) -> dict:
    key = jax.random.key(seed)
    ks = jax.random.split(key, 13)
    inp = {}
    inp["features"] = jax.random.normal(ks[0], (B, A, F), dtype=jnp.float32)
    inp["rbf_expansion"] = jax.random.uniform(ks[1], (B, A, N, G), dtype=jnp.float32)
    inp["neighbor_list"] = jax.random.randint(ks[2], (B, A, N), 0, A, dtype=jnp.int32)
    # initial_dense: Linear(n_inputs, n_filters, bias=False)
    inp["W0"] = jax.random.normal(ks[3], (F, F), dtype=jnp.float32) / np.sqrt(F)
    # filter_generator: Linear(G,F) -> tanh -> Linear(F,F)
    inp["Wf1"] = jax.random.normal(ks[4], (G, F), dtype=jnp.float32) / np.sqrt(G)
    inp["bf1"] = jnp.zeros((F,), dtype=jnp.float32)
    inp["Wf2"] = jax.random.normal(ks[5], (F, F), dtype=jnp.float32) / np.sqrt(F)
    inp["bf2"] = jnp.zeros((F,), dtype=jnp.float32)
    # attention vector (xavier uniform)
    lim = np.sqrt(6.0 / (F + 1))
    inp["nbr_filter"] = jax.random.uniform(ks[6], (F, 1), dtype=jnp.float32, minval=-lim, maxval=lim)
    # output_dense: Linear(F,F)+tanh, Linear(F,F)
    inp["W1"] = jax.random.normal(ks[7], (F, F), dtype=jnp.float32) / np.sqrt(F)
    inp["b1"] = jnp.zeros((F,), dtype=jnp.float32)
    inp["W2"] = jax.random.normal(ks[8], (F, F), dtype=jnp.float32) / np.sqrt(F)
    inp["b2"] = jnp.zeros((F,), dtype=jnp.float32)
    return inp

def reference(features, rbf_expansion, neighbor_list, W0, Wf1, bf1, Wf2, bf2, nbr_filter, W1, b1, W2, b2):
    # initial dense (no bias)
    x = features @ W0  # [B, A, F]
    # continuous filter generation
    h = jnp.tanh(rbf_expansion @ Wf1 + bf1)
    filters = h @ Wf2 + bf2  # [B, A, N, F]
    b, a, f = x.shape
    n = neighbor_list.shape[2]
    # gather neighbor features: torch.gather(features, 1, idx_expanded)
    idx = neighbor_list.reshape(b, a * n, 1)
    idx = jnp.broadcast_to(idx, (b, a * n, f))
    nbr_feats = jnp.take_along_axis(x, idx, axis=1).reshape(b, a, n, f)
    filtered = nbr_feats * filters  # [B, A, N, F]
    # attention over neighbors
    attn_logits = jnp.squeeze(filtered @ nbr_filter, axis=-1)  # [B, A, N]
    attn = jax.nn.softmax(attn_logits, axis=-1)
    conv = jnp.einsum('bij,bijc->bic', attn, filtered)  # [B, A, F]
    out = jnp.tanh(conv @ W1 + b1) @ W2 + b2
    return (out, attn)

if __name__ == "__main__":
    import jax
    _d = setup_inputs()
    print(jax.jit(kernel)(*tuple(_d.values())))

</pallas_src>

<mosaic_0001>
#map = affine_map<(d0, d1) -> (0, 0)>
#map1 = affine_map<(d0, d1) -> (0)>
module attributes {stable_mosaic.version = 14 : i64} {
  func.func @_sc_gather(%arg0: i32, %arg1: i32, %arg2: memref<10000x128xf32, #tpu.memory_space<hbm>>, %arg3: memref<160000xi32, #tpu.memory_space<hbm>>, %arg4: memref<160000x128xf32, #tpu.memory_space<hbm>>, %arg5: memref<5000xi32, #tpu.memory_space<vmem>>, %arg6: memref<5x40x128xf32, #tpu.memory_space<vmem>>, %arg7: memref<!tpu.dma_semaphore, #tpu.memory_space<semaphore_mem>>, %arg8: memref<!tpu.dma_semaphore, #tpu.memory_space<semaphore_mem>>, %arg9: memref<!tpu.dma_semaphore, #tpu.memory_space<semaphore_mem>>, %arg10: memref<!tpu.dma_semaphore, #tpu.memory_space<semaphore_mem>>, %arg11: memref<!tpu.dma_semaphore, #tpu.memory_space<semaphore_mem>>, %arg12: memref<!tpu.dma_semaphore, #tpu.memory_space<semaphore_mem>>, %arg13: memref<!tpu.dma_semaphore, #tpu.memory_space<semaphore_mem>>, %arg14: memref<!tpu.dma_semaphore, #tpu.memory_space<semaphore_mem>>, %arg15: memref<!tpu.dma_semaphore, #tpu.memory_space<semaphore_mem>>, %arg16: memref<!tpu.dma_semaphore, #tpu.memory_space<semaphore_mem>>) attributes {dimension_semantics = [#tpu.dimension_semantics<core_parallel>, #tpu.dimension_semantics<subcore_parallel>], iteration_bounds = array<i64: 2, 16>, scalar_prefetch = 0 : i64, scratch_operands = 12 : i64, tpu.core_type = #tpu.core_type<sc_vector_subcore>, window_params = [{transform_indices = #map}, {transform_indices = #map1}, {transform_indices = #map}]} {
    %mul3A = arith.constant 2 : i32
    %mul3A_0 = arith.muli %arg1, %mul3A : i32
    %add3A = arith.addi %mul3A_0, %arg0 : i32
    %mul3A_1 = arith.constant 5000 : i32
    %mul3A_2 = arith.muli %add3A, %mul3A_1 : i32
    "tpu.region"() ({
      %run_scoped3A = tpu.sem_alloc : memref<!tpu.dma_semaphore, #tpu.memory_space<semaphore_mem>>
      %dma_start3A_256 = tpu.memref_slice %arg3[%mul3A_2] : memref<160000xi32, #tpu.memory_space<hbm>> -> memref<5000xi32, #tpu.memory_space<hbm>>
      %dma_start3A_257 = tpu.memref_slice %arg3[%mul3A_2] : memref<160000xi32, #tpu.memory_space<hbm>> -> memref<5000xi32, #tpu.memory_space<hbm>>
      tpu.enqueue_dma source(%dma_start3A_257 : memref<5000xi32, #tpu.memory_space<hbm>>) target(%arg5 : memref<5000xi32, #tpu.memory_space<vmem>>) target_semaphore(%run_scoped3A : memref<!tpu.dma_semaphore, #tpu.memory_space<semaphore_mem>>)
      %dma_wait3A_258 = tpu.memref_slice %arg3[%mul3A_2] : memref<160000xi32, #tpu.memory_space<hbm>> -> memref<5000xi32, #tpu.memory_space<hbm>>
      %dma_wait3A_259 = tpu.memref_slice %arg3[%mul3A_2] : memref<160000xi32, #tpu.memory_space<hbm>> -> memref<5000xi32, #tpu.memory_space<hbm>>
      tpu.wait_dma2 semaphore(%run_scoped3A : memref<!tpu.dma_semaphore, #tpu.memory_space<semaphore_mem>>) src(%dma_wait3A_259 : memref<5000xi32, #tpu.memory_space<hbm>>) dst(%arg5 : memref<5000xi32, #tpu.memory_space<vmem>>)
      tpu.yield
    }) : () -> ()
    %dma_start3A = arith.constant 0 : i32
    %dma_start3A_3 = arith.constant 0 : i32
    %dma_start3A_4 = arith.constant 0 : i32
    %dma_start3A_5 = tpu.memref_slice %arg6[%dma_start3A, %dma_start3A_3, %dma_start3A_4] : memref<5x40x128xf32, #tpu.memory_space<vmem>> -> memref<1x40x128xf32, #tpu.memory_space<vmem>>
    %dma_start3A_6 = tpu.memref_squeeze %dma_start3A_5 : memref<1x40x128xf32, #tpu.memory_space<vmem>> -> memref<40x128xf32, #tpu.memory_space<vmem>>
    %dma_start3A_7 = arith.constant 0 : i32
    %dma_start3A_8 = tpu.memref_slice %arg5[%dma_start3A_7] : memref<5000xi32, #tpu.memory_space<vmem>> -> memref<40xi32, #tpu.memory_space<vmem>>
    %dma_start3A_9 = arith.constant 0 : i32
    %dma_start3A_10 = arith.constant 0 : i32
    %dma_start3A_11 = tpu.memref_slice %arg2[%dma_start3A_9, %dma_start3A_10] : memref<10000x128xf32, #tpu.memory_space<hbm>> -> memref<10000x128xf32, #tpu.memory_space<hbm>>
    tpu.enqueue_indirect_dma source(%dma_start3A_11 : memref<10000x128xf32, #tpu.memory_space<hbm>>) target(%dma_start3A_6 : memref<40x128xf32, #tpu.memory_space<vmem>>) offsets(%dma_start3A_8 : memref<40xi32, #tpu.memory_space<vmem>>) semaphore(%arg7 : memref<!tpu.dma_semaphore, #tpu.memory_space<semaphore_mem>>)
    %dma_start3A_12 = arith.constant 1 : i32
    %dma_start3A_13 = arith.constant 0 : i32
    %dma_start3A_14 = arith.constant 0 : i32
    %dma_start3A_15 = tpu.memref_slice %arg6[%dma_start3A_12, %dma_start3A_13, %dma_start3A_14] : memref<5x40x128xf32, #tpu.memory_space<vmem>> -> memref<1x40x128xf32, #tpu.memory_space<vmem>>
    %dma_start3A_16 = tpu.memref_squeeze %dma_start3A_15 : memref<1x40x128xf32, #tpu.memory_space<vmem>> -> memref<40x128xf32, #tpu.memory_space<vmem>>
    %dma_start3A_17 = arith.constant 40 : i32
    %dma_start3A_18 = tpu.memref_slice %arg5[%dma_start3A_17] : memref<5000xi32, #tpu.memory_space<vmem>> -> memref<40xi32, #tpu.memory_space<vmem>>
    %dma_start3A_19 = arith.constant 0 : i32
    %dma_start3A_20 = arith.constant 0 : i32
    %dma_start3A_21 = tpu.memref_slice %arg2[%dma_start3A_19, %dma_start3A_20] : memref<10000x128xf32, #tpu.memory_space<hbm>> -> memref<10000x128xf32, #tpu.memory_space<hbm>>
    tpu.enqueue_indirect_dma source(%dma_start3A_21 : memref<10000x128xf32, #tpu.memory_space<hbm>>) target(%dma_start3A_16 : memref<40x128xf32, #tpu.memory_space<vmem>>) offsets(%dma_start3A_18 : memref<40xi32, #tpu.memory_space<vmem>>) semaphore(%arg8 : memref<!tpu.dma_semaphore, #tpu.memory_space<semaphore_mem>>)
    %dma_start3A_22 = arith.constant 2 : i32
    %dma_start3A_23 = arith.constant 0 : i32
    %dma_start3A_24 = arith.constant 0 : i32
    %dma_start3A_25 = tpu.memref_slice %arg6[%dma_start3A_22, %dma_start3A_23, %dma_start3A_24] : memref<5x40x128xf32, #tpu.memory_space<vmem>> -> memref<1x40x128xf32, #tpu.memory_space<vmem>>
    %dma_start3A_26 = tpu.memref_squeeze %dma_start3A_25 : memref<1x40x128xf32, #tpu.memory_space<vmem>> -> memref<40x128xf32, #tpu.memory_space<vmem>>
    %dma_start3A_27 = arith.constant 80 : i32
    %dma_start3A_28 = tpu.memref_slice %arg5[%dma_start3A_27] : memref<5000xi32, #tpu.memory_space<vmem>> -> memref<40xi32, #tpu.memory_space<vmem>>
    %dma_start3A_29 = arith.constant 0 : i32
    %dma_start3A_30 = arith.constant 0 : i32
    %dma_start3A_31 = tpu.memref_slice %arg2[%dma_start3A_29, %dma_start3A_30] : memref<10000x128xf32, #tpu.memory_space<hbm>> -> memref<10000x128xf32, #tpu.memory_space<hbm>>
    tpu.enqueue_indirect_dma source(%dma_start3A_31 : memref<10000x128xf32, #tpu.memory_space<hbm>>) target(%dma_start3A_26 : memref<40x128xf32, #tpu.memory_space<vmem>>) offsets(%dma_start3A_28 : memref<40xi32, #tpu.memory_space<vmem>>) semaphore(%arg9 : memref<!tpu.dma_semaphore, #tpu.memory_space<semaphore_mem>>)
    %dma_start3A_32 = arith.constant 3 : i32
    %dma_start3A_33 = arith.constant 0 : i32
    %dma_start3A_34 = arith.constant 0 : i32
    %dma_start3A_35 = tpu.memref_slice %arg6[%dma_start3A_32, %dma_start3A_33, %dma_start3A_34] : memref<5x40x128xf32, #tpu.memory_space<vmem>> -> memref<1x40x128xf32, #tpu.memory_space<vmem>>
    %dma_start3A_36 = tpu.memref_squeeze %dma_start3A_35 : memref<1x40x128xf32, #tpu.memory_space<vmem>> -> memref<40x128xf32, #tpu.memory_space<vmem>>
    %dma_start3A_37 = arith.constant 120 : i32
    %dma_start3A_38 = tpu.memref_slice %arg5[%dma_start3A_37] : memref<5000xi32, #tpu.memory_space<vmem>> -> memref<40xi32, #tpu.memory_space<vmem>>
    %dma_start3A_39 = arith.constant 0 : i32
    %dma_start3A_40 = arith.constant 0 : i32
    %dma_start3A_41 = tpu.memref_slice %arg2[%dma_start3A_39, %dma_start3A_40] : memref<10000x128xf32, #tpu.memory_space<hbm>> -> memref<10000x128xf32, #tpu.memory_space<hbm>>
    tpu.enqueue_indirect_dma source(%dma_start3A_41 : memref<10000x128xf32, #tpu.memory_space<hbm>>) target(%dma_start3A_36 : memref<40x128xf32, #tpu.memory_space<vmem>>) offsets(%dma_start3A_38 : memref<40xi32, #tpu.memory_space<vmem>>) semaphore(%arg10 : memref<!tpu.dma_semaphore, #tpu.memory_space<semaphore_mem>>)
    %dma_start3A_42 = arith.constant 4 : i32
    %dma_start3A_43 = arith.constant 0 : i32
    %dma_start3A_44 = arith.constant 0 : i32
    %dma_start3A_45 = tpu.memref_slice %arg6[%dma_start3A_42, %dma_start3A_43, %dma_start3A_44] : memref<5x40x128xf32, #tpu.memory_space<vmem>> -> memref<1x40x128xf32, #tpu.memory_space<vmem>>
    %dma_start3A_46 = tpu.memref_squeeze %dma_start3A_45 : memref<1x40x128xf32, #tpu.memory_space<vmem>> -> memref<40x128xf32, #tpu.memory_space<vmem>>
    %dma_start3A_47 = arith.constant 160 : i32
    %dma_start3A_48 = tpu.memref_slice %arg5[%dma_start3A_47] : memref<5000xi32, #tpu.memory_space<vmem>> -> memref<40xi32, #tpu.memory_space<vmem>>
    %dma_start3A_49 = arith.constant 0 : i32
    %dma_start3A_50 = arith.constant 0 : i32
    %dma_start3A_51 = tpu.memref_slice %arg2[%dma_start3A_49, %dma_start3A_50] : memref<10000x128xf32, #tpu.memory_space<hbm>> -> memref<10000x128xf32, #tpu.memory_space<hbm>>
    tpu.enqueue_indirect_dma source(%dma_start3A_51 : memref<10000x128xf32, #tpu.memory_space<hbm>>) target(%dma_start3A_46 : memref<40x128xf32, #tpu.memory_space<vmem>>) offsets(%dma_start3A_48 : memref<40xi32, #tpu.memory_space<vmem>>) semaphore(%arg11 : memref<!tpu.dma_semaphore, #tpu.memory_space<semaphore_mem>>)
    %scan3A = arith.constant 0 : i32
    %scan3A_52 = arith.constant 0 : i32
    %scan3A_53 = arith.constant 24 : i32
    %scan3A_54 = arith.addi %scan3A_52, %scan3A_53 : i32
    %scan3A_55 = arith.constant 1 : i32
    scf.for %scan3A_256 = %scan3A_52 to %scan3A_54 step %scan3A_55  : i32 {
      %mul3A_257 = arith.constant 5 : i32
      %mul3A_258 = arith.muli %mul3A_257, %scan3A_256 : i32
      %add3A_259 = arith.constant 0 : i32
      %add3A_260 = arith.addi %mul3A_258, %add3A_259 : i32
      %mul3A_261 = arith.constant 40 : i32
      %mul3A_262 = arith.muli %add3A_260, %mul3A_261 : i32
      %dma_wait3A_263 = arith.constant 0 : i32
      %dma_wait3A_264 = arith.constant 0 : i32
      %dma_wait3A_265 = arith.constant 0 : i32
      %dma_wait3A_266 = tpu.memref_slice %arg6[%dma_wait3A_263, %dma_wait3A_264, %dma_wait3A_265] : memref<5x40x128xf32, #tpu.memory_space<vmem>> -> memref<1x40x128xf32, #tpu.memory_space<vmem>>
      %dma_wait3A_267 = tpu.memref_squeeze %dma_wait3A_266 : memref<1x40x128xf32, #tpu.memory_space<vmem>> -> memref<40x128xf32, #tpu.memory_space<vmem>>
      %dma_wait3A_268 = tpu.memref_slice %arg5[%mul3A_262] : memref<5000xi32, #tpu.memory_space<vmem>> -> memref<40xi32, #tpu.memory_space<vmem>>
      %dma_wait3A_269 = arith.constant 0 : i32
      %dma_wait3A_270 = arith.constant 0 : i32
      %dma_wait3A_271 = tpu.memref_slice %arg2[%dma_wait3A_269, %dma_wait3A_270] : memref<10000x128xf32, #tpu.memory_space<hbm>> -> memref<10000x128xf32, #tpu.memory_space<hbm>>
      tpu.wait_indirect_dma semaphore(%arg7 : memref<!tpu.dma_semaphore, #tpu.memory_space<semaphore_mem>>) src(%dma_wait3A_271 : memref<10000x128xf32, #tpu.memory_space<hbm>>) dst(%dma_wait3A_267 : memref<40x128xf32, #tpu.memory_space<vmem>>)
      %mul3A_272 = arith.constant 40 : i32
      %mul3A_273 = arith.muli %add3A_260, %mul3A_272 : i32
      %add3A_274 = arith.addi %mul3A_2, %mul3A_273 : i32
      %dma_start3A_275 = arith.constant 0 : i32
      %dma_start3A_276 = arith.constant 0 : i32
      %dma_start3A_277 = arith.constant 0 : i32
      %dma_start3A_278 = tpu.memref_slice %arg6[%dma_start3A_275, %dma_start3A_276, %dma_start3A_277] : memref<5x40x128xf32, #tpu.memory_space<vmem>> -> memref<1x40x128xf32, #tpu.memory_space<vmem>>
      %dma_start3A_279 = tpu.memref_squeeze %dma_start3A_278 : memref<1x40x128xf32, #tpu.memory_space<vmem>> -> memref<40x128xf32, #tpu.memory_space<vmem>>
      %dma_start3A_280 = arith.constant 0 : i32
      %dma_start3A_281 = tpu.memref_slice %arg4[%add3A_274, %dma_start3A_280] : memref<160000x128xf32, #tpu.memory_space<hbm>> -> memref<40x128xf32, #tpu.memory_space<hbm>>
      %dma_start3A_282 = arith.constant 0 : i32
      %dma_start3A_283 = tpu.memref_slice %arg4[%add3A_274, %dma_start3A_282] : memref<160000x128xf32, #tpu.memory_space<hbm>> -> memref<40x128xf32, #tpu.memory_space<hbm>>
      %dma_start3A_284 = arith.constant 0 : i32
      %dma_start3A_285 = arith.constant 0 : i32
      %dma_start3A_286 = tpu.memref_slice %arg6[%dma_start3A_275, %dma_start3A_284, %dma_start3A_285] : memref<5x40x128xf32, #tpu.memory_space<vmem>> -> memref<1x40x128xf32, #tpu.memory_space<vmem>>
      %dma_start3A_287 = tpu.memref_squeeze %dma_start3A_286 : memref<1x40x128xf32, #tpu.memory_space<vmem>> -> memref<40x128xf32, #tpu.memory_space<vmem>>
      tpu.enqueue_dma source(%dma_start3A_287 : memref<40x128xf32, #tpu.memory_space<vmem>>) target(%dma_start3A_283 : memref<40x128xf32, #tpu.memory_space<hbm>>) target_semaphore(%arg12 : memref<!tpu.dma_semaphore, #tpu.memory_space<semaphore_mem>>)
      %mul3A_288 = arith.constant 40 : i32
      %mul3A_289 = arith.muli %add3A_260, %mul3A_288 : i32
      %add3A_290 = arith.addi %mul3A_2, %mul3A_289 : i32
      %dma_wait3A_291 = arith.constant 0 : i32
      %dma_wait3A_292 = arith.constant 0 : i32
      %dma_wait3A_293 = arith.constant 0 : i32
      %dma_wait3A_294 = tpu.memref_slice %arg6[%dma_wait3A_291, %dma_wait3A_292, %dma_wait3A_293] : memref<5x40x128xf32, #tpu.memory_space<vmem>> -> memref<1x40x128xf32, #tpu.memory_space<vmem>>
      %dma_wait3A_295 = tpu.memref_squeeze %dma_wait3A_294 : memref<1x40x128xf32, #tpu.memory_space<vmem>> -> memref<40x128xf32, #tpu.memory_space<vmem>>
      %dma_wait3A_296 = arith.constant 0 : i32
      %dma_wait3A_297 = tpu.memref_slice %arg4[%add3A_290, %dma_wait3A_296] : memref<160000x128xf32, #tpu.memory_space<hbm>> -> memref<40x128xf32, #tpu.memory_space<hbm>>
      %dma_wait3A_298 = arith.constant 0 : i32
      %dma_wait3A_299 = tpu.memref_slice %arg4[%add3A_290, %dma_wait3A_298] : memref<160000x128xf32, #tpu.memory_space<hbm>> -> memref<40x128xf32, #tpu.memory_space<hbm>>
      %dma_wait3A_300 = arith.constant 0 : i32
      %dma_wait3A_301 = arith.constant 0 : i32
      %dma_wait3A_302 = tpu.memref_slice %arg6[%dma_wait3A_291, %dma_wait3A_300, %dma_wait3A_301] : memref<5x40x128xf32, #tpu.memory_space<vmem>> -> memref<1x40x128xf32, #tpu.memory_space<vmem>>
      %dma_wait3A_303 = tpu.memref_squeeze %dma_wait3A_302 : memref<1x40x128xf32, #tpu.memory_space<vmem>> -> memref<40x128xf32, #tpu.memory_space<vmem>>
      tpu.wait_dma2 semaphore(%arg12 : memref<!tpu.dma_semaphore, #tpu.memory_space<semaphore_mem>>) src(%dma_wait3A_303 : memref<40x128xf32, #tpu.memory_space<vmem>>) dst(%dma_wait3A_299 : memref<40x128xf32, #tpu.memory_space<hbm>>)
      %add3A_304 = arith.constant 5 : i32
      %add3A_305 = arith.addi %add3A_260, %add3A_304 : i32
      %mul3A_306 = arith.constant 40 : i32
      %mul3A_307 = arith.muli %add3A_305, %mul3A_306 : i32
      %dma_start3A_308 = arith.constant 0 : i32
      %dma_start3A_309 = arith.constant 0 : i32
      %dma_start3A_310 = arith.constant 0 : i32
      %dma_start3A_311 = tpu.memref_slice %arg6[%dma_start3A_308, %dma_start3A_309, %dma_start3A_310] : memref<5x40x128xf32, #tpu.memory_space<vmem>> -> memref<1x40x128xf32, #tpu.memory_space<vmem>>
      %dma_start3A_312 = tpu.memref_squeeze %dma_start3A_311 : memref<1x40x128xf32, #tpu.memory_space<vmem>> -> memref<40x128xf32, #tpu.memory_space<vmem>>
      %dma_start3A_313 = tpu.memref_slice %arg5[%mul3A_307] : memref<5000xi32, #tpu.memory_space<vmem>> -> memref<40xi32, #tpu.memory_space<vmem>>
      %dma_start3A_314 = arith.constant 0 : i32
      %dma_start3A_315 = arith.constant 0 : i32
      %dma_start3A_316 = tpu.memref_slice %arg2[%dma_start3A_314, %dma_start3A_315] : memref<10000x128xf32, #tpu.memory_space<hbm>> -> memref<10000x128xf32, #tpu.memory_space<hbm>>
      tpu.enqueue_indirect_dma source(%dma_start3A_316 : memref<10000x128xf32, #tpu.memory_space<hbm>>) target(%dma_start3A_312 : memref<40x128xf32, #tpu.memory_space<vmem>>) offsets(%dma_start3A_313 : memref<40xi32, #tpu.memory_space<vmem>>) semaphore(%arg7 : memref<!tpu.dma_semaphore, #tpu.memory_space<semaphore_mem>>)
      %mul3A_317 = arith.constant 5 : i32
      %mul3A_318 = arith.muli %mul3A_317, %scan3A_256 : i32
      %add3A_319 = arith.constant 1 : i32
      %add3A_320 = arith.addi %mul3A_318, %add3A_319 : i32
      %mul3A_321 = arith.constant 40 : i32
      %mul3A_322 = arith.muli %add3A_320, %mul3A_321 : i32
      %dma_wait3A_323 = arith.constant 1 : i32
      %dma_wait3A_324 = arith.constant 0 : i32
      %dma_wait3A_325 = arith.constant 0 : i32
      %dma_wait3A_326 = tpu.memref_slice %arg6[%dma_wait3A_323, %dma_wait3A_324, %dma_wait3A_325] : memref<5x40x128xf32, #tpu.memory_space<vmem>> -> memref<1x40x128xf32, #tpu.memory_space<vmem>>
      %dma_wait3A_327 = tpu.memref_squeeze %dma_wait3A_326 : memref<1x40x128xf32, #tpu.memory_space<vmem>> -> memref<40x128xf32, #tpu.memory_space<vmem>>
      %dma_wait3A_328 = tpu.memref_slice %arg5[%mul3A_322] : memref<5000xi32, #tpu.memory_space<vmem>> -> memref<40xi32, #tpu.memory_space<vmem>>
      %dma_wait3A_329 = arith.constant 0 : i32
      %dma_wait3A_330 = arith.constant 0 : i32
      %dma_wait3A_331 = tpu.memref_slice %arg2[%dma_wait3A_329, %dma_wait3A_330] : memref<10000x128xf32, #tpu.memory_space<hbm>> -> memref<10000x128xf32, #tpu.memory_space<hbm>>
      tpu.wait_indirect_dma semaphore(%arg8 : memref<!tpu.dma_semaphore, #tpu.memory_space<semaphore_mem>>) src(%dma_wait3A_331 : memref<10000x128xf32, #tpu.memory_space<hbm>>) dst(%dma_wait3A_327 : memref<40x128xf32, #tpu.memory_space<vmem>>)
      %mul3A_332 = arith.constant 40 : i32
      %mul3A_333 = arith.muli %add3A_320, %mul3A_332 : i32
      %add3A_334 = arith.addi %mul3A_2, %mul3A_333 : i32
      %dma_start3A_335 = arith.constant 1 : i32
      %dma_start3A_336 = arith.constant 0 : i32
      %dma_start3A_337 = arith.constant 0 : i32
      %dma_start3A_338 = tpu.memref_slice %arg6[%dma_start3A_335, %dma_start3A_336, %dma_start3A_337] : memref<5x40x128xf32, #tpu.memory_space<vmem>> -> memref<1x40x128xf32, #tpu.memory_space<vmem>>
      %dma_start3A_339 = tpu.memref_squeeze %dma_start3A_338 : memref<1x40x128xf32, #tpu.memory_space<vmem>> -> memref<40x128xf32, #tpu.memory_space<vmem>>
      %dma_start3A_340 = arith.constant 0 : i32
      %dma_start3A_341 = tpu.memref_slice %arg4[%add3A_334, %dma_start3A_340] : memref<160000x128xf32, #tpu.memory_space<hbm>> -> memref<40x128xf32, #tpu.memory_space<hbm>>
      %dma_start3A_342 = arith.constant 0 : i32
      %dma_start3A_343 = tpu.memref_slice %arg4[%add3A_334, %dma_start3A_342] : memref<160000x128xf32, #tpu.memory_space<hbm>> -> memref<40x128xf32, #tpu.memory_space<hbm>>
      %dma_start3A_344 = arith.constant 0 : i32
      %dma_start3A_345 = arith.constant 0 : i32
      %dma_start3A_346 = tpu.memref_slice %arg6[%dma_start3A_335, %dma_start3A_344, %dma_start3A_345] : memref<5x40x128xf32, #tpu.memory_space<vmem>> -> memref<1x40x128xf32, #tpu.memory_space<vmem>>
      %dma_start3A_347 = tpu.memref_squeeze %dma_start3A_346 : memref<1x40x128xf32, #tpu.memory_space<vmem>> -> memref<40x128xf32, #tpu.memory_space<vmem>>
      tpu.enqueue_dma source(%dma_start3A_347 : memref<40x128xf32, #tpu.memory_space<vmem>>) target(%dma_start3A_343 : memref<40x128xf32, #tpu.memory_space<hbm>>) target_semaphore(%arg13 : memref<!tpu.dma_semaphore, #tpu.memory_space<semaphore_mem>>)
      %mul3A_348 = arith.constant 40 : i32
      %mul3A_349 = arith.muli %add3A_320, %mul3A_348 : i32
      %add3A_350 = arith.addi %mul3A_2, %mul3A_349 : i32
      %dma_wait3A_351 = arith.constant 1 : i32
      %dma_wait3A_352 = arith.constant 0 : i32
      %dma_wait3A_353 = arith.constant 0 : i32
      %dma_wait3A_354 = tpu.memref_slice %arg6[%dma_wait3A_351, %dma_wait3A_352, %dma_wait3A_353] : memref<5x40x128xf32, #tpu.memory_space<vmem>> -> memref<1x40x128xf32, #tpu.memory_space<vmem>>
      %dma_wait3A_355 = tpu.memref_squeeze %dma_wait3A_354 : memref<1x40x128xf32, #tpu.memory_space<vmem>> -> memref<40x128xf32, #tpu.memory_space<vmem>>
      %dma_wait3A_356 = arith.constant 0 : i32
      %dma_wait3A_357 = tpu.memref_slice %arg4[%add3A_350, %dma_wait3A_356] : memref<160000x128xf32, #tpu.memory_space<hbm>> -> memref<40x128xf32, #tpu.memory_space<hbm>>
      %dma_wait3A_358 = arith.constant 0 : i32
      %dma_wait3A_359 = tpu.memref_slice %arg4[%add3A_350, %dma_wait3A_358] : memref<160000x128xf32, #tpu.memory_space<hbm>> -> memref<40x128xf32, #tpu.memory_space<hbm>>
      %dma_wait3A_360 = arith.constant 0 : i32
      %dma_wait3A_361 = arith.constant 0 : i32
      %dma_wait3A_362 = tpu.memref_slice %arg6[%dma_wait3A_351, %dma_wait3A_360, %dma_wait3A_361] : memref<5x40x128xf32, #tpu.memory_space<vmem>> -> memref<1x40x128xf32, #tpu.memory_space<vmem>>
      %dma_wait3A_363 = tpu.memref_squeeze %dma_wait3A_362 : memref<1x40x128xf32, #tpu.memory_space<vmem>> -> memref<40x128xf32, #tpu.memory_space<vmem>>
      tpu.wait_dma2 semaphore(%arg13 : memref<!tpu.dma_semaphore, #tpu.memory_space<semaphore_mem>>) src(%dma_wait3A_363 : memref<40x128xf32, #tpu.memory_space<vmem>>) dst(%dma_wait3A_359 : memref<40x128xf32, #tpu.memory_space<hbm>>)
      %add3A_364 = arith.constant 5 : i32
      %add3A_365 = arith.addi %add3A_320, %add3A_364 : i32
      %mul3A_366 = arith.constant 40 : i32
      %mul3A_367 = arith.muli %add3A_365, %mul3A_366 : i32
      %dma_start3A_368 = arith.constant 1 : i32
      %dma_start3A_369 = arith.constant 0 : i32
      %dma_start3A_370 = arith.constant 0 : i32
      %dma_start3A_371 = tpu.memref_slice %arg6[%dma_start3A_368, %dma_start3A_369, %dma_start3A_370] : memref<5x40x128xf32, #tpu.memory_space<vmem>> -> memref<1x40x128xf32, #tpu.memory_space<vmem>>
      %dma_start3A_372 = tpu.memref_squeeze %dma_start3A_371 : memref<1x40x128xf32, #tpu.memory_space<vmem>> -> memref<40x128xf32, #tpu.memory_space<vmem>>
      %dma_start3A_373 = tpu.memref_slice %arg5[%mul3A_367] : memref<5000xi32, #tpu.memory_space<vmem>> -> memref<40xi32, #tpu.memory_space<vmem>>
      %dma_start3A_374 = arith.constant 0 : i32
      %dma_start3A_375 = arith.constant 0 : i32
      %dma_start3A_376 = tpu.memref_slice %arg2[%dma_start3A_374, %dma_start3A_375] : memref<10000x128xf32, #tpu.memory_space<hbm>> -> memref<10000x128xf32, #tpu.memory_space<hbm>>
      tpu.enqueue_indirect_dma source(%dma_start3A_376 : memref<10000x128xf32, #tpu.memory_space<hbm>>) target(%dma_start3A_372 : memref<40x128xf32, #tpu.memory_space<vmem>>) offsets(%dma_start3A_373 : memref<40xi32, #tpu.memory_space<vmem>>) semaphore(%arg8 : memref<!tpu.dma_semaphore, #tpu.memory_space<semaphore_mem>>)
      %mul3A_377 = arith.constant 5 : i32
      %mul3A_378 = arith.muli %mul3A_377, %scan3A_256 : i32
      %add3A_379 = arith.constant 2 : i32
      %add3A_380 = arith.addi %mul3A_378, %add3A_379 : i32
      %mul3A_381 = arith.constant 40 : i32
      %mul3A_382 = arith.muli %add3A_380, %mul3A_381 : i32
      %dma_wait3A_383 = arith.constant 2 : i32
      %dma_wait3A_384 = arith.constant 0 : i32
      %dma_wait3A_385 = arith.constant 0 : i32
      %dma_wait3A_386 = tpu.memref_slice %arg6[%dma_wait3A_383, %dma_wait3A_384, %dma_wait3A_385] : memref<5x40x128xf32, #tpu.memory_space<vmem>> -> memref<1x40x128xf32, #tpu.memory_space<vmem>>
      %dma_wait3A_387 = tpu.memref_squeeze %dma_wait3A_386 : memref<1x40x128xf32, #tpu.memory_space<vmem>> -> memref<40x128xf32, #tpu.memory_space<vmem>>
      %dma_wait3A_388 = tpu.memref_slice %arg5[%mul3A_382] : memref<5000xi32, #tpu.memory_space<vmem>> -> memref<40xi32, #tpu.memory_space<vmem>>
      %dma_wait3A_389 = arith.constant 0 : i32
      %dma_wait3A_390 = arith.constant 0 : i32
      %dma_wait3A_391 = tpu.memref_slice %arg2[%dma_wait3A_389, %dma_wait3A_390] : memref<10000x128xf32, #tpu.memory_space<hbm>> -> memref<10000x128xf32, #tpu.memory_space<hbm>>
      tpu.wait_indirect_dma semaphore(%arg9 : memref<!tpu.dma_semaphore, #tpu.memory_space<semaphore_mem>>) src(%dma_wait3A_391 : memref<10000x128xf32, #tpu.memory_space<hbm>>) dst(%dma_wait3A_387 : memref<40x128xf32, #tpu.memory_space<vmem>>)
      %mul3A_392 = arith.constant 40 : i32
      %mul3A_393 = arith.muli %add3A_380, %mul3A_392 : i32
      %add3A_394 = arith.addi %mul3A_2, %mul3A_393 : i32
      %dma_start3A_395 = arith.constant 2 : i32
      %dma_start3A_396 = arith.constant 0 : i32
      %dma_start3A_397 = arith.constant 0 : i32
      %dma_start3A_398 = tpu.memref_slice %arg6[%dma_start3A_395, %dma_start3A_396, %dma_start3A_397] : memref<5x40x128xf32, #tpu.memory_space<vmem>> -> memref<1x40x128xf32, #tpu.memory_space<vmem>>
      %dma_start3A_399 = tpu.memref_squeeze %dma_start3A_398 : memref<1x40x128xf32, #tpu.memory_space<vmem>> -> memref<40x128xf32, #tpu.memory_space<vmem>>
      %dma_start3A_400 = arith.constant 0 : i32
      %dma_start3A_401 = tpu.memref_slice %arg4[%add3A_394, %dma_start3A_400] : memref<160000x128xf32, #tpu.memory_space<hbm>> -> memref<40x128xf32, #tpu.memory_space<hbm>>
      %dma_start3A_402 = arith.constant 0 : i32
      %dma_start3A_403 = tpu.memref_slice %arg4[%add3A_394, %dma_start3A_402] : memref<160000x128xf32, #tpu.memory_space<hbm>> -> memref<40x128xf32, #tpu.memory_space<hbm>>
      %dma_start3A_404 = arith.constant 0 : i32
      %dma_start3A_405 = arith.constant 0 : i32
      %dma_start3A_406 = tpu.memref_slice %arg6[%dma_start3A_395, %dma_start3A_404, %dma_start3A_405] : memref<5x40x128xf32, #tpu.memory_space<vmem>> -> memref<1x40x128xf32, #tpu.memory_space<vmem>>
      %dma_start3A_407 = tpu.memref_squeeze %dma_start3A_406 : memref<1x40x128xf32, #tpu.memory_space<vmem>> -> memref<40x128xf32, #tpu.memory_space<vmem>>
      tpu.enqueue_dma source(%dma_start3A_407 : memref<40x128xf32, #tpu.memory_space<vmem>>) target(%dma_start3A_403 : memref<40x128xf32, #tpu.memory_space<hbm>>) target_semaphore(%arg14 : memref<!tpu.dma_semaphore, #tpu.memory_space<semaphore_mem>>)
      %mul3A_408 = arith.constant 40 : i32
      %mul3A_409 = arith.muli %add3A_380, %mul3A_408 : i32
      %add3A_410 = arith.addi %mul3A_2, %mul3A_409 : i32
      %dma_wait3A_411 = arith.constant 2 : i32
      %dma_wait3A_412 = arith.constant 0 : i32
      %dma_wait3A_413 = arith.constant 0 : i32
      %dma_wait3A_414 = tpu.memref_slice %arg6[%dma_wait3A_411, %dma_wait3A_412, %dma_wait3A_413] : memref<5x40x128xf32, #tpu.memory_space<vmem>> -> memref<1x40x128xf32, #tpu.memory_space<vmem>>
      %dma_wait3A_415 = tpu.memref_squeeze %dma_wait3A_414 : memref<1x40x128xf32, #tpu.memory_space<vmem>> -> memref<40x128xf32, #tpu.memory_space<vmem>>
      %dma_wait3A_416 = arith.constant 0 : i32
      %dma_wait3A_417 = tpu.memref_slice %arg4[%add3A_410, %dma_wait3A_416] : memref<160000x128xf32, #tpu.memory_space<hbm>> -> memref<40x128xf32, #tpu.memory_space<hbm>>
      %dma_wait3A_418 = arith.constant 0 : i32
      %dma_wait3A_419 = tpu.memref_slice %arg4[%add3A_410, %dma_wait3A_418] : memref<160000x128xf32, #tpu.memory_space<hbm>> -> memref<40x128xf32, #tpu.memory_space<hbm>>
      %dma_wait3A_420 = arith.constant 0 : i32
      %dma_wait3A_421 = arith.constant 0 : i32
      %dma_wait3A_422 = tpu.memref_slice %arg6[%dma_wait3A_411, %dma_wait3A_420, %dma_wait3A_421] : memref<5x40x128xf32, #tpu.memory_space<vmem>> -> memref<1x40x128xf32, #tpu.memory_space<vmem>>
      %dma_wait3A_423 = tpu.memref_squeeze %dma_wait3A_422 : memref<1x40x128xf32, #tpu.memory_space<vmem>> -> memref<40x128xf32, #tpu.memory_space<vmem>>
      tpu.wait_dma2 semaphore(%arg14 : memref<!tpu.dma_semaphore, #tpu.memory_space<semaphore_mem>>) src(%dma_wait3A_423 : memref<40x128xf32, #tpu.memory_space<vmem>>) dst(%dma_wait3A_419 : memref<40x128xf32, #tpu.memory_space<hbm>>)
      %add3A_424 = arith.constant 5 : i32
      %add3A_425 = arith.addi %add3A_380, %add3A_424 : i32
      %mul3A_426 = arith.constant 40 : i32
      %mul3A_427 = arith.muli %add3A_425, %mul3A_426 : i32
      %dma_start3A_428 = arith.constant 2 : i32
      %dma_start3A_429 = arith.constant 0 : i32
      %dma_start3A_430 = arith.constant 0 : i32
      %dma_start3A_431 = tpu.memref_slice %arg6[%dma_start3A_428, %dma_start3A_429, %dma_start3A_430] : memref<5x40x128xf32, #tpu.memory_space<vmem>> -> memref<1x40x128xf32, #tpu.memory_space<vmem>>
      %dma_start3A_432 = tpu.memref_squeeze %dma_start3A_431 : memref<1x40x128xf32, #tpu.memory_space<vmem>> -> memref<40x128xf32, #tpu.memory_space<vmem>>
      %dma_start3A_433 = tpu.memref_slice %arg5[%mul3A_427] : memref<5000xi32, #tpu.memory_space<vmem>> -> memref<40xi32, #tpu.memory_space<vmem>>
      %dma_start3A_434 = arith.constant 0 : i32
      %dma_start3A_435 = arith.constant 0 : i32
      %dma_start3A_436 = tpu.memref_slice %arg2[%dma_start3A_434, %dma_start3A_435] : memref<10000x128xf32, #tpu.memory_space<hbm>> -> memref<10000x128xf32, #tpu.memory_space<hbm>>
      tpu.enqueue_indirect_dma source(%dma_start3A_436 : memref<10000x128xf32, #tpu.memory_space<hbm>>) target(%dma_start3A_432 : memref<40x128xf32, #tpu.memory_space<vmem>>) offsets(%dma_start3A_433 : memref<40xi32, #tpu.memory_space<vmem>>) semaphore(%arg9 : memref<!tpu.dma_semaphore, #tpu.memory_space<semaphore_mem>>)
      %mul3A_437 = arith.constant 5 : i32
      %mul3A_438 = arith.muli %mul3A_437, %scan3A_256 : i32
      %add3A_439 = arith.constant 3 : i32
      %add3A_440 = arith.addi %mul3A_438, %add3A_439 : i32
      %mul3A_441 = arith.constant 40 : i32
      %mul3A_442 = arith.muli %add3A_440, %mul3A_441 : i32
      %dma_wait3A_443 = arith.constant 3 : i32
      %dma_wait3A_444 = arith.constant 0 : i32
      %dma_wait3A_445 = arith.constant 0 : i32
      %dma_wait3A_446 = tpu.memref_slice %arg6[%dma_wait3A_443, %dma_wait3A_444, %dma_wait3A_445] : memref<5x40x128xf32, #tpu.memory_space<vmem>> -> memref<1x40x128xf32, #tpu.memory_space<vmem>>
      %dma_wait3A_447 = tpu.memref_squeeze %dma_wait3A_446 : memref<1x40x128xf32, #tpu.memory_space<vmem>> -> memref<40x128xf32, #tpu.memory_space<vmem>>
      %dma_wait3A_448 = tpu.memref_slice %arg5[%mul3A_442] : memref<5000xi32, #tpu.memory_space<vmem>> -> memref<40xi32, #tpu.memory_space<vmem>>
      %dma_wait3A_449 = arith.constant 0 : i32
      %dma_wait3A_450 = arith.constant 0 : i32
      %dma_wait3A_451 = tpu.memref_slice %arg2[%dma_wait3A_449, %dma_wait3A_450] : memref<10000x128xf32, #tpu.memory_space<hbm>> -> memref<10000x128xf32, #tpu.memory_space<hbm>>
      tpu.wait_indirect_dma semaphore(%arg10 : memref<!tpu.dma_semaphore, #tpu.memory_space<semaphore_mem>>) src(%dma_wait3A_451 : memref<10000x128xf32, #tpu.memory_space<hbm>>) dst(%dma_wait3A_447 : memref<40x128xf32, #tpu.memory_space<vmem>>)
      %mul3A_452 = arith.constant 40 : i32
      %mul3A_453 = arith.muli %add3A_440, %mul3A_452 : i32
      %add3A_454 = arith.addi %mul3A_2, %mul3A_453 : i32
      %dma_start3A_455 = arith.constant 3 : i32
      %dma_start3A_456 = arith.constant 0 : i32
      %dma_start3A_457 = arith.constant 0 : i32
      %dma_start3A_458 = tpu.memref_slice %arg6[%dma_start3A_455, %dma_start3A_456, %dma_start3A_457] : memref<5x40x128xf32, #tpu.memory_space<vmem>> -> memref<1x40x128xf32, #tpu.memory_space<vmem>>
      %dma_start3A_459 = tpu.memref_squeeze %dma_start3A_458 : memref<1x40x128xf32, #tpu.memory_space<vmem>> -> memref<40x128xf32, #tpu.memory_space<vmem>>
      %dma_start3A_460 = arith.constant 0 : i32
      %dma_start3A_461 = tpu.memref_slice %arg4[%add3A_454, %dma_start3A_460] : memref<160000x128xf32, #tpu.memory_space<hbm>> -> memref<40x128xf32, #tpu.memory_space<hbm>>
      %dma_start3A_462 = arith.constant 0 : i32
      %dma_start3A_463 = tpu.memref_slice %arg4[%add3A_454, %dma_start3A_462] : memref<160000x128xf32, #tpu.memory_space<hbm>> -> memref<40x128xf32, #tpu.memory_space<hbm>>
      %dma_start3A_464 = arith.constant 0 : i32
      %dma_start3A_465 = arith.constant 0 : i32
      %dma_start3A_466 = tpu.memref_slice %arg6[%dma_start3A_455, %dma_start3A_464, %dma_start3A_465] : memref<5x40x128xf32, #tpu.memory_space<vmem>> -> memref<1x40x128xf32, #tpu.memory_space<vmem>>
      %dma_start3A_467 = tpu.memref_squeeze %dma_start3A_466 : memref<1x40x128xf32, #tpu.memory_space<vmem>> -> memref<40x128xf32, #tpu.memory_space<vmem>>
      tpu.enqueue_dma source(%dma_start3A_467 : memref<40x128xf32, #tpu.memory_space<vmem>>) target(%dma_start3A_463 : memref<40x128xf32, #tpu.memory_space<hbm>>) target_semaphore(%arg15 : memref<!tpu.dma_semaphore, #tpu.memory_space<semaphore_mem>>)
      %mul3A_468 = arith.constant 40 : i32
      %mul3A_469 = arith.muli %add3A_440, %mul3A_468 : i32
      %add3A_470 = arith.addi %mul3A_2, %mul3A_469 : i32
      %dma_wait3A_471 = arith.constant 3 : i32
      %dma_wait3A_472 = arith.constant 0 : i32
      %dma_wait3A_473 = arith.constant 0 : i32
      %dma_wait3A_474 = tpu.memref_slice %arg6[%dma_wait3A_471, %dma_wait3A_472, %dma_wait3A_473] : memref<5x40x128xf32, #tpu.memory_space<vmem>> -> memref<1x40x128xf32, #tpu.memory_space<vmem>>
      %dma_wait3A_475 = tpu.memref_squeeze %dma_wait3A_474 : memref<1x40x128xf32, #tpu.memory_space<vmem>> -> memref<40x128xf32, #tpu.memory_space<vmem>>
      %dma_wait3A_476 = arith.constant 0 : i32
      %dma_wait3A_477 = tpu.memref_slice %arg4[%add3A_470, %dma_wait3A_476] : memref<160000x128xf32, #tpu.memory_space<hbm>> -> memref<40x128xf32, #tpu.memory_space<hbm>>
      %dma_wait3A_478 = arith.constant 0 : i32
      %dma_wait3A_479 = tpu.memref_slice %arg4[%add3A_470, %dma_wait3A_478] : memref<160000x128xf32, #tpu.memory_space<hbm>> -> memref<40x128xf32, #tpu.memory_space<hbm>>
      %dma_wait3A_480 = arith.constant 0 : i32
      %dma_wait3A_481 = arith.constant 0 : i32
      %dma_wait3A_482 = tpu.memref_slice %arg6[%dma_wait3A_471, %dma_wait3A_480, %dma_wait3A_481] : memref<5x40x128xf32, #tpu.memory_space<vmem>> -> memref<1x40x128xf32, #tpu.memory_space<vmem>>
      %dma_wait3A_483 = tpu.memref_squeeze %dma_wait3A_482 : memref<1x40x128xf32, #tpu.memory_space<vmem>> -> memref<40x128xf32, #tpu.memory_space<vmem>>
      tpu.wait_dma2 semaphore(%arg15 : memref<!tpu.dma_semaphore, #tpu.memory_space<semaphore_mem>>) src(%dma_wait3A_483 : memref<40x128xf32, #tpu.memory_space<vmem>>) dst(%dma_wait3A_479 : memref<40x128xf32, #tpu.memory_space<hbm>>)
      %add3A_484 = arith.constant 5 : i32
      %add3A_485 = arith.addi %add3A_440, %add3A_484 : i32
      %mul3A_486 = arith.constant 40 : i32
      %mul3A_487 = arith.muli %add3A_485, %mul3A_486 : i32
      %dma_start3A_488 = arith.constant 3 : i32
      %dma_start3A_489 = arith.constant 0 : i32
      %dma_start3A_490 = arith.constant 0 : i32
      %dma_start3A_491 = tpu.memref_slice %arg6[%dma_start3A_488, %dma_start3A_489, %dma_start3A_490] : memref<5x40x128xf32, #tpu.memory_space<vmem>> -> memref<1x40x128xf32, #tpu.memory_space<vmem>>
      %dma_start3A_492 = tpu.memref_squeeze %dma_start3A_491 : memref<1x40x128xf32, #tpu.memory_space<vmem>> -> memref<40x128xf32, #tpu.memory_space<vmem>>
      %dma_start3A_493 = tpu.memref_slice %arg5[%mul3A_487] : memref<5000xi32, #tpu.memory_space<vmem>> -> memref<40xi32, #tpu.memory_space<vmem>>
      %dma_start3A_494 = arith.constant 0 : i32
      %dma_start3A_495 = arith.constant 0 : i32
      %dma_start3A_496 = tpu.memref_slice %arg2[%dma_start3A_494, %dma_start3A_495] : memref<10000x128xf32, #tpu.memory_space<hbm>> -> memref<10000x128xf32, #tpu.memory_space<hbm>>
      tpu.enqueue_indirect_dma source(%dma_start3A_496 : memref<10000x128xf32, #tpu.memory_space<hbm>>) target(%dma_start3A_492 : memref<40x128xf32, #tpu.memory_space<vmem>>) offsets(%dma_start3A_493 : memref<40xi32, #tpu.memory_space<vmem>>) semaphore(%arg10 : memref<!tpu.dma_semaphore, #tpu.memory_space<semaphore_mem>>)
      %mul3A_497 = arith.constant 5 : i32
      %mul3A_498 = arith.muli %mul3A_497, %scan3A_256 : i32
      %add3A_499 = arith.constant 4 : i32
      %add3A_500 = arith.addi %mul3A_498, %add3A_499 : i32
      %mul3A_501 = arith.constant 40 : i32
      %mul3A_502 = arith.muli %add3A_500, %mul3A_501 : i32
      %dma_wait3A_503 = arith.constant 4 : i32
      %dma_wait3A_504 = arith.constant 0 : i32
      %dma_wait3A_505 = arith.constant 0 : i32
      %dma_wait3A_506 = tpu.memref_slice %arg6[%dma_wait3A_503, %dma_wait3A_504, %dma_wait3A_505] : memref<5x40x128xf32, #tpu.memory_space<vmem>> -> memref<1x40x128xf32, #tpu.memory_space<vmem>>
      %dma_wait3A_507 = tpu.memref_squeeze %dma_wait3A_506 : memref<1x40x128xf32, #tpu.memory_space<vmem>> -> memref<40x128xf32, #tpu.memory_space<vmem>>
      %dma_wait3A_508 = tpu.memref_slice %arg5[%mul3A_502] : memref<5000xi32, #tpu.memory_space<vmem>> -> memref<40xi32, #tpu.memory_space<vmem>>
      %dma_wait3A_509 = arith.constant 0 : i32
      %dma_wait3A_510 = arith.constant 0 : i32
      %dma_wait3A_511 = tpu.memref_slice %arg2[%dma_wait3A_509, %dma_wait3A_510] : memref<10000x128xf32, #tpu.memory_space<hbm>> -> memref<10000x128xf32, #tpu.memory_space<hbm>>
      tpu.wait_indirect_dma semaphore(%arg11 : memref<!tpu.dma_semaphore, #tpu.memory_space<semaphore_mem>>) src(%dma_wait3A_511 : memref<10000x128xf32, #tpu.memory_space<hbm>>) dst(%dma_wait3A_507 : memref<40x128xf32, #tpu.memory_space<vmem>>)
      %mul3A_512 = arith.constant 40 : i32
      %mul3A_513 = arith.muli %add3A_500, %mul3A_512 : i32
      %add3A_514 = arith.addi %mul3A_2, %mul3A_513 : i32
      %dma_start3A_515 = arith.constant 4 : i32
      %dma_start3A_516 = arith.constant 0 : i32
      %dma_start3A_517 = arith.constant 0 : i32
      %dma_start3A_518 = tpu.memref_slice %arg6[%dma_start3A_515, %dma_start3A_516, %dma_start3A_517] : memref<5x40x128xf32, #tpu.memory_space<vmem>> -> memref<1x40x128xf32, #tpu.memory_space<vmem>>
      %dma_start3A_519 = tpu.memref_squeeze %dma_start3A_518 : memref<1x40x128xf32, #tpu.memory_space<vmem>> -> memref<40x128xf32, #tpu.memory_space<vmem>>
      %dma_start3A_520 = arith.constant 0 : i32
      %dma_start3A_521 = tpu.memref_slice %arg4[%add3A_514, %dma_start3A_520] : memref<160000x128xf32, #tpu.memory_space<hbm>> -> memref<40x128xf32, #tpu.memory_space<hbm>>
      %dma_start3A_522 = arith.constant 0 : i32
      %dma_start3A_523 = tpu.memref_slice %arg4[%add3A_514, %dma_start3A_522] : memref<160000x128xf32, #tpu.memory_space<hbm>> -> memref<40x128xf32, #tpu.memory_space<hbm>>
      %dma_start3A_524 = arith.constant 0 : i32
      %dma_start3A_525 = arith.constant 0 : i32
      %dma_start3A_526 = tpu.memref_slice %arg6[%dma_start3A_515, %dma_start3A_524, %dma_start3A_525] : memref<5x40x128xf32, #tpu.memory_space<vmem>> -> memref<1x40x128xf32, #tpu.memory_space<vmem>>
      %dma_start3A_527 = tpu.memref_squeeze %dma_start3A_526 : memref<1x40x128xf32, #tpu.memory_space<vmem>> -> memref<40x128xf32, #tpu.memory_space<vmem>>
      tpu.enqueue_dma source(%dma_start3A_527 : memref<40x128xf32, #tpu.memory_space<vmem>>) target(%dma_start3A_523 : memref<40x128xf32, #tpu.memory_space<hbm>>) target_semaphore(%arg16 : memref<!tpu.dma_semaphore, #tpu.memory_space<semaphore_mem>>)
      %mul3A_528 = arith.constant 40 : i32
      %mul3A_529 = arith.muli %add3A_500, %mul3A_528 : i32
      %add3A_530 = arith.addi %mul3A_2, %mul3A_529 : i32
      %dma_wait3A_531 = arith.constant 4 : i32
      %dma_wait3A_532 = arith.constant 0 : i32
      %dma_wait3A_533 = arith.constant 0 : i32
      %dma_wait3A_534 = tpu.memref_slice %arg6[%dma_wait3A_531, %dma_wait3A_532, %dma_wait3A_533] : memref<5x40x128xf32, #tpu.memory_space<vmem>> -> memref<1x40x128xf32, #tpu.memory_space<vmem>>
      %dma_wait3A_535 = tpu.memref_squeeze %dma_wait3A_534 : memref<1x40x128xf32, #tpu.memory_space<vmem>> -> memref<40x128xf32, #tpu.memory_space<vmem>>
      %dma_wait3A_536 = arith.constant 0 : i32
      %dma_wait3A_537 = tpu.memref_slice %arg4[%add3A_530, %dma_wait3A_536] : memref<160000x128xf32, #tpu.memory_space<hbm>> -> memref<40x128xf32, #tpu.memory_space<hbm>>
      %dma_wait3A_538 = arith.constant 0 : i32
      %dma_wait3A_539 = tpu.memref_slice %arg4[%add3A_530, %dma_wait3A_538] : memref<160000x128xf32, #tpu.memory_space<hbm>> -> memref<40x128xf32, #tpu.memory_space<hbm>>
      %dma_wait3A_540 = arith.constant 0 : i32
      %dma_wait3A_541 = arith.constant 0 : i32
      %dma_wait3A_542 = tpu.memref_slice %arg6[%dma_wait3A_531, %dma_wait3A_540, %dma_wait3A_541] : memref<5x40x128xf32, #tpu.memory_space<vmem>> -> memref<1x40x128xf32, #tpu.memory_space<vmem>>
      %dma_wait3A_543 = tpu.memref_squeeze %dma_wait3A_542 : memref<1x40x128xf32, #tpu.memory_space<vmem>> -> memref<40x128xf32, #tpu.memory_space<vmem>>
      tpu.wait_dma2 semaphore(%arg16 : memref<!tpu.dma_semaphore, #tpu.memory_space<semaphore_mem>>) src(%dma_wait3A_543 : memref<40x128xf32, #tpu.memory_space<vmem>>) dst(%dma_wait3A_539 : memref<40x128xf32, #tpu.memory_space<hbm>>)
      %add3A_544 = arith.constant 5 : i32
      %add3A_545 = arith.addi %add3A_500, %add3A_544 : i32
      %mul3A_546 = arith.constant 40 : i32
      %mul3A_547 = arith.muli %add3A_545, %mul3A_546 : i32
      %dma_start3A_548 = arith.constant 4 : i32
      %dma_start3A_549 = arith.constant 0 : i32
      %dma_start3A_550 = arith.constant 0 : i32
      %dma_start3A_551 = tpu.memref_slice %arg6[%dma_start3A_548, %dma_start3A_549, %dma_start3A_550] : memref<5x40x128xf32, #tpu.memory_space<vmem>> -> memref<1x40x128xf32, #tpu.memory_space<vmem>>
      %dma_start3A_552 = tpu.memref_squeeze %dma_start3A_551 : memref<1x40x128xf32, #tpu.memory_space<vmem>> -> memref<40x128xf32, #tpu.memory_space<vmem>>
      %dma_start3A_553 = tpu.memref_slice %arg5[%mul3A_547] : memref<5000xi32, #tpu.memory_space<vmem>> -> memref<40xi32, #tpu.memory_space<vmem>>
      %dma_start3A_554 = arith.constant 0 : i32
      %dma_start3A_555 = arith.constant 0 : i32
      %dma_start3A_556 = tpu.memref_slice %arg2[%dma_start3A_554, %dma_start3A_555] : memref<10000x128xf32, #tpu.memory_space<hbm>> -> memref<10000x128xf32, #tpu.memory_space<hbm>>
      tpu.enqueue_indirect_dma source(%dma_start3A_556 : memref<10000x128xf32, #tpu.memory_space<hbm>>) target(%dma_start3A_552 : memref<40x128xf32, #tpu.memory_space<vmem>>) offsets(%dma_start3A_553 : memref<40xi32, #tpu.memory_space<vmem>>) semaphore(%arg11 : memref<!tpu.dma_semaphore, #tpu.memory_space<semaphore_mem>>)
    }
    %scan3A_56 = arith.constant 24 : i32
    %dma_wait3A = arith.constant 0 : i32
    %dma_wait3A_57 = arith.constant 0 : i32
    %dma_wait3A_58 = arith.constant 0 : i32
    %dma_wait3A_59 = tpu.memref_slice %arg6[%dma_wait3A, %dma_wait3A_57, %dma_wait3A_58] : memref<5x40x128xf32, #tpu.memory_space<vmem>> -> memref<1x40x128xf32, #tpu.memory_space<vmem>>
    %dma_wait3A_60 = tpu.memref_squeeze %dma_wait3A_59 : memref<1x40x128xf32, #tpu.memory_space<vmem>> -> memref<40x128xf32, #tpu.memory_space<vmem>>
    %dma_wait3A_61 = arith.constant 4800 : i32
    %dma_wait3A_62 = tpu.memref_slice %arg5[%dma_wait3A_61] : memref<5000xi32, #tpu.memory_space<vmem>> -> memref<40xi32, #tpu.memory_space<vmem>>
    %dma_wait3A_63 = arith.constant 0 : i32
    %dma_wait3A_64 = arith.constant 0 : i32
    %dma_wait3A_65 = tpu.memref_slice %arg2[%dma_wait3A_63, %dma_wait3A_64] : memref<10000x128xf32, #tpu.memory_space<hbm>> -> memref<10000x128xf32, #tpu.memory_space<hbm>>
    tpu.wait_indirect_dma semaphore(%arg7 : memref<!tpu.dma_semaphore, #tpu.memory_space<semaphore_mem>>) src(%dma_wait3A_65 : memref<10000x128xf32, #tpu.memory_space<hbm>>) dst(%dma_wait3A_60 : memref<40x128xf32, #tpu.memory_space<vmem>>)
    %add3A_66 = arith.constant 4800 : i32
    %add3A_67 = arith.addi %mul3A_2, %add3A_66 : i32
    %dma_start3A_68 = arith.constant 0 : i32
    %dma_start3A_69 = arith.constant 0 : i32
    %dma_start3A_70 = arith.constant 0 : i32
    %dma_start3A_71 = tpu.memref_slice %arg6[%dma_start3A_68, %dma_start3A_69, %dma_start3A_70] : memref<5x40x128xf32, #tpu.memory_space<vmem>> -> memref<1x40x128xf32, #tpu.memory_space<vmem>>
    %dma_start3A_72 = tpu.memref_squeeze %dma_start3A_71 : memref<1x40x128xf32, #tpu.memory_space<vmem>> -> memref<40x128xf32, #tpu.memory_space<vmem>>
    %dma_start3A_73 = arith.constant 0 : i32
    %dma_start3A_74 = tpu.memref_slice %arg4[%add3A_67, %dma_start3A_73] : memref<160000x128xf32, #tpu.memory_space<hbm>> -> memref<40x128xf32, #tpu.memory_space<hbm>>
    %dma_start3A_75 = arith.constant 0 : i32
    %dma_start3A_76 = tpu.memref_slice %arg4[%add3A_67, %dma_start3A_75] : memref<160000x128xf32, #tpu.memory_space<hbm>> -> memref<40x128xf32, #tpu.memory_space<hbm>>
    %dma_start3A_77 = arith.constant 0 : i32
    %dma_start3A_78 = arith.constant 0 : i32
    %dma_start3A_79 = tpu.memref_slice %arg6[%dma_start3A_68, %dma_start3A_77, %dma_start3A_78] : memref<5x40x128xf32, #tpu.memory_space<vmem>> -> memref<1x40x128xf32, #tpu.memory_space<vmem>>
    %dma_start3A_80 = tpu.memref_squeeze %dma_start3A_79 : memref<1x40x128xf32, #tpu.memory_space<vmem>> -> memref<40x128xf32, #tpu.memory_space<vmem>>
    tpu.enqueue_dma source(%dma_start3A_80 : memref<40x128xf32, #tpu.memory_space<vmem>>) target(%dma_start3A_76 : memref<40x128xf32, #tpu.memory_space<hbm>>) target_semaphore(%arg12 : memref<!tpu.dma_semaphore, #tpu.memory_space<semaphore_mem>>)
    %add3A_81 = arith.constant 4800 : i32
    %add3A_82 = arith.addi %mul3A_2, %add3A_81 : i32
    %dma_wait3A_83 = arith.constant 0 : i32
    %dma_wait3A_84 = arith.constant 0 : i32
    %dma_wait3A_85 = arith.constant 0 : i32
    %dma_wait3A_86 = tpu.memref_slice %arg6[%dma_wait3A_83, %dma_wait3A_84, %dma_wait3A_85] : memref<5x40x128xf32, #tpu.memory_space<vmem>> -> memref<1x40x128xf32, #tpu.memory_space<vmem>>
    %dma_wait3A_87 = tpu.memref_squeeze %dma_wait3A_86 : memref<1x40x128xf32, #tpu.memory_space<vmem>> -> memref<40x128xf32, #tpu.memory_space<vmem>>
    %dma_wait3A_88 = arith.constant 0 : i32
    %dma_wait3A_89 = tpu.memref_slice %arg4[%add3A_82, %dma_wait3A_88] : memref<160000x128xf32, #tpu.memory_space<hbm>> -> memref<40x128xf32, #tpu.memory_space<hbm>>
    %dma_wait3A_90 = arith.constant 0 : i32
    %dma_wait3A_91 = tpu.memref_slice %arg4[%add3A_82, %dma_wait3A_90] : memref<160000x128xf32, #tpu.memory_space<hbm>> -> memref<40x128xf32, #tpu.memory_space<hbm>>
    %dma_wait3A_92 = arith.constant 0 : i32
    %dma_wait3A_93 = arith.constant 0 : i32
    %dma_wait3A_94 = tpu.memref_slice %arg6[%dma_wait3A_83, %dma_wait3A_92, %dma_wait3A_93] : memref<5x40x128xf32, #tpu.memory_space<vmem>> -> memref<1x40x128xf32, #tpu.memory_space<vmem>>
    %dma_wait3A_95 = tpu.memref_squeeze %dma_wait3A_94 : memref<1x40x128xf32, #tpu.memory_space<vmem>> -> memref<40x128xf32, #tpu.memory_space<vmem>>
    tpu.wait_dma2 semaphore(%arg12 : memref<!tpu.dma_semaphore, #tpu.memory_space<semaphore_mem>>) src(%dma_wait3A_95 : memref<40x128xf32, #tpu.memory_space<vmem>>) dst(%dma_wait3A_91 : memref<40x128xf32, #tpu.memory_space<hbm>>)
    %dma_wait3A_96 = arith.constant 1 : i32
    %dma_wait3A_97 = arith.constant 0 : i32
    %dma_wait3A_98 = arith.constant 0 : i32
    %dma_wait3A_99 = tpu.memref_slice %arg6[%dma_wait3A_96, %dma_wait3A_97, %dma_wait3A_98] : memref<5x40x128xf32, #tpu.memory_space<vmem>> -> memref<1x40x128xf32, #tpu.memory_space<vmem>>
    %dma_wait3A_100 = tpu.memref_squeeze %dma_wait3A_99 : memref<1x40x128xf32, #tpu.memory_space<vmem>> -> memref<40x128xf32, #tpu.memory_space<vmem>>
    %dma_wait3A_101 = arith.constant 4840 : i32
    %dma_wait3A_102 = tpu.memref_slice %arg5[%dma_wait3A_101] : memref<5000xi32, #tpu.memory_space<vmem>> -> memref<40xi32, #tpu.memory_space<vmem>>
    %dma_wait3A_103 = arith.constant 0 : i32
    %dma_wait3A_104 = arith.constant 0 : i32
    %dma_wait3A_105 = tpu.memref_slice %arg2[%dma_wait3A_103, %dma_wait3A_104] : memref<10000x128xf32, #tpu.memory_space<hbm>> -> memref<10000x128xf32, #tpu.memory_space<hbm>>
    tpu.wait_indirect_dma semaphore(%arg8 : memref<!tpu.dma_semaphore, #tpu.memory_space<semaphore_mem>>) src(%dma_wait3A_105 : memref<10000x128xf32, #tpu.memory_space<hbm>>) dst(%dma_wait3A_100 : memref<40x128xf32, #tpu.memory_space<vmem>>)
    %add3A_106 = arith.constant 4840 : i32
    %add3A_107 = arith.addi %mul3A_2, %add3A_106 : i32
    %dma_start3A_108 = arith.constant 1 : i32
    %dma_start3A_109 = arith.constant 0 : i32
    %dma_start3A_110 = arith.constant 0 : i32
    %dma_start3A_111 = tpu.memref_slice %arg6[%dma_start3A_108, %dma_start3A_109, %dma_start3A_110] : memref<5x40x128xf32, #tpu.memory_space<vmem>> -> memref<1x40x128xf32, #tpu.memory_space<vmem>>
    %dma_start3A_112 = tpu.memref_squeeze %dma_start3A_111 : memref<1x40x128xf32, #tpu.memory_space<vmem>> -> memref<40x128xf32, #tpu.memory_space<vmem>>
    %dma_start3A_113 = arith.constant 0 : i32
    %dma_start3A_114 = tpu.memref_slice %arg4[%add3A_107, %dma_start3A_113] : memref<160000x128xf32, #tpu.memory_space<hbm>> -> memref<40x128xf32, #tpu.memory_space<hbm>>
    %dma_start3A_115 = arith.constant 0 : i32
    %dma_start3A_116 = tpu.memref_slice %arg4[%add3A_107, %dma_start3A_115] : memref<160000x128xf32, #tpu.memory_space<hbm>> -> memref<40x128xf32, #tpu.memory_space<hbm>>
    %dma_start3A_117 = arith.constant 0 : i32
    %dma_start3A_118 = arith.constant 0 : i32
    %dma_start3A_119 = tpu.memref_slice %arg6[%dma_start3A_108, %dma_start3A_117, %dma_start3A_118] : memref<5x40x128xf32, #tpu.memory_space<vmem>> -> memref<1x40x128xf32, #tpu.memory_space<vmem>>
    %dma_start3A_120 = tpu.memref_squeeze %dma_start3A_119 : memref<1x40x128xf32, #tpu.memory_space<vmem>> -> memref<40x128xf32, #tpu.memory_space<vmem>>
    tpu.enqueue_dma source(%dma_start3A_120 : memref<40x128xf32, #tpu.memory_space<vmem>>) target(%dma_start3A_116 : memref<40x128xf32, #tpu.memory_space<hbm>>) target_semaphore(%arg13 : memref<!tpu.dma_semaphore, #tpu.memory_space<semaphore_mem>>)
    %add3A_121 = arith.constant 4840 : i32
    %add3A_122 = arith.addi %mul3A_2, %add3A_121 : i32
    %dma_wait3A_123 = arith.constant 1 : i32
    %dma_wait3A_124 = arith.constant 0 : i32
    %dma_wait3A_125 = arith.constant 0 : i32
    %dma_wait3A_126 = tpu.memref_slice %arg6[%dma_wait3A_123, %dma_wait3A_124, %dma_wait3A_125] : memref<5x40x128xf32, #tpu.memory_space<vmem>> -> memref<1x40x128xf32, #tpu.memory_space<vmem>>
    %dma_wait3A_127 = tpu.memref_squeeze %dma_wait3A_126 : memref<1x40x128xf32, #tpu.memory_space<vmem>> -> memref<40x128xf32, #tpu.memory_space<vmem>>
    %dma_wait3A_128 = arith.constant 0 : i32
    %dma_wait3A_129 = tpu.memref_slice %arg4[%add3A_122, %dma_wait3A_128] : memref<160000x128xf32, #tpu.memory_space<hbm>> -> memref<40x128xf32, #tpu.memory_space<hbm>>
    %dma_wait3A_130 = arith.constant 0 : i32
    %dma_wait3A_131 = tpu.memref_slice %arg4[%add3A_122, %dma_wait3A_130] : memref<160000x128xf32, #tpu.memory_space<hbm>> -> memref<40x128xf32, #tpu.memory_space<hbm>>
    %dma_wait3A_132 = arith.constant 0 : i32
    %dma_wait3A_133 = arith.constant 0 : i32
    %dma_wait3A_134 = tpu.memref_slice %arg6[%dma_wait3A_123, %dma_wait3A_132, %dma_wait3A_133] : memref<5x40x128xf32, #tpu.memory_space<vmem>> -> memref<1x40x128xf32, #tpu.memory_space<vmem>>
    %dma_wait3A_135 = tpu.memref_squeeze %dma_wait3A_134 : memref<1x40x128xf32, #tpu.memory_space<vmem>> -> memref<40x128xf32, #tpu.memory_space<vmem>>
    tpu.wait_dma2 semaphore(%arg13 : memref<!tpu.dma_semaphore, #tpu.memory_space<semaphore_mem>>) src(%dma_wait3A_135 : memref<40x128xf32, #tpu.memory_space<vmem>>) dst(%dma_wait3A_131 : memref<40x128xf32, #tpu.memory_space<hbm>>)
    %dma_wait3A_136 = arith.constant 2 : i32
    %dma_wait3A_137 = arith.constant 0 : i32
    %dma_wait3A_138 = arith.constant 0 : i32
    %dma_wait3A_139 = tpu.memref_slice %arg6[%dma_wait3A_136, %dma_wait3A_137, %dma_wait3A_138] : memref<5x40x128xf32, #tpu.memory_space<vmem>> -> memref<1x40x128xf32, #tpu.memory_space<vmem>>
    %dma_wait3A_140 = tpu.memref_squeeze %dma_wait3A_139 : memref<1x40x128xf32, #tpu.memory_space<vmem>> -> memref<40x128xf32, #tpu.memory_space<vmem>>
    %dma_wait3A_141 = arith.constant 4880 : i32
    %dma_wait3A_142 = tpu.memref_slice %arg5[%dma_wait3A_141] : memref<5000xi32, #tpu.memory_space<vmem>> -> memref<40xi32, #tpu.memory_space<vmem>>
    %dma_wait3A_143 = arith.constant 0 : i32
    %dma_wait3A_144 = arith.constant 0 : i32
    %dma_wait3A_145 = tpu.memref_slice %arg2[%dma_wait3A_143, %dma_wait3A_144] : memref<10000x128xf32, #tpu.memory_space<hbm>> -> memref<10000x128xf32, #tpu.memory_space<hbm>>
    tpu.wait_indirect_dma semaphore(%arg9 : memref<!tpu.dma_semaphore, #tpu.memory_space<semaphore_mem>>) src(%dma_wait3A_145 : memref<10000x128xf32, #tpu.memory_space<hbm>>) dst(%dma_wait3A_140 : memref<40x128xf32, #tpu.memory_space<vmem>>)
    %add3A_146 = arith.constant 4880 : i32
    %add3A_147 = arith.addi %mul3A_2, %add3A_146 : i32
    %dma_start3A_148 = arith.constant 2 : i32
    %dma_start3A_149 = arith.constant 0 : i32
    %dma_start3A_150 = arith.constant 0 : i32
    %dma_start3A_151 = tpu.memref_slice %arg6[%dma_start3A_148, %dma_start3A_149, %dma_start3A_150] : memref<5x40x128xf32, #tpu.memory_space<vmem>> -> memref<1x40x128xf32, #tpu.memory_space<vmem>>
    %dma_start3A_152 = tpu.memref_squeeze %dma_start3A_151 : memref<1x40x128xf32, #tpu.memory_space<vmem>> -> memref<40x128xf32, #tpu.memory_space<vmem>>
    %dma_start3A_153 = arith.constant 0 : i32
    %dma_start3A_154 = tpu.memref_slice %arg4[%add3A_147, %dma_start3A_153] : memref<160000x128xf32, #tpu.memory_space<hbm>> -> memref<40x128xf32, #tpu.memory_space<hbm>>
    %dma_start3A_155 = arith.constant 0 : i32
    %dma_start3A_156 = tpu.memref_slice %arg4[%add3A_147, %dma_start3A_155] : memref<160000x128xf32, #tpu.memory_space<hbm>> -> memref<40x128xf32, #tpu.memory_space<hbm>>
    %dma_start3A_157 = arith.constant 0 : i32
    %dma_start3A_158 = arith.constant 0 : i32
    %dma_start3A_159 = tpu.memref_slice %arg6[%dma_start3A_148, %dma_start3A_157, %dma_start3A_158] : memref<5x40x128xf32, #tpu.memory_space<vmem>> -> memref<1x40x128xf32, #tpu.memory_space<vmem>>
    %dma_start3A_160 = tpu.memref_squeeze %dma_start3A_159 : memref<1x40x128xf32, #tpu.memory_space<vmem>> -> memref<40x128xf32, #tpu.memory_space<vmem>>
    tpu.enqueue_dma source(%dma_start3A_160 : memref<40x128xf32, #tpu.memory_space<vmem>>) target(%dma_start3A_156 : memref<40x128xf32, #tpu.memory_space<hbm>>) target_semaphore(%arg14 : memref<!tpu.dma_semaphore, #tpu.memory_space<semaphore_mem>>)
    %add3A_161 = arith.constant 4880 : i32
    %add3A_162 = arith.addi %mul3A_2, %add3A_161 : i32
    %dma_wait3A_163 = arith.constant 2 : i32
    %dma_wait3A_164 = arith.constant 0 : i32
    %dma_wait3A_165 = arith.constant 0 : i32
    %dma_wait3A_166 = tpu.memref_slice %arg6[%dma_wait3A_163, %dma_wait3A_164, %dma_wait3A_165] : memref<5x40x128xf32, #tpu.memory_space<vmem>> -> memref<1x40x128xf32, #tpu.memory_space<vmem>>
    %dma_wait3A_167 = tpu.memref_squeeze %dma_wait3A_166 : memref<1x40x128xf32, #tpu.memory_space<vmem>> -> memref<40x128xf32, #tpu.memory_space<vmem>>
    %dma_wait3A_168 = arith.constant 0 : i32
    %dma_wait3A_169 = tpu.memref_slice %arg4[%add3A_162, %dma_wait3A_168] : memref<160000x128xf32, #tpu.memory_space<hbm>> -> memref<40x128xf32, #tpu.memory_space<hbm>>
    %dma_wait3A_170 = arith.constant 0 : i32
    %dma_wait3A_171 = tpu.memref_slice %arg4[%add3A_162, %dma_wait3A_170] : memref<160000x128xf32, #tpu.memory_space<hbm>> -> memref<40x128xf32, #tpu.memory_space<hbm>>
    %dma_wait3A_172 = arith.constant 0 : i32
    %dma_wait3A_173 = arith.constant 0 : i32
    %dma_wait3A_174 = tpu.memref_slice %arg6[%dma_wait3A_163, %dma_wait3A_172, %dma_wait3A_173] : memref<5x40x128xf32, #tpu.memory_space<vmem>> -> memref<1x40x128xf32, #tpu.memory_space<vmem>>
    %dma_wait3A_175 = tpu.memref_squeeze %dma_wait3A_174 : memref<1x40x128xf32, #tpu.memory_space<vmem>> -> memref<40x128xf32, #tpu.memory_space<vmem>>
    tpu.wait_dma2 semaphore(%arg14 : memref<!tpu.dma_semaphore, #tpu.memory_space<semaphore_mem>>) src(%dma_wait3A_175 : memref<40x128xf32, #tpu.memory_space<vmem>>) dst(%dma_wait3A_171 : memref<40x128xf32, #tpu.memory_space<hbm>>)
    %dma_wait3A_176 = arith.constant 3 : i32
    %dma_wait3A_177 = arith.constant 0 : i32
    %dma_wait3A_178 = arith.constant 0 : i32
    %dma_wait3A_179 = tpu.memref_slice %arg6[%dma_wait3A_176, %dma_wait3A_177, %dma_wait3A_178] : memref<5x40x128xf32, #tpu.memory_space<vmem>> -> memref<1x40x128xf32, #tpu.memory_space<vmem>>
    %dma_wait3A_180 = tpu.memref_squeeze %dma_wait3A_179 : memref<1x40x128xf32, #tpu.memory_space<vmem>> -> memref<40x128xf32, #tpu.memory_space<vmem>>
    %dma_wait3A_181 = arith.constant 4920 : i32
    %dma_wait3A_182 = tpu.memref_slice %arg5[%dma_wait3A_181] : memref<5000xi32, #tpu.memory_space<vmem>> -> memref<40xi32, #tpu.memory_space<vmem>>
    %dma_wait3A_183 = arith.constant 0 : i32
    %dma_wait3A_184 = arith.constant 0 : i32
    %dma_wait3A_185 = tpu.memref_slice %arg2[%dma_wait3A_183, %dma_wait3A_184] : memref<10000x128xf32, #tpu.memory_space<hbm>> -> memref<10000x128xf32, #tpu.memory_space<hbm>>
    tpu.wait_indirect_dma semaphore(%arg10 : memref<!tpu.dma_semaphore, #tpu.memory_space<semaphore_mem>>) src(%dma_wait3A_185 : memref<10000x128xf32, #tpu.memory_space<hbm>>) dst(%dma_wait3A_180 : memref<40x128xf32, #tpu.memory_space<vmem>>)
    %add3A_186 = arith.constant 4920 : i32
    %add3A_187 = arith.addi %mul3A_2, %add3A_186 : i32
    %dma_start3A_188 = arith.constant 3 : i32
    %dma_start3A_189 = arith.constant 0 : i32
    %dma_start3A_190 = arith.constant 0 : i32
    %dma_start3A_191 = tpu.memref_slice %arg6[%dma_start3A_188, %dma_start3A_189, %dma_start3A_190] : memref<5x40x128xf32, #tpu.memory_space<vmem>> -> memref<1x40x128xf32, #tpu.memory_space<vmem>>
    %dma_start3A_192 = tpu.memref_squeeze %dma_start3A_191 : memref<1x40x128xf32, #tpu.memory_space<vmem>> -> memref<40x128xf32, #tpu.memory_space<vmem>>
    %dma_start3A_193 = arith.constant 0 : i32
    %dma_start3A_194 = tpu.memref_slice %arg4[%add3A_187, %dma_start3A_193] : memref<160000x128xf32, #tpu.memory_space<hbm>> -> memref<40x128xf32, #tpu.memory_space<hbm>>
    %dma_start3A_195 = arith.constant 0 : i32
    %dma_start3A_196 = tpu.memref_slice %arg4[%add3A_187, %dma_start3A_195] : memref<160000x128xf32, #tpu.memory_space<hbm>> -> memref<40x128xf32, #tpu.memory_space<hbm>>
    %dma_start3A_197 = arith.constant 0 : i32
    %dma_start3A_198 = arith.constant 0 : i32
    %dma_start3A_199 = tpu.memref_slice %arg6[%dma_start3A_188, %dma_start3A_197, %dma_start3A_198] : memref<5x40x128xf32, #tpu.memory_space<vmem>> -> memref<1x40x128xf32, #tpu.memory_space<vmem>>
    %dma_start3A_200 = tpu.memref_squeeze %dma_start3A_199 : memref<1x40x128xf32, #tpu.memory_space<vmem>> -> memref<40x128xf32, #tpu.memory_space<vmem>>
    tpu.enqueue_dma source(%dma_start3A_200 : memref<40x128xf32, #tpu.memory_space<vmem>>) target(%dma_start3A_196 : memref<40x128xf32, #tpu.memory_space<hbm>>) target_semaphore(%arg15 : memref<!tpu.dma_semaphore, #tpu.memory_space<semaphore_mem>>)
    %add3A_201 = arith.constant 4920 : i32
    %add3A_202 = arith.addi %mul3A_2, %add3A_201 : i32
    %dma_wait3A_203 = arith.constant 3 : i32
    %dma_wait3A_204 = arith.constant 0 : i32
    %dma_wait3A_205 = arith.constant 0 : i32
    %dma_wait3A_206 = tpu.memref_slice %arg6[%dma_wait3A_203, %dma_wait3A_204, %dma_wait3A_205] : memref<5x40x128xf32, #tpu.memory_space<vmem>> -> memref<1x40x128xf32, #tpu.memory_space<vmem>>
    %dma_wait3A_207 = tpu.memref_squeeze %dma_wait3A_206 : memref<1x40x128xf32, #tpu.memory_space<vmem>> -> memref<40x128xf32, #tpu.memory_space<vmem>>
    %dma_wait3A_208 = arith.constant 0 : i32
    %dma_wait3A_209 = tpu.memref_slice %arg4[%add3A_202, %dma_wait3A_208] : memref<160000x128xf32, #tpu.memory_space<hbm>> -> memref<40x128xf32, #tpu.memory_space<hbm>>
    %dma_wait3A_210 = arith.constant 0 : i32
    %dma_wait3A_211 = tpu.memref_slice %arg4[%add3A_202, %dma_wait3A_210] : memref<160000x128xf32, #tpu.memory_space<hbm>> -> memref<40x128xf32, #tpu.memory_space<hbm>>
    %dma_wait3A_212 = arith.constant 0 : i32
    %dma_wait3A_213 = arith.constant 0 : i32
    %dma_wait3A_214 = tpu.memref_slice %arg6[%dma_wait3A_203, %dma_wait3A_212, %dma_wait3A_213] : memref<5x40x128xf32, #tpu.memory_space<vmem>> -> memref<1x40x128xf32, #tpu.memory_space<vmem>>
    %dma_wait3A_215 = tpu.memref_squeeze %dma_wait3A_214 : memref<1x40x128xf32, #tpu.memory_space<vmem>> -> memref<40x128xf32, #tpu.memory_space<vmem>>
    tpu.wait_dma2 semaphore(%arg15 : memref<!tpu.dma_semaphore, #tpu.memory_space<semaphore_mem>>) src(%dma_wait3A_215 : memref<40x128xf32, #tpu.memory_space<vmem>>) dst(%dma_wait3A_211 : memref<40x128xf32, #tpu.memory_space<hbm>>)
    %dma_wait3A_216 = arith.constant 4 : i32
    %dma_wait3A_217 = arith.constant 0 : i32
    %dma_wait3A_218 = arith.constant 0 : i32
    %dma_wait3A_219 = tpu.memref_slice %arg6[%dma_wait3A_216, %dma_wait3A_217, %dma_wait3A_218] : memref<5x40x128xf32, #tpu.memory_space<vmem>> -> memref<1x40x128xf32, #tpu.memory_space<vmem>>
    %dma_wait3A_220 = tpu.memref_squeeze %dma_wait3A_219 : memref<1x40x128xf32, #tpu.memory_space<vmem>> -> memref<40x128xf32, #tpu.memory_space<vmem>>
    %dma_wait3A_221 = arith.constant 4960 : i32
    %dma_wait3A_222 = tpu.memref_slice %arg5[%dma_wait3A_221] : memref<5000xi32, #tpu.memory_space<vmem>> -> memref<40xi32, #tpu.memory_space<vmem>>
    %dma_wait3A_223 = arith.constant 0 : i32
    %dma_wait3A_224 = arith.constant 0 : i32
    %dma_wait3A_225 = tpu.memref_slice %arg2[%dma_wait3A_223, %dma_wait3A_224] : memref<10000x128xf32, #tpu.memory_space<hbm>> -> memref<10000x128xf32, #tpu.memory_space<hbm>>
    tpu.wait_indirect_dma semaphore(%arg11 : memref<!tpu.dma_semaphore, #tpu.memory_space<semaphore_mem>>) src(%dma_wait3A_225 : memref<10000x128xf32, #tpu.memory_space<hbm>>) dst(%dma_wait3A_220 : memref<40x128xf32, #tpu.memory_space<vmem>>)
    %add3A_226 = arith.constant 4960 : i32
    %add3A_227 = arith.addi %mul3A_2, %add3A_226 : i32
    %dma_start3A_228 = arith.constant 4 : i32
    %dma_start3A_229 = arith.constant 0 : i32
    %dma_start3A_230 = arith.constant 0 : i32
    %dma_start3A_231 = tpu.memref_slice %arg6[%dma_start3A_228, %dma_start3A_229, %dma_start3A_230] : memref<5x40x128xf32, #tpu.memory_space<vmem>> -> memref<1x40x128xf32, #tpu.memory_space<vmem>>
    %dma_start3A_232 = tpu.memref_squeeze %dma_start3A_231 : memref<1x40x128xf32, #tpu.memory_space<vmem>> -> memref<40x128xf32, #tpu.memory_space<vmem>>
    %dma_start3A_233 = arith.constant 0 : i32
    %dma_start3A_234 = tpu.memref_slice %arg4[%add3A_227, %dma_start3A_233] : memref<160000x128xf32, #tpu.memory_space<hbm>> -> memref<40x128xf32, #tpu.memory_space<hbm>>
    %dma_start3A_235 = arith.constant 0 : i32
    %dma_start3A_236 = tpu.memref_slice %arg4[%add3A_227, %dma_start3A_235] : memref<160000x128xf32, #tpu.memory_space<hbm>> -> memref<40x128xf32, #tpu.memory_space<hbm>>
    %dma_start3A_237 = arith.constant 0 : i32
    %dma_start3A_238 = arith.constant 0 : i32
    %dma_start3A_239 = tpu.memref_slice %arg6[%dma_start3A_228, %dma_start3A_237, %dma_start3A_238] : memref<5x40x128xf32, #tpu.memory_space<vmem>> -> memref<1x40x128xf32, #tpu.memory_space<vmem>>
    %dma_start3A_240 = tpu.memref_squeeze %dma_start3A_239 : memref<1x40x128xf32, #tpu.memory_space<vmem>> -> memref<40x128xf32, #tpu.memory_space<vmem>>
    tpu.enqueue_dma source(%dma_start3A_240 : memref<40x128xf32, #tpu.memory_space<vmem>>) target(%dma_start3A_236 : memref<40x128xf32, #tpu.memory_space<hbm>>) target_semaphore(%arg16 : memref<!tpu.dma_semaphore, #tpu.memory_space<semaphore_mem>>)
    %add3A_241 = arith.constant 4960 : i32
    %add3A_242 = arith.addi %mul3A_2, %add3A_241 : i32
    %dma_wait3A_243 = arith.constant 4 : i32
    %dma_wait3A_244 = arith.constant 0 : i32
    %dma_wait3A_245 = arith.constant 0 : i32
    %dma_wait3A_246 = tpu.memref_slice %arg6[%dma_wait3A_243, %dma_wait3A_244, %dma_wait3A_245] : memref<5x40x128xf32, #tpu.memory_space<vmem>> -> memref<1x40x128xf32, #tpu.memory_space<vmem>>
    %dma_wait3A_247 = tpu.memref_squeeze %dma_wait3A_246 : memref<1x40x128xf32, #tpu.memory_space<vmem>> -> memref<40x128xf32, #tpu.memory_space<vmem>>
    %dma_wait3A_248 = arith.constant 0 : i32
    %dma_wait3A_249 = tpu.memref_slice %arg4[%add3A_242, %dma_wait3A_248] : memref<160000x128xf32, #tpu.memory_space<hbm>> -> memref<40x128xf32, #tpu.memory_space<hbm>>
    %dma_wait3A_250 = arith.constant 0 : i32
    %dma_wait3A_251 = tpu.memref_slice %arg4[%add3A_242, %dma_wait3A_250] : memref<160000x128xf32, #tpu.memory_space<hbm>> -> memref<40x128xf32, #tpu.memory_space<hbm>>
    %dma_wait3A_252 = arith.constant 0 : i32
    %dma_wait3A_253 = arith.constant 0 : i32
    %dma_wait3A_254 = tpu.memref_slice %arg6[%dma_wait3A_243, %dma_wait3A_252, %dma_wait3A_253] : memref<5x40x128xf32, #tpu.memory_space<vmem>> -> memref<1x40x128xf32, #tpu.memory_space<vmem>>
    %dma_wait3A_255 = tpu.memref_squeeze %dma_wait3A_254 : memref<1x40x128xf32, #tpu.memory_space<vmem>> -> memref<40x128xf32, #tpu.memory_space<vmem>>
    tpu.wait_dma2 semaphore(%arg16 : memref<!tpu.dma_semaphore, #tpu.memory_space<semaphore_mem>>) src(%dma_wait3A_255 : memref<40x128xf32, #tpu.memory_space<vmem>>) dst(%dma_wait3A_251 : memref<40x128xf32, #tpu.memory_space<hbm>>)
    return
  }
}

#map = affine_map<(d0, d1) -> (0, 0)>
#map1 = affine_map<(d0, d1) -> (0)>
module attributes {stable_mosaic.version = 14 : i64} {
  func.func @_sc_gather(%arg0: i32, %arg1: i32, %arg2: memref<10000x128xf32, #tpu.memory_space<hbm>>, %arg3: memref<160000xi32, #tpu.memory_space<hbm>>, %arg4: memref<160000x128xf32, #tpu.memory_space<hbm>>, %arg5: memref<5000xi32, #tpu.memory_space<vmem>>, %arg6: memref<5x40x128xf32, #tpu.memory_space<vmem>>, %arg7: memref<!tpu.dma_semaphore, #tpu.memory_space<semaphore_mem>>, %arg8: memref<!tpu.dma_semaphore, #tpu.memory_space<semaphore_mem>>, %arg9: memref<!tpu.dma_semaphore, #tpu.memory_space<semaphore_mem>>, %arg10: memref<!tpu.dma_semaphore, #tpu.memory_space<semaphore_mem>>, %arg11: memref<!tpu.dma_semaphore, #tpu.memory_space<semaphore_mem>>, %arg12: memref<!tpu.dma_semaphore, #tpu.memory_space<semaphore_mem>>, %arg13: memref<!tpu.dma_semaphore, #tpu.memory_space<semaphore_mem>>, %arg14: memref<!tpu.dma_semaphore, #tpu.memory_space<semaphore_mem>>, %arg15: memref<!tpu.dma_semaphore, #tpu.memory_space<semaphore_mem>>, %arg16: memref<!tpu.dma_semaphore, #tpu.memory_space<semaphore_mem>>) attributes {dimension_semantics = [#tpu.dimension_semantics<core_parallel>, #tpu.dimension_semantics<subcore_parallel>], iteration_bounds = array<i64: 2, 16>, scalar_prefetch = 0 : i64, scratch_operands = 12 : i64, tpu.core_type = #tpu.core_type<sc_vector_subcore>, window_params = [{transform_indices = #map}, {transform_indices = #map1}, {transform_indices = #map}]} {
    %mul3A = arith.constant 2 : i32
    %mul3A_0 = arith.muli %arg1, %mul3A : i32
    %add3A = arith.addi %mul3A_0, %arg0 : i32
    %mul3A_1 = arith.constant 5000 : i32
    %mul3A_2 = arith.muli %add3A, %mul3A_1 : i32
    "tpu.region"() ({
      %run_scoped3A = tpu.sem_alloc : memref<!tpu.dma_semaphore, #tpu.memory_space<semaphore_mem>>
      %dma_start3A_256 = tpu.memref_slice %arg3[%mul3A_2] : memref<160000xi32, #tpu.memory_space<hbm>> -> memref<5000xi32, #tpu.memory_space<hbm>>
      %dma_start3A_257 = tpu.memref_slice %arg3[%mul3A_2] : memref<160000xi32, #tpu.memory_space<hbm>> -> memref<5000xi32, #tpu.memory_space<hbm>>
      tpu.enqueue_dma source(%dma_start3A_257 : memref<5000xi32, #tpu.memory_space<hbm>>) target(%arg5 : memref<5000xi32, #tpu.memory_space<vmem>>) target_semaphore(%run_scoped3A : memref<!tpu.dma_semaphore, #tpu.memory_space<semaphore_mem>>)
      %dma_wait3A_258 = tpu.memref_slice %arg3[%mul3A_2] : memref<160000xi32, #tpu.memory_space<hbm>> -> memref<5000xi32, #tpu.memory_space<hbm>>
      %dma_wait3A_259 = tpu.memref_slice %arg3[%mul3A_2] : memref<160000xi32, #tpu.memory_space<hbm>> -> memref<5000xi32, #tpu.memory_space<hbm>>
      tpu.wait_dma2 semaphore(%run_scoped3A : memref<!tpu.dma_semaphore, #tpu.memory_space<semaphore_mem>>) src(%dma_wait3A_259 : memref<5000xi32, #tpu.memory_space<hbm>>) dst(%arg5 : memref<5000xi32, #tpu.memory_space<vmem>>)
      tpu.yield
    }) : () -> ()
    %dma_start3A = arith.constant 0 : i32
    %dma_start3A_3 = arith.constant 0 : i32
    %dma_start3A_4 = arith.constant 0 : i32
    %dma_start3A_5 = tpu.memref_slice %arg6[%dma_start3A, %dma_start3A_3, %dma_start3A_4] : memref<5x40x128xf32, #tpu.memory_space<vmem>> -> memref<1x40x128xf32, #tpu.memory_space<vmem>>
    %dma_start3A_6 = tpu.memref_squeeze %dma_start3A_5 : memref<1x40x128xf32, #tpu.memory_space<vmem>> -> memref<40x128xf32, #tpu.memory_space<vmem>>
    %dma_start3A_7 = arith.constant 0 : i32
    %dma_start3A_8 = tpu.memref_slice %arg5[%dma_start3A_7] : memref<5000xi32, #tpu.memory_space<vmem>> -> memref<40xi32, #tpu.memory_space<vmem>>
    %dma_start3A_9 = arith.constant 0 : i32
    %dma_start3A_10 = arith.constant 0 : i32
    %dma_start3A_11 = tpu.memref_slice %arg2[%dma_start3A_9, %dma_start3A_10] : memref<10000x128xf32, #tpu.memory_space<hbm>> -> memref<10000x128xf32, #tpu.memory_space<hbm>>
    tpu.enqueue_indirect_dma source(%dma_start3A_11 : memref<10000x128xf32, #tpu.memory_space<hbm>>) target(%dma_start3A_6 : memref<40x128xf32, #tpu.memory_space<vmem>>) offsets(%dma_start3A_8 : memref<40xi32, #tpu.memory_space<vmem>>) semaphore(%arg7 : memref<!tpu.dma_semaphore, #tpu.memory_space<semaphore_mem>>)
    %dma_start3A_12 = arith.constant 1 : i32
    %dma_start3A_13 = arith.constant 0 : i32
    %dma_start3A_14 = arith.constant 0 : i32
    %dma_start3A_15 = tpu.memref_slice %arg6[%dma_start3A_12, %dma_start3A_13, %dma_start3A_14] : memref<5x40x128xf32, #tpu.memory_space<vmem>> -> memref<1x40x128xf32, #tpu.memory_space<vmem>>
    %dma_start3A_16 = tpu.memref_squeeze %dma_start3A_15 : memref<1x40x128xf32, #tpu.memory_space<vmem>> -> memref<40x128xf32, #tpu.memory_space<vmem>>
    %dma_start3A_17 = arith.constant 40 : i32
    %dma_start3A_18 = tpu.memref_slice %arg5[%dma_start3A_17] : memref<5000xi32, #tpu.memory_space<vmem>> -> memref<40xi32, #tpu.memory_space<vmem>>
    %dma_start3A_19 = arith.constant 0 : i32
    %dma_start3A_20 = arith.constant 0 : i32
    %dma_start3A_21 = tpu.memref_slice %arg2[%dma_start3A_19, %dma_start3A_20] : memref<10000x128xf32, #tpu.memory_space<hbm>> -> memref<10000x128xf32, #tpu.memory_space<hbm>>
    tpu.enqueue_indirect_dma source(%dma_start3A_21 : memref<10000x128xf32, #tpu.memory_space<hbm>>) target(%dma_start3A_16 : memref<40x128xf32, #tpu.memory_space<vmem>>) offsets(%dma_start3A_18 : memref<40xi32, #tpu.memory_space<vmem>>) semaphore(%arg8 : memref<!tpu.dma_semaphore, #tpu.memory_space<semaphore_mem>>)
    %dma_start3A_22 = arith.constant 2 : i32
    %dma_start3A_23 = arith.constant 0 : i32
    %dma_start3A_24 = arith.constant 0 : i32
    %dma_start3A_25 = tpu.memref_slice %arg6[%dma_start3A_22, %dma_start3A_23, %dma_start3A_24] : memref<5x40x128xf32, #tpu.memory_space<vmem>> -> memref<1x40x128xf32, #tpu.memory_space<vmem>>
    %dma_start3A_26 = tpu.memref_squeeze %dma_start3A_25 : memref<1x40x128xf32, #tpu.memory_space<vmem>> -> memref<40x128xf32, #tpu.memory_space<vmem>>
    %dma_start3A_27 = arith.constant 80 : i32
    %dma_start3A_28 = tpu.memref_slice %arg5[%dma_start3A_27] : memref<5000xi32, #tpu.memory_space<vmem>> -> memref<40xi32, #tpu.memory_space<vmem>>
    %dma_start3A_29 = arith.constant 0 : i32
    %dma_start3A_30 = arith.constant 0 : i32
    %dma_start3A_31 = tpu.memref_slice %arg2[%dma_start3A_29, %dma_start3A_30] : memref<10000x128xf32, #tpu.memory_space<hbm>> -> memref<10000x128xf32, #tpu.memory_space<hbm>>
    tpu.enqueue_indirect_dma source(%dma_start3A_31 : memref<10000x128xf32, #tpu.memory_space<hbm>>) target(%dma_start3A_26 : memref<40x128xf32, #tpu.memory_space<vmem>>) offsets(%dma_start3A_28 : memref<40xi32, #tpu.memory_space<vmem>>) semaphore(%arg9 : memref<!tpu.dma_semaphore, #tpu.memory_space<semaphore_mem>>)
    %dma_start3A_32 = arith.constant 3 : i32
    %dma_start3A_33 = arith.constant 0 : i32
    %dma_start3A_34 = arith.constant 0 : i32
    %dma_start3A_35 = tpu.memref_slice %arg6[%dma_start3A_32, %dma_start3A_33, %dma_start3A_34] : memref<5x40x128xf32, #tpu.memory_space<vmem>> -> memref<1x40x128xf32, #tpu.memory_space<vmem>>
    %dma_start3A_36 = tpu.memref_squeeze %dma_start3A_35 : memref<1x40x128xf32, #tpu.memory_space<vmem>> -> memref<40x128xf32, #tpu.memory_space<vmem>>
    %dma_start3A_37 = arith.constant 120 : i32
    %dma_start3A_38 = tpu.memref_slice %arg5[%dma_start3A_37] : memref<5000xi32, #tpu.memory_space<vmem>> -> memref<40xi32, #tpu.memory_space<vmem>>
    %dma_start3A_39 = arith.constant 0 : i32
    %dma_start3A_40 = arith.constant 0 : i32
    %dma_start3A_41 = tpu.memref_slice %arg2[%dma_start3A_39, %dma_start3A_40] : memref<10000x128xf32, #tpu.memory_space<hbm>> -> memref<10000x128xf32, #tpu.memory_space<hbm>>
    tpu.enqueue_indirect_dma source(%dma_start3A_41 : memref<10000x128xf32, #tpu.memory_space<hbm>>) target(%dma_start3A_36 : memref<40x128xf32, #tpu.memory_space<vmem>>) offsets(%dma_start3A_38 : memref<40xi32, #tpu.memory_space<vmem>>) semaphore(%arg10 : memref<!tpu.dma_semaphore, #tpu.memory_space<semaphore_mem>>)
    %dma_start3A_42 = arith.constant 4 : i32
    %dma_start3A_43 = arith.constant 0 : i32
    %dma_start3A_44 = arith.constant 0 : i32
    %dma_start3A_45 = tpu.memref_slice %arg6[%dma_start3A_42, %dma_start3A_43, %dma_start3A_44] : memref<5x40x128xf32, #tpu.memory_space<vmem>> -> memref<1x40x128xf32, #tpu.memory_space<vmem>>
    %dma_start3A_46 = tpu.memref_squeeze %dma_start3A_45 : memref<1x40x128xf32, #tpu.memory_space<vmem>> -> memref<40x128xf32, #tpu.memory_space<vmem>>
    %dma_start3A_47 = arith.constant 160 : i32
    %dma_start3A_48 = tpu.memref_slice %arg5[%dma_start3A_47] : memref<5000xi32, #tpu.memory_space<vmem>> -> memref<40xi32, #tpu.memory_space<vmem>>
    %dma_start3A_49 = arith.constant 0 : i32
    %dma_start3A_50 = arith.constant 0 : i32
    %dma_start3A_51 = tpu.memref_slice %arg2[%dma_start3A_49, %dma_start3A_50] : memref<10000x128xf32, #tpu.memory_space<hbm>> -> memref<10000x128xf32, #tpu.memory_space<hbm>>
    tpu.enqueue_indirect_dma source(%dma_start3A_51 : memref<10000x128xf32, #tpu.memory_space<hbm>>) target(%dma_start3A_46 : memref<40x128xf32, #tpu.memory_space<vmem>>) offsets(%dma_start3A_48 : memref<40xi32, #tpu.memory_space<vmem>>) semaphore(%arg11 : memref<!tpu.dma_semaphore, #tpu.memory_space<semaphore_mem>>)
    %scan3A = arith.constant 0 : i32
    %scan3A_52 = arith.constant 0 : i32
    %scan3A_53 = arith.constant 24 : i32
    %scan3A_54 = arith.addi %scan3A_52, %scan3A_53 : i32
    %scan3A_55 = arith.constant 1 : i32
    scf.for %scan3A_256 = %scan3A_52 to %scan3A_54 step %scan3A_55  : i32 {
      %mul3A_257 = arith.constant 5 : i32
      %mul3A_258 = arith.muli %mul3A_257, %scan3A_256 : i32
      %add3A_259 = arith.constant 0 : i32
      %add3A_260 = arith.addi %mul3A_258, %add3A_259 : i32
      %mul3A_261 = arith.constant 40 : i32
      %mul3A_262 = arith.muli %add3A_260, %mul3A_261 : i32
      %dma_wait3A_263 = arith.constant 0 : i32
      %dma_wait3A_264 = arith.constant 0 : i32
      %dma_wait3A_265 = arith.constant 0 : i32
      %dma_wait3A_266 = tpu.memref_slice %arg6[%dma_wait3A_263, %dma_wait3A_264, %dma_wait3A_265] : memref<5x40x128xf32, #tpu.memory_space<vmem>> -> memref<1x40x128xf32, #tpu.memory_space<vmem>>
      %dma_wait3A_267 = tpu.memref_squeeze %dma_wait3A_266 : memref<1x40x128xf32, #tpu.memory_space<vmem>> -> memref<40x128xf32, #tpu.memory_space<vmem>>
      %dma_wait3A_268 = tpu.memref_slice %arg5[%mul3A_262] : memref<5000xi32, #tpu.memory_space<vmem>> -> memref<40xi32, #tpu.memory_space<vmem>>
      %dma_wait3A_269 = arith.constant 0 : i32
      %dma_wait3A_270 = arith.constant 0 : i32
      %dma_wait3A_271 = tpu.memref_slice %arg2[%dma_wait3A_269, %dma_wait3A_270] : memref<10000x128xf32, #tpu.memory_space<hbm>> -> memref<10000x128xf32, #tpu.memory_space<hbm>>
      tpu.wait_indirect_dma semaphore(%arg7 : memref<!tpu.dma_semaphore, #tpu.memory_space<semaphore_mem>>) src(%dma_wait3A_271 : memref<10000x128xf32, #tpu.memory_space<hbm>>) dst(%dma_wait3A_267 : memref<40x128xf32, #tpu.memory_space<vmem>>)
      %mul3A_272 = arith.constant 40 : i32
      %mul3A_273 = arith.muli %add3A_260, %mul3A_272 : i32
      %add3A_274 = arith.addi %mul3A_2, %mul3A_273 : i32
      %dma_start3A_275 = arith.constant 0 : i32
      %dma_start3A_276 = arith.constant 0 : i32
      %dma_start3A_277 = arith.constant 0 : i32
      %dma_start3A_278 = tpu.memref_slice %arg6[%dma_start3A_275, %dma_start3A_276, %dma_start3A_277] : memref<5x40x128xf32, #tpu.memory_space<vmem>> -> memref<1x40x128xf32, #tpu.memory_space<vmem>>
      %dma_start3A_279 = tpu.memref_squeeze %dma_start3A_278 : memref<1x40x128xf32, #tpu.memory_space<vmem>> -> memref<40x128xf32, #tpu.memory_space<vmem>>
      %dma_start3A_280 = arith.constant 0 : i32
      %dma_start3A_281 = tpu.memref_slice %arg4[%add3A_274, %dma_start3A_280] : memref<160000x128xf32, #tpu.memory_space<hbm>> -> memref<40x128xf32, #tpu.memory_space<hbm>>
      %dma_start3A_282 = arith.constant 0 : i32
      %dma_start3A_283 = tpu.memref_slice %arg4[%add3A_274, %dma_start3A_282] : memref<160000x128xf32, #tpu.memory_space<hbm>> -> memref<40x128xf32, #tpu.memory_space<hbm>>
      %dma_start3A_284 = arith.constant 0 : i32
      %dma_start3A_285 = arith.constant 0 : i32
      %dma_start3A_286 = tpu.memref_slice %arg6[%dma_start3A_275, %dma_start3A_284, %dma_start3A_285] : memref<5x40x128xf32, #tpu.memory_space<vmem>> -> memref<1x40x128xf32, #tpu.memory_space<vmem>>
      %dma_start3A_287 = tpu.memref_squeeze %dma_start3A_286 : memref<1x40x128xf32, #tpu.memory_space<vmem>> -> memref<40x128xf32, #tpu.memory_space<vmem>>
      tpu.enqueue_dma source(%dma_start3A_287 : memref<40x128xf32, #tpu.memory_space<vmem>>) target(%dma_start3A_283 : memref<40x128xf32, #tpu.memory_space<hbm>>) target_semaphore(%arg12 : memref<!tpu.dma_semaphore, #tpu.memory_space<semaphore_mem>>)
      %mul3A_288 = arith.constant 40 : i32
      %mul3A_289 = arith.muli %add3A_260, %mul3A_288 : i32
      %add3A_290 = arith.addi %mul3A_2, %mul3A_289 : i32
      %dma_wait3A_291 = arith.constant 0 : i32
      %dma_wait3A_292 = arith.constant 0 : i32
      %dma_wait3A_293 = arith.constant 0 : i32
      %dma_wait3A_294 = tpu.memref_slice %arg6[%dma_wait3A_291, %dma_wait3A_292, %dma_wait3A_293] : memref<5x40x128xf32, #tpu.memory_space<vmem>> -> memref<1x40x128xf32, #tpu.memory_space<vmem>>
      %dma_wait3A_295 = tpu.memref_squeeze %dma_wait3A_294 : memref<1x40x128xf32, #tpu.memory_space<vmem>> -> memref<40x128xf32, #tpu.memory_space<vmem>>
      %dma_wait3A_296 = arith.constant 0 : i32
      %dma_wait3A_297 = tpu.memref_slice %arg4[%add3A_290, %dma_wait3A_296] : memref<160000x128xf32, #tpu.memory_space<hbm>> -> memref<40x128xf32, #tpu.memory_space<hbm>>
      %dma_wait3A_298 = arith.constant 0 : i32
      %dma_wait3A_299 = tpu.memref_slice %arg4[%add3A_290, %dma_wait3A_298] : memref<160000x128xf32, #tpu.memory_space<hbm>> -> memref<40x128xf32, #tpu.memory_space<hbm>>
      %dma_wait3A_300 = arith.constant 0 : i32
      %dma_wait3A_301 = arith.constant 0 : i32
      %dma_wait3A_302 = tpu.memref_slice %arg6[%dma_wait3A_291, %dma_wait3A_300, %dma_wait3A_301] : memref<5x40x128xf32, #tpu.memory_space<vmem>> -> memref<1x40x128xf32, #tpu.memory_space<vmem>>
      %dma_wait3A_303 = tpu.memref_squeeze %dma_wait3A_302 : memref<1x40x128xf32, #tpu.memory_space<vmem>> -> memref<40x128xf32, #tpu.memory_space<vmem>>
      tpu.wait_dma2 semaphore(%arg12 : memref<!tpu.dma_semaphore, #tpu.memory_space<semaphore_mem>>) src(%dma_wait3A_303 : memref<40x128xf32, #tpu.memory_space<vmem>>) dst(%dma_wait3A_299 : memref<40x128xf32, #tpu.memory_space<hbm>>)
      %add3A_304 = arith.constant 5 : i32
      %add3A_305 = arith.addi %add3A_260, %add3A_304 : i32
      %mul3A_306 = arith.constant 40 : i32
      %mul3A_307 = arith.muli %add3A_305, %mul3A_306 : i32
      %dma_start3A_308 = arith.constant 0 : i32
      %dma_start3A_309 = arith.constant 0 : i32
      %dma_start3A_310 = arith.constant 0 : i32
      %dma_start3A_311 = tpu.memref_slice %arg6[%dma_start3A_308, %dma_start3A_309, %dma_start3A_310] : memref<5x40x128xf32, #tpu.memory_space<vmem>> -> memref<1x40x128xf32, #tpu.memory_space<vmem>>
      %dma_start3A_312 = tpu.memref_squeeze %dma_start3A_311 : memref<1x40x128xf32, #tpu.memory_space<vmem>> -> memref<40x128xf32, #tpu.memory_space<vmem>>
      %dma_start3A_313 = tpu.memref_slice %arg5[%mul3A_307] : memref<5000xi32, #tpu.memory_space<vmem>> -> memref<40xi32, #tpu.memory_space<vmem>>
      %dma_start3A_314 = arith.constant 0 : i32
      %dma_start3A_315 = arith.constant 0 : i32
      %dma_start3A_316 = tpu.memref_slice %arg2[%dma_start3A_314, %dma_start3A_315] : memref<10000x128xf32, #tpu.memory_space<hbm>> -> memref<10000x128xf32, #tpu.memory_space<hbm>>
      tpu.enqueue_indirect_dma source(%dma_start3A_316 : memref<10000x128xf32, #tpu.memory_space<hbm>>) target(%dma_start3A_312 : memref<40x128xf32, #tpu.memory_space<vmem>>) offsets(%dma_start3A_313 : memref<40xi32, #tpu.memory_space<vmem>>) semaphore(%arg7 : memref<!tpu.dma_semaphore, #tpu.memory_space<semaphore_mem>>)
      %mul3A_317 = arith.constant 5 : i32
      %mul3A_318 = arith.muli %mul3A_317, %scan3A_256 : i32
      %add3A_319 = arith.constant 1 : i32
      %add3A_320 = arith.addi %mul3A_318, %add3A_319 : i32
      %mul3A_321 = arith.constant 40 : i32
      %mul3A_322 = arith.muli %add3A_320, %mul3A_321 : i32
      %dma_wait3A_323 = arith.constant 1 : i32
      %dma_wait3A_324 = arith.constant 0 : i32
      %dma_wait3A_325 = arith.constant 0 : i32
      %dma_wait3A_326 = tpu.memref_slice %arg6[%dma_wait3A_323, %dma_wait3A_324, %dma_wait3A_325] : memref<5x40x128xf32, #tpu.memory_space<vmem>> -> memref<1x40x128xf32, #tpu.memory_space<vmem>>
      %dma_wait3A_327 = tpu.memref_squeeze %dma_wait3A_326 : memref<1x40x128xf32, #tpu.memory_space<vmem>> -> memref<40x128xf32, #tpu.memory_space<vmem>>
      %dma_wait3A_328 = tpu.memref_slice %arg5[%mul3A_322] : memref<5000xi32, #tpu.memory_space<vmem>> -> memref<40xi32, #tpu.memory_space<vmem>>
      %dma_wait3A_329 = arith.constant 0 : i32
      %dma_wait3A_330 = arith.constant 0 : i32
      %dma_wait3A_331 = tpu.memref_slice %arg2[%dma_wait3A_329, %dma_wait3A_330] : memref<10000x128xf32, #tpu.memory_space<hbm>> -> memref<10000x128xf32, #tpu.memory_space<hbm>>
      tpu.wait_indirect_dma semaphore(%arg8 : memref<!tpu.dma_semaphore, #tpu.memory_space<semaphore_mem>>) src(%dma_wait3A_331 : memref<10000x128xf32, #tpu.memory_space<hbm>>) dst(%dma_wait3A_327 : memref<40x128xf32, #tpu.memory_space<vmem>>)
      %mul3A_332 = arith.constant 40 : i32
      %mul3A_333 = arith.muli %add3A_320, %mul3A_332 : i32
      %add3A_334 = arith.addi %mul3A_2, %mul3A_333 : i32
      %dma_start3A_335 = arith.constant 1 : i32
      %dma_start3A_336 = arith.constant 0 : i32
      %dma_start3A_337 = arith.constant 0 : i32
      %dma_start3A_338 = tpu.memref_slice %arg6[%dma_start3A_335, %dma_start3A_336, %dma_start3A_337] : memref<5x40x128xf32, #tpu.memory_space<vmem>> -> memref<1x40x128xf32, #tpu.memory_space<vmem>>
      %dma_start3A_339 = tpu.memref_squeeze %dma_start3A_338 : memref<1x40x128xf32, #tpu.memory_space<vmem>> -> memref<40x128xf32, #tpu.memory_space<vmem>>
      %dma_start3A_340 = arith.constant 0 : i32
      %dma_start3A_341 = tpu.memref_slice %arg4[%add3A_334, %dma_start3A_340] : memref<160000x128xf32, #tpu.memory_space<hbm>> -> memref<40x128xf32, #tpu.memory_space<hbm>>
      %dma_start3A_342 = arith.constant 0 : i32
      %dma_start3A_343 = tpu.memref_slice %arg4[%add3A_334, %dma_start3A_342] : memref<160000x128xf32, #tpu.memory_space<hbm>> -> memref<40x128xf32, #tpu.memory_space<hbm>>
      %dma_start3A_344 = arith.constant 0 : i32
      %dma_start3A_345 = arith.constant 0 : i32
      %dma_start3A_346 = tpu.memref_slice %arg6[%dma_start3A_335, %dma_start3A_344, %dma_start3A_345] : memref<5x40x128xf32, #tpu.memory_space<vmem>> -> memref<1x40x128xf32, #tpu.memory_space<vmem>>
      %dma_start3A_347 = tpu.memref_squeeze %dma_start3A_346 : memref<1x40x128xf32, #tpu.memory_space<vmem>> -> memref<40x128xf32, #tpu.memory_space<vmem>>
      tpu.enqueue_dma source(%dma_start3A_347 : memref<40x128xf32, #tpu.memory_space<vmem>>) target(%dma_start3A_343 : memref<40x128xf32, #tpu.memory_space<hbm>>) target_semaphore(%arg13 : memref<!tpu.dma_semaphore, #tpu.memory_space<semaphore_mem>>)
      %mul3A_348 = arith.constant 40 : i32
      %mul3A_349 = arith.muli %add3A_320, %mul3A_348 : i32
      %add3A_350 = arith.addi %mul3A_2, %mul3A_349 : i32
      %dma_wait3A_351 = arith.constant 1 : i32
      %dma_wait3A_352 = arith.constant 0 : i32
      %dma_wait3A_353 = arith.constant 0 : i32
      %dma_wait3A_354 = tpu.memref_slice %arg6[%dma_wait3A_351, %dma_wait3A_352, %dma_wait3A_353] : memref<5x40x128xf32, #tpu.memory_space<vmem>> -> memref<1x40x128xf32, #tpu.memory_space<vmem>>
      %dma_wait3A_355 = tpu.memref_squeeze %dma_wait3A_354 : memref<1x40x128xf32, #tpu.memory_space<vmem>> -> memref<40x128xf32, #tpu.memory_space<vmem>>
      %dma_wait3A_356 = arith.constant 0 : i32
      %dma_wait3A_357 = tpu.memref_slice %arg4[%add3A_350, %dma_wait3A_356] : memref<160000x128xf32, #tpu.memory_space<hbm>> -> memref<40x128xf32, #tpu.memory_space<hbm>>
      %dma_wait3A_358 = arith.constant 0 : i32
      %dma_wait3A_359 = tpu.memref_slice %arg4[%add3A_350, %dma_wait3A_358] : memref<160000x128xf32, #tpu.memory_space<hbm>> -> memref<40x128xf32, #tpu.memory_space<hbm>>
      %dma_wait3A_360 = arith.constant 0 : i32
      %dma_wait3A_361 = arith.constant 0 : i32
      %dma_wait3A_362 = tpu.memref_slice %arg6[%dma_wait3A_351, %dma_wait3A_360, %dma_wait3A_361] : memref<5x40x128xf32, #tpu.memory_space<vmem>> -> memref<1x40x128xf32, #tpu.memory_space<vmem>>
      %dma_wait3A_363 = tpu.memref_squeeze %dma_wait3A_362 : memref<1x40x128xf32, #tpu.memory_space<vmem>> -> memref<40x128xf32, #tpu.memory_space<vmem>>
      tpu.wait_dma2 semaphore(%arg13 : memref<!tpu.dma_semaphore, #tpu.memory_space<semaphore_mem>>) src(%dma_wait3A_363 : memref<40x128xf32, #tpu.memory_space<vmem>>) dst(%dma_wait3A_359 : memref<40x128xf32, #tpu.memory_space<hbm>>)
      %add3A_364 = arith.constant 5 : i32
      %add3A_365 = arith.addi %add3A_320, %add3A_364 : i32
      %mul3A_366 = arith.constant 40 : i32
      %mul3A_367 = arith.muli %add3A_365, %mul3A_366 : i32
      %dma_start3A_368 = arith.constant 1 : i32
      %dma_start3A_369 = arith.constant 0 : i32
      %dma_start3A_370 = arith.constant 0 : i32
      %dma_start3A_371 = tpu.memref_slice %arg6[%dma_start3A_368, %dma_start3A_369, %dma_start3A_370] : memref<5x40x128xf32, #tpu.memory_space<vmem>> -> memref<1x40x128xf32, #tpu.memory_space<vmem>>
      %dma_start3A_372 = tpu.memref_squeeze %dma_start3A_371 : memref<1x40x128xf32, #tpu.memory_space<vmem>> -> memref<40x128xf32, #tpu.memory_space<vmem>>
      %dma_start3A_373 = tpu.memref_slice %arg5[%mul3A_367] : memref<5000xi32, #tpu.memory_space<vmem>> -> memref<40xi32, #tpu.memory_space<vmem>>
      %dma_start3A_374 = arith.constant 0 : i32
      %dma_start3A_375 = arith.constant 0 : i32
      %dma_start3A_376 = tpu.memref_slice %arg2[%dma_start3A_374, %dma_start3A_375] : memref<10000x128xf32, #tpu.memory_space<hbm>> -> memref<10000x128xf32, #tpu.memory_space<hbm>>
      tpu.enqueue_indirect_dma source(%dma_start3A_376 : memref<10000x128xf32, #tpu.memory_space<hbm>>) target(%dma_start3A_372 : memref<40x128xf32, #tpu.memory_space<vmem>>) offsets(%dma_start3A_373 : memref<40xi32, #tpu.memory_space<vmem>>) semaphore(%arg8 : memref<!tpu.dma_semaphore, #tpu.memory_space<semaphore_mem>>)
      %mul3A_377 = arith.constant 5 : i32
      %mul3A_378 = arith.muli %mul3A_377, %scan3A_256 : i32
      %add3A_379 = arith.constant 2 : i32
      %add3A_380 = arith.addi %mul3A_378, %add3A_379 : i32
      %mul3A_381 = arith.constant 40 : i32
      %mul3A_382 = arith.muli %add3A_380, %mul3A_381 : i32
      %dma_wait3A_383 = arith.constant 2 : i32
      %dma_wait3A_384 = arith.constant 0 : i32
      %dma_wait3A_385 = arith.constant 0 : i32
      %dma_wait3A_386 = tpu.memref_slice %arg6[%dma_wait3A_383, %dma_wait3A_384, %dma_wait3A_385] : memref<5x40x128xf32, #tpu.memory_space<vmem>> -> memref<1x40x128xf32, #tpu.memory_space<vmem>>
      %dma_wait3A_387 = tpu.memref_squeeze %dma_wait3A_386 : memref<1x40x128xf32, #tpu.memory_space<vmem>> -> memref<40x128xf32, #tpu.memory_space<vmem>>
      %dma_wait3A_388 = tpu.memref_slice %arg5[%mul3A_382] : memref<5000xi32, #tpu.memory_space<vmem>> -> memref<40xi32, #tpu.memory_space<vmem>>
      %dma_wait3A_389 = arith.constant 0 : i32
      %dma_wait3A_390 = arith.constant 0 : i32
      %dma_wait3A_391 = tpu.memref_slice %arg2[%dma_wait3A_389, %dma_wait3A_390] : memref<10000x128xf32, #tpu.memory_space<hbm>> -> memref<10000x128xf32, #tpu.memory_space<hbm>>
      tpu.wait_indirect_dma semaphore(%arg9 : memref<!tpu.dma_semaphore, #tpu.memory_space<semaphore_mem>>) src(%dma_wait3A_391 : memref<10000x128xf32, #tpu.memory_space<hbm>>) dst(%dma_wait3A_387 : memref<40x128xf32, #tpu.memory_space<vmem>>)
      %mul3A_392 = arith.constant 40 : i32
      %mul3A_393 = arith.muli %add3A_380, %mul3A_392 : i32
      %add3A_394 = arith.addi %mul3A_2, %mul3A_393 : i32
      %dma_start3A_395 = arith.constant 2 : i32
      %dma_start3A_396 = arith.constant 0 : i32
      %dma_start3A_397 = arith.constant 0 : i32
      %dma_start3A_398 = tpu.memref_slice %arg6[%dma_start3A_395, %dma_start3A_396, %dma_start3A_397] : memref<5x40x128xf32, #tpu.memory_space<vmem>> -> memref<1x40x128xf32, #tpu.memory_space<vmem>>
      %dma_start3A_399 = tpu.memref_squeeze %dma_start3A_398 : memref<1x40x128xf32, #tpu.memory_space<vmem>> -> memref<40x128xf32, #tpu.memory_space<vmem>>
      %dma_start3A_400 = arith.constant 0 : i32
      %dma_start3A_401 = tpu.memref_slice %arg4[%add3A_394, %dma_start3A_400] : memref<160000x128xf32, #tpu.memory_space<hbm>> -> memref<40x128xf32, #tpu.memory_space<hbm>>
      %dma_start3A_402 = arith.constant 0 : i32
      %dma_start3A_403 = tpu.memref_slice %arg4[%add3A_394, %dma_start3A_402] : memref<160000x128xf32, #tpu.memory_space<hbm>> -> memref<40x128xf32, #tpu.memory_space<hbm>>
      %dma_start3A_404 = arith.constant 0 : i32
      %dma_start3A_405 = arith.constant 0 : i32
      %dma_start3A_406 = tpu.memref_slice %arg6[%dma_start3A_395, %dma_start3A_404, %dma_start3A_405] : memref<5x40x128xf32, #tpu.memory_space<vmem>> -> memref<1x40x128xf32, #tpu.memory_space<vmem>>
      %dma_start3A_407 = tpu.memref_squeeze %dma_start3A_406 : memref<1x40x128xf32, #tpu.memory_space<vmem>> -> memref<40x128xf32, #tpu.memory_space<vmem>>
      tpu.enqueue_dma source(%dma_start3A_407 : memref<40x128xf32, #tpu.memory_space<vmem>>) target(%dma_start3A_403 : memref<40x128xf32, #tpu.memory_space<hbm>>) target_semaphore(%arg14 : memref<!tpu.dma_semaphore, #tpu.memory_space<semaphore_mem>>)
      %mul3A_408 = arith.constant 40 : i32
      %mul3A_409 = arith.muli %add3A_380, %mul3A_408 : i32
      %add3A_410 = arith.addi %mul3A_2, %mul3A_409 : i32
      %dma_wait3A_411 = arith.constant 2 : i32
      %dma_wait3A_412 = arith.constant 0 : i32
      %dma_wait3A_413 = arith.constant 0 : i32
      %dma_wait3A_414 = tpu.memref_slice %arg6[%dma_wait3A_411, %dma_wait3A_412, %dma_wait3A_413] : memref<5x40x128xf32, #tpu.memory_space<vmem>> -> memref<1x40x128xf32, #tpu.memory_space<vmem>>
      %dma_wait3A_415 = tpu.memref_squeeze %dma_wait3A_414 : memref<1x40x128xf32, #tpu.memory_space<vmem>> -> memref<40x128xf32, #tpu.memory_space<vmem>>
      %dma_wait3A_416 = arith.constant 0 : i32
      %dma_wait3A_417 = tpu.memref_slice %arg4[%add3A_410, %dma_wait3A_416] : memref<160000x128xf32, #tpu.memory_space<hbm>> -> memref<40x128xf32, #tpu.memory_space<hbm>>
      %dma_wait3A_418 = arith.constant 0 : i32
      %dma_wait3A_419 = tpu.memref_slice %arg4[%add3A_410, %dma_wait3A_418] : memref<160000x128xf32, #tpu.memory_space<hbm>> -> memref<40x128xf32, #tpu.memory_space<hbm>>
      %dma_wait3A_420 = arith.constant 0 : i32
      %dma_wait3A_421 = arith.constant 0 : i32
      %dma_wait3A_422 = tpu.memref_slice %arg6[%dma_wait3A_411, %dma_wait3A_420, %dma_wait3A_421] : memref<5x40x128xf32, #tpu.memory_space<vmem>> -> memref<1x40x128xf32, #tpu.memory_space<vmem>>
      %dma_wait3A_423 = tpu.memref_squeeze %dma_wait3A_422 : memref<1x40x128xf32, #tpu.memory_space<vmem>> -> memref<40x128xf32, #tpu.memory_space<vmem>>
      tpu.wait_dma2 semaphore(%arg14 : memref<!tpu.dma_semaphore, #tpu.memory_space<semaphore_mem>>) src(%dma_wait3A_423 : memref<40x128xf32, #tpu.memory_space<vmem>>) dst(%dma_wait3A_419 : memref<40x128xf32, #tpu.memory_space<hbm>>)
      %add3A_424 = arith.constant 5 : i32
      %add3A_425 = arith.addi %add3A_380, %add3A_424 : i32
      %mul3A_426 = arith.constant 40 : i32
      %mul3A_427 = arith.muli %add3A_425, %mul3A_426 : i32
      %dma_start3A_428 = arith.constant 2 : i32
      %dma_start3A_429 = arith.constant 0 : i32
      %dma_start3A_430 = arith.constant 0 : i32
      %dma_start3A_431 = tpu.memref_slice %arg6[%dma_start3A_428, %dma_start3A_429, %dma_start3A_430] : memref<5x40x128xf32, #tpu.memory_space<vmem>> -> memref<1x40x128xf32, #tpu.memory_space<vmem>>
      %dma_start3A_432 = tpu.memref_squeeze %dma_start3A_431 : memref<1x40x128xf32, #tpu.memory_space<vmem>> -> memref<40x128xf32, #tpu.memory_space<vmem>>
      %dma_start3A_433 = tpu.memref_slice %arg5[%mul3A_427] : memref<5000xi32, #tpu.memory_space<vmem>> -> memref<40xi32, #tpu.memory_space<vmem>>
      %dma_start3A_434 = arith.constant 0 : i32
      %dma_start3A_435 = arith.constant 0 : i32
      %dma_start3A_436 = tpu.memref_slice %arg2[%dma_start3A_434, %dma_start3A_435] : memref<10000x128xf32, #tpu.memory_space<hbm>> -> memref<10000x128xf32, #tpu.memory_space<hbm>>
      tpu.enqueue_indirect_dma source(%dma_start3A_436 : memref<10000x128xf32, #tpu.memory_space<hbm>>) target(%dma_start3A_432 : memref<40x128xf32, #tpu.memory_space<vmem>>) offsets(%dma_start3A_433 : memref<40xi32, #tpu.memory_space<vmem>>) semaphore(%arg9 : memref<!tpu.dma_semaphore, #tpu.memory_space<semaphore_mem>>)
      %mul3A_437 = arith.constant 5 : i32
      %mul3A_438 = arith.muli %mul3A_437, %scan3A_256 : i32
      %add3A_439 = arith.constant 3 : i32
      %add3A_440 = arith.addi %mul3A_438, %add3A_439 : i32
      %mul3A_441 = arith.constant 40 : i32
      %mul3A_442 = arith.muli %add3A_440, %mul3A_441 : i32
      %dma_wait3A_443 = arith.constant 3 : i32
      %dma_wait3A_444 = arith.constant 0 : i32
      %dma_wait3A_445 = arith.constant 0 : i32
      %dma_wait3A_446 = tpu.memref_slice %arg6[%dma_wait3A_443, %dma_wait3A_444, %dma_wait3A_445] : memref<5x40x128xf32, #tpu.memory_space<vmem>> -> memref<1x40x128xf32, #tpu.memory_space<vmem>>
      %dma_wait3A_447 = tpu.memref_squeeze %dma_wait3A_446 : memref<1x40x128xf32, #tpu.memory_space<vmem>> -> memref<40x128xf32, #tpu.memory_space<vmem>>
      %dma_wait3A_448 = tpu.memref_slice %arg5[%mul3A_442] : memref<5000xi32, #tpu.memory_space<vmem>> -> memref<40xi32, #tpu.memory_space<vmem>>
      %dma_wait3A_449 = arith.constant 0 : i32
      %dma_wait3A_450 = arith.constant 0 : i32
      %dma_wait3A_451 = tpu.memref_slice %arg2[%dma_wait3A_449, %dma_wait3A_450] : memref<10000x128xf32, #tpu.memory_space<hbm>> -> memref<10000x128xf32, #tpu.memory_space<hbm>>
      tpu.wait_indirect_dma semaphore(%arg10 : memref<!tpu.dma_semaphore, #tpu.memory_space<semaphore_mem>>) src(%dma_wait3A_451 : memref<10000x128xf32, #tpu.memory_space<hbm>>) dst(%dma_wait3A_447 : memref<40x128xf32, #tpu.memory_space<vmem>>)
      %mul3A_452 = arith.constant 40 : i32
      %mul3A_453 = arith.muli %add3A_440, %mul3A_452 : i32
      %add3A_454 = arith.addi %mul3A_2, %mul3A_453 : i32
      %dma_start3A_455 = arith.constant 3 : i32
      %dma_start3A_456 = arith.constant 0 : i32
      %dma_start3A_457 = arith.constant 0 : i32
      %dma_start3A_458 = tpu.memref_slice %arg6[%dma_start3A_455, %dma_start3A_456, %dma_start3A_457] : memref<5x40x128xf32, #tpu.memory_space<vmem>> -> memref<1x40x128xf32, #tpu.memory_space<vmem>>
      %dma_start3A_459 = tpu.memref_squeeze %dma_start3A_458 : memref<1x40x128xf32, #tpu.memory_space<vmem>> -> memref<40x128xf32, #tpu.memory_space<vmem>>
      %dma_start3A_460 = arith.constant 0 : i32
      %dma_start3A_461 = tpu.memref_slice %arg4[%add3A_454, %dma_start3A_460] : memref<160000x128xf32, #tpu.memory_space<hbm>> -> memref<40x128xf32, #tpu.memory_space<hbm>>
      %dma_start3A_462 = arith.constant 0 : i32
      %dma_start3A_463 = tpu.memref_slice %arg4[%add3A_454, %dma_start3A_462] : memref<160000x128xf32, #tpu.memory_space<hbm>> -> memref<40x128xf32, #tpu.memory_space<hbm>>
      %dma_start3A_464 = arith.constant 0 : i32
      %dma_start3A_465 = arith.constant 0 : i32
      %dma_start3A_466 = tpu.memref_slice %arg6[%dma_start3A_455, %dma_start3A_464, %dma_start3A_465] : memref<5x40x128xf32, #tpu.memory_space<vmem>> -> memref<1x40x128xf32, #tpu.memory_space<vmem>>
      %dma_start3A_467 = tpu.memref_squeeze %dma_start3A_466 : memref<1x40x128xf32, #tpu.memory_space<vmem>> -> memref<40x128xf32, #tpu.memory_space<vmem>>
      tpu.enqueue_dma source(%dma_start3A_467 : memref<40x128xf32, #tpu.memory_space<vmem>>) target(%dma_start3A_463 : memref<40x128xf32, #tpu.memory_space<hbm>>) target_semaphore(%arg15 : memref<!tpu.dma_semaphore, #tpu.memory_space<semaphore_mem>>)
      %mul3A_468 = arith.constant 40 : i32
      %mul3A_469 = arith.muli %add3A_440, %mul3A_468 : i32
      %add3A_470 = arith.addi %mul3A_2, %mul3A_469 : i32
      %dma_wait3A_471 = arith.constant 3 : i32
      %dma_wait3A_472 = arith.constant 0 : i32
      %dma_wait3A_473 = arith.constant 0 : i32
      %dma_wait3A_474 = tpu.memref_slice %arg6[%dma_wait3A_471, %dma_wait3A_472, %dma_wait3A_473] : memref<5x40x128xf32, #tpu.memory_space<vmem>> -> memref<1x40x128xf32, #tpu.memory_space<vmem>>
      %dma_wait3A_475 = tpu.memref_squeeze %dma_wait3A_474 : memref<1x40x128xf32, #tpu.memory_space<vmem>> -> memref<40x128xf32, #tpu.memory_space<vmem>>
      %dma_wait3A_476 = arith.constant 0 : i32
      %dma_wait3A_477 = tpu.memref_slice %arg4[%add3A_470, %dma_wait3A_476] : memref<160000x128xf32, #tpu.memory_space<hbm>> -> memref<40x128xf32, #tpu.memory_space<hbm>>
      %dma_wait3A_478 = arith.constant 0 : i32
      %dma_wait3A_479 = tpu.memref_slice %arg4[%add3A_470, %dma_wait3A_478] : memref<160000x128xf32, #tpu.memory_space<hbm>> -> memref<40x128xf32, #tpu.memory_space<hbm>>
      %dma_wait3A_480 = arith.constant 0 : i32
      %dma_wait3A_481 = arith.constant 0 : i32
      %dma_wait3A_482 = tpu.memref_slice %arg6[%dma_wait3A_471, %dma_wait3A_480, %dma_wait3A_481] : memref<5x40x128xf32, #tpu.memory_space<vmem>> -> memref<1x40x128xf32, #tpu.memory_space<vmem>>
      %dma_wait3A_483 = tpu.memref_squeeze %dma_wait3A_482 : memref<1x40x128xf32, #tpu.memory_space<vmem>> -> memref<40x128xf32, #tpu.memory_space<vmem>>
      tpu.wait_dma2 semaphore(%arg15 : memref<!tpu.dma_semaphore, #tpu.memory_space<semaphore_mem>>) src(%dma_wait3A_483 : memref<40x128xf32, #tpu.memory_space<vmem>>) dst(%dma_wait3A_479 : memref<40x128xf32, #tpu.memory_space<hbm>>)
      %add3A_484 = arith.constant 5 : i32
      %add3A_485 = arith.addi %add3A_440, %add3A_484 : i32
      %mul3A_486 = arith.constant 40 : i32
      %mul3A_487 = arith.muli %add3A_485, %mul3A_486 : i32
      %dma_start3A_488 = arith.constant 3 : i32
      %dma_start3A_489 = arith.constant 0 : i32
      %dma_start3A_490 = arith.constant 0 : i32
      %dma_start3A_491 = tpu.memref_slice %arg6[%dma_start3A_488, %dma_start3A_489, %dma_start3A_490] : memref<5x40x128xf32, #tpu.memory_space<vmem>> -> memref<1x40x128xf32, #tpu.memory_space<vmem>>
      %dma_start3A_492 = tpu.memref_squeeze %dma_start3A_491 : memref<1x40x128xf32, #tpu.memory_space<vmem>> -> memref<40x128xf32, #tpu.memory_space<vmem>>
      %dma_start3A_493 = tpu.memref_slice %arg5[%mul3A_487] : memref<5000xi32, #tpu.memory_space<vmem>> -> memref<40xi32, #tpu.memory_space<vmem>>
      %dma_start3A_494 = arith.constant 0 : i32
      %dma_start3A_495 = arith.constant 0 : i32
      %dma_start3A_496 = tpu.memref_slice %arg2[%dma_start3A_494, %dma_start3A_495] : memref<10000x128xf32, #tpu.memory_space<hbm>> -> memref<10000x128xf32, #tpu.memory_space<hbm>>
      tpu.enqueue_indirect_dma source(%dma_start3A_496 : memref<10000x128xf32, #tpu.memory_space<hbm>>) target(%dma_start3A_492 : memref<40x128xf32, #tpu.memory_space<vmem>>) offsets(%dma_start3A_493 : memref<40xi32, #tpu.memory_space<vmem>>) semaphore(%arg10 : memref<!tpu.dma_semaphore, #tpu.memory_space<semaphore_mem>>)
      %mul3A_497 = arith.constant 5 : i32
      %mul3A_498 = arith.muli %mul3A_497, %scan3A_256 : i32
      %add3A_499 = arith.constant 4 : i32
      %add3A_500 = arith.addi %mul3A_498, %add3A_499 : i32
      %mul3A_501 = arith.constant 40 : i32
      %mul3A_502 = arith.muli %add3A_500, %mul3A_501 : i32
      %dma_wait3A_503 = arith.constant 4 : i32
      %dma_wait3A_504 = arith.constant 0 : i32
      %dma_wait3A_505 = arith.constant 0 : i32
      %dma_wait3A_506 = tpu.memref_slice %arg6[%dma_wait3A_503, %dma_wait3A_504, %dma_wait3A_505] : memref<5x40x128xf32, #tpu.memory_space<vmem>> -> memref<1x40x128xf32, #tpu.memory_space<vmem>>
      %dma_wait3A_507 = tpu.memref_squeeze %dma_wait3A_506 : memref<1x40x128xf32, #tpu.memory_space<vmem>> -> memref<40x128xf32, #tpu.memory_space<vmem>>
      %dma_wait3A_508 = tpu.memref_slice %arg5[%mul3A_502] : memref<5000xi32, #tpu.memory_space<vmem>> -> memref<40xi32, #tpu.memory_space<vmem>>
      %dma_wait3A_509 = arith.constant 0 : i32
      %dma_wait3A_510 = arith.constant 0 : i32
      %dma_wait3A_511 = tpu.memref_slice %arg2[%dma_wait3A_509, %dma_wait3A_510] : memref<10000x128xf32, #tpu.memory_space<hbm>> -> memref<10000x128xf32, #tpu.memory_space<hbm>>
      tpu.wait_indirect_dma semaphore(%arg11 : memref<!tpu.dma_semaphore, #tpu.memory_space<semaphore_mem>>) src(%dma_wait3A_511 : memref<10000x128xf32, #tpu.memory_space<hbm>>) dst(%dma_wait3A_507 : memref<40x128xf32, #tpu.memory_space<vmem>>)
      %mul3A_512 = arith.constant 40 : i32
      %mul3A_513 = arith.muli %add3A_500, %mul3A_512 : i32
      %add3A_514 = arith.addi %mul3A_2, %mul3A_513 : i32
      %dma_start3A_515 = arith.constant 4 : i32
      %dma_start3A_516 = arith.constant 0 : i32
      %dma_start3A_517 = arith.constant 0 : i32
      %dma_start3A_518 = tpu.memref_slice %arg6[%dma_start3A_515, %dma_start3A_516, %dma_start3A_517] : memref<5x40x128xf32, #tpu.memory_space<vmem>> -> memref<1x40x128xf32, #tpu.memory_space<vmem>>
      %dma_start3A_519 = tpu.memref_squeeze %dma_start3A_518 : memref<1x40x128xf32, #tpu.memory_space<vmem>> -> memref<40x128xf32, #tpu.memory_space<vmem>>
      %dma_start3A_520 = arith.constant 0 : i32
      %dma_start3A_521 = tpu.memref_slice %arg4[%add3A_514, %dma_start3A_520] : memref<160000x128xf32, #tpu.memory_space<hbm>> -> memref<40x128xf32, #tpu.memory_space<hbm>>
      %dma_start3A_522 = arith.constant 0 : i32
      %dma_start3A_523 = tpu.memref_slice %arg4[%add3A_514, %dma_start3A_522] : memref<160000x128xf32, #tpu.memory_space<hbm>> -> memref<40x128xf32, #tpu.memory_space<hbm>>
      %dma_start3A_524 = arith.constant 0 : i32
      %dma_start3A_525 = arith.constant 0 : i32
      %dma_start3A_526 = tpu.memref_slice %arg6[%dma_start3A_515, %dma_start3A_524, %dma_start3A_525] : memref<5x40x128xf32, #tpu.memory_space<vmem>> -> memref<1x40x128xf32, #tpu.memory_space<vmem>>
      %dma_start3A_527 = tpu.memref_squeeze %dma_start3A_526 : memref<1x40x128xf32, #tpu.memory_space<vmem>> -> memref<40x128xf32, #tpu.memory_space<vmem>>
      tpu.enqueue_dma source(%dma_start3A_527 : memref<40x128xf32, #tpu.memory_space<vmem>>) target(%dma_start3A_523 : memref<40x128xf32, #tpu.memory_space<hbm>>) target_semaphore(%arg16 : memref<!tpu.dma_semaphore, #tpu.memory_space<semaphore_mem>>)
      %mul3A_528 = arith.constant 40 : i32
      %mul3A_529 = arith.muli %add3A_500, %mul3A_528 : i32
      %add3A_530 = arith.addi %mul3A_2, %mul3A_529 : i32
      %dma_wait3A_531 = arith.constant 4 : i32
      %dma_wait3A_532 = arith.constant 0 : i32
      %dma_wait3A_533 = arith.constant 0 : i32
      %dma_wait3A_534 = tpu.memref_slice %arg6[%dma_wait3A_531, %dma_wait3A_532, %dma_wait3A_533] : memref<5x40x128xf32, #tpu.memory_space<vmem>> -> memref<1x40x128xf32, #tpu.memory_space<vmem>>
      %dma_wait3A_535 = tpu.memref_squeeze %dma_wait3A_534 : memref<1x40x128xf32, #tpu.memory_space<vmem>> -> memref<40x128xf32, #tpu.memory_space<vmem>>
      %dma_wait3A_536 = arith.constant 0 : i32
      %dma_wait3A_537 = tpu.memref_slice %arg4[%add3A_530, %dma_wait3A_536] : memref<160000x128xf32, #tpu.memory_space<hbm>> -> memref<40x128xf32, #tpu.memory_space<hbm>>
      %dma_wait3A_538 = arith.constant 0 : i32
      %dma_wait3A_539 = tpu.memref_slice %arg4[%add3A_530, %dma_wait3A_538] : memref<160000x128xf32, #tpu.memory_space<hbm>> -> memref<40x128xf32, #tpu.memory_space<hbm>>
      %dma_wait3A_540 = arith.constant 0 : i32
      %dma_wait3A_541 = arith.constant 0 : i32
      %dma_wait3A_542 = tpu.memref_slice %arg6[%dma_wait3A_531, %dma_wait3A_540, %dma_wait3A_541] : memref<5x40x128xf32, #tpu.memory_space<vmem>> -> memref<1x40x128xf32, #tpu.memory_space<vmem>>
      %dma_wait3A_543 = tpu.memref_squeeze %dma_wait3A_542 : memref<1x40x128xf32, #tpu.memory_space<vmem>> -> memref<40x128xf32, #tpu.memory_space<vmem>>
      tpu.wait_dma2 semaphore(%arg16 : memref<!tpu.dma_semaphore, #tpu.memory_space<semaphore_mem>>) src(%dma_wait3A_543 : memref<40x128xf32, #tpu.memory_space<vmem>>) dst(%dma_wait3A_539 : memref<40x128xf32, #tpu.memory_space<hbm>>)
      %add3A_544 = arith.constant 5 : i32
      %add3A_545 = arith.addi %add3A_500, %add3A_544 : i32
      %mul3A_546 = arith.constant 40 : i32
      %mul3A_547 = arith.muli %add3A_545, %mul3A_546 : i32
      %dma_start3A_548 = arith.constant 4 : i32
      %dma_start3A_549 = arith.constant 0 : i32
      %dma_start3A_550 = arith.constant 0 : i32
      %dma_start3A_551 = tpu.memref_slice %arg6[%dma_start3A_548, %dma_start3A_549, %dma_start3A_550] : memref<5x40x128xf32, #tpu.memory_space<vmem>> -> memref<1x40x128xf32, #tpu.memory_space<vmem>>
      %dma_start3A_552 = tpu.memref_squeeze %dma_start3A_551 : memref<1x40x128xf32, #tpu.memory_space<vmem>> -> memref<40x128xf32, #tpu.memory_space<vmem>>
      %dma_start3A_553 = tpu.memref_slice %arg5[%mul3A_547] : memref<5000xi32, #tpu.memory_space<vmem>> -> memref<40xi32, #tpu.memory_space<vmem>>
      %dma_start3A_554 = arith.constant 0 : i32
      %dma_start3A_555 = arith.constant 0 : i32
      %dma_start3A_556 = tpu.memref_slice %arg2[%dma_start3A_554, %dma_start3A_555] : memref<10000x128xf32, #tpu.memory_space<hbm>> -> memref<10000x128xf32, #tpu.memory_space<hbm>>
      tpu.enqueue_indirect_dma source(%dma_start3A_556 : memref<10000x128xf32, #tpu.memory_space<hbm>>) target(%dma_start3A_552 : memref<40x128xf32, #tpu.memory_space<vmem>>) offsets(%dma_start3A_553 : memref<40xi32, #tpu.memory_space<vmem>>) semaphore(%arg11 : memref<!tpu.dma_semaphore, #tpu.memory_space<semaphore_mem>>)
    }
    %scan3A_56 = arith.constant 24 : i32
    %dma_wait3A = arith.constant 0 : i32
    %dma_wait3A_57 = arith.constant 0 : i32
    %dma_wait3A_58 = arith.constant 0 : i32
    %dma_wait3A_59 = tpu.memref_slice %arg6[%dma_wait3A, %dma_wait3A_57, %dma_wait3A_58] : memref<5x40x128xf32, #tpu.memory_space<vmem>> -> memref<1x40x128xf32, #tpu.memory_space<vmem>>
    %dma_wait3A_60 = tpu.memref_squeeze %dma_wait3A_59 : memref<1x40x128xf32, #tpu.memory_space<vmem>> -> memref<40x128xf32, #tpu.memory_space<vmem>>
    %dma_wait3A_61 = arith.constant 4800 : i32
    %dma_wait3A_62 = tpu.memref_slice %arg5[%dma_wait3A_61] : memref<5000xi32, #tpu.memory_space<vmem>> -> memref<40xi32, #tpu.memory_space<vmem>>
    %dma_wait3A_63 = arith.constant 0 : i32
    %dma_wait3A_64 = arith.constant 0 : i32
    %dma_wait3A_65 = tpu.memref_slice %arg2[%dma_wait3A_63, %dma_wait3A_64] : memref<10000x128xf32, #tpu.memory_space<hbm>> -> memref<10000x128xf32, #tpu.memory_space<hbm>>
    tpu.wait_indirect_dma semaphore(%arg7 : memref<!tpu.dma_semaphore, #tpu.memory_space<semaphore_mem>>) src(%dma_wait3A_65 : memref<10000x128xf32, #tpu.memory_space<hbm>>) dst(%dma_wait3A_60 : memref<40x128xf32, #tpu.memory_space<vmem>>)
    %add3A_66 = arith.constant 4800 : i32
    %add3A_67 = arith.addi %mul3A_2, %add3A_66 : i32
    %dma_start3A_68 = arith.constant 0 : i32
    %dma_start3A_69 = arith.constant 0 : i32
    %dma_start3A_70 = arith.constant 0 : i32
    %dma_start3A_71 = tpu.memref_slice %arg6[%dma_start3A_68, %dma_start3A_69, %dma_start3A_70] : memref<5x40x128xf32, #tpu.memory_space<vmem>> -> memref<1x40x128xf32, #tpu.memory_space<vmem>>
    %dma_start3A_72 = tpu.memref_squeeze %dma_start3A_71 : memref<1x40x128xf32, #tpu.memory_space<vmem>> -> memref<40x128xf32, #tpu.memory_space<vmem>>
    %dma_start3A_73 = arith.constant 0 : i32
    %dma_start3A_74 = tpu.memref_slice %arg4[%add3A_67, %dma_start3A_73] : memref<160000x128xf32, #tpu.memory_space<hbm>> -> memref<40x128xf32, #tpu.memory_space<hbm>>
    %dma_start3A_75 = arith.constant 0 : i32
    %dma_start3A_76 = tpu.memref_slice %arg4[%add3A_67, %dma_start3A_75] : memref<160000x128xf32, #tpu.memory_space<hbm>> -> memref<40x128xf32, #tpu.memory_space<hbm>>
    %dma_start3A_77 = arith.constant 0 : i32
    %dma_start3A_78 = arith.constant 0 : i32
    %dma_start3A_79 = tpu.memref_slice %arg6[%dma_start3A_68, %dma_start3A_77, %dma_start3A_78] : memref<5x40x128xf32, #tpu.memory_space<vmem>> -> memref<1x40x128xf32, #tpu.memory_space<vmem>>
    %dma_start3A_80 = tpu.memref_squeeze %dma_start3A_79 : memref<1x40x128xf32, #tpu.memory_space<vmem>> -> memref<40x128xf32, #tpu.memory_space<vmem>>
    tpu.enqueue_dma source(%dma_start3A_80 : memref<40x128xf32, #tpu.memory_space<vmem>>) target(%dma_start3A_76 : memref<40x128xf32, #tpu.memory_space<hbm>>) target_semaphore(%arg12 : memref<!tpu.dma_semaphore, #tpu.memory_space<semaphore_mem>>)
    %add3A_81 = arith.constant 4800 : i32
    %add3A_82 = arith.addi %mul3A_2, %add3A_81 : i32
    %dma_wait3A_83 = arith.constant 0 : i32
    %dma_wait3A_84 = arith.constant 0 : i32
    %dma_wait3A_85 = arith.constant 0 : i32
    %dma_wait3A_86 = tpu.memref_slice %arg6[%dma_wait3A_83, %dma_wait3A_84, %dma_wait3A_85] : memref<5x40x128xf32, #tpu.memory_space<vmem>> -> memref<1x40x128xf32, #tpu.memory_space<vmem>>
    %dma_wait3A_87 = tpu.memref_squeeze %dma_wait3A_86 : memref<1x40x128xf32, #tpu.memory_space<vmem>> -> memref<40x128xf32, #tpu.memory_space<vmem>>
    %dma_wait3A_88 = arith.constant 0 : i32
    %dma_wait3A_89 = tpu.memref_slice %arg4[%add3A_82, %dma_wait3A_88] : memref<160000x128xf32, #tpu.memory_space<hbm>> -> memref<40x128xf32, #tpu.memory_space<hbm>>
    %dma_wait3A_90 = arith.constant 0 : i32
    %dma_wait3A_91 = tpu.memref_slice %arg4[%add3A_82, %dma_wait3A_90] : memref<160000x128xf32, #tpu.memory_space<hbm>> -> memref<40x128xf32, #tpu.memory_space<hbm>>
    %dma_wait3A_92 = arith.constant 0 : i32
    %dma_wait3A_93 = arith.constant 0 : i32
    %dma_wait3A_94 = tpu.memref_slice %arg6[%dma_wait3A_83, %dma_wait3A_92, %dma_wait3A_93] : memref<5x40x128xf32, #tpu.memory_space<vmem>> -> memref<1x40x128xf32, #tpu.memory_space<vmem>>
    %dma_wait3A_95 = tpu.memref_squeeze %dma_wait3A_94 : memref<1x40x128xf32, #tpu.memory_space<vmem>> -> memref<40x128xf32, #tpu.memory_space<vmem>>
    tpu.wait_dma2 semaphore(%arg12 : memref<!tpu.dma_semaphore, #tpu.memory_space<semaphore_mem>>) src(%dma_wait3A_95 : memref<40x128xf32, #tpu.memory_space<vmem>>) dst(%dma_wait3A_91 : memref<40x128xf32, #tpu.memory_space<hbm>>)
    %dma_wait3A_96 = arith.constant 1 : i32
    %dma_wait3A_97 = arith.constant 0 : i32
    %dma_wait3A_98 = arith.constant 0 : i32
    %dma_wait3A_99 = tpu.memref_slice %arg6[%dma_wait3A_96, %dma_wait3A_97, %dma_wait3A_98] : memref<5x40x128xf32, #tpu.memory_space<vmem>> -> memref<1x40x128xf32, #tpu.memory_space<vmem>>
    %dma_wait3A_100 = tpu.memref_squeeze %dma_wait3A_99 : memref<1x40x128xf32, #tpu.memory_space<vmem>> -> memref<40x128xf32, #tpu.memory_space<vmem>>
    %dma_wait3A_101 = arith.constant 4840 : i32
    %dma_wait3A_102 = tpu.memref_slice %arg5[%dma_wait3A_101] : memref<5000xi32, #tpu.memory_space<vmem>> -> memref<40xi32, #tpu.memory_space<vmem>>
    %dma_wait3A_103 = arith.constant 0 : i32
    %dma_wait3A_104 = arith.constant 0 : i32
    %dma_wait3A_105 = tpu.memref_slice %arg2[%dma_wait3A_103, %dma_wait3A_104] : memref<10000x128xf32, #tpu.memory_space<hbm>> -> memref<10000x128xf32, #tpu.memory_space<hbm>>
    tpu.wait_indirect_dma semaphore(%arg8 : memref<!tpu.dma_semaphore, #tpu.memory_space<semaphore_mem>>) src(%dma_wait3A_105 : memref<10000x128xf32, #tpu.memory_space<hbm>>) dst(%dma_wait3A_100 : memref<40x128xf32, #tpu.memory_space<vmem>>)
    %add3A_106 = arith.constant 4840 : i32
    %add3A_107 = arith.addi %mul3A_2, %add3A_106 : i32
    %dma_start3A_108 = arith.constant 1 : i32
    %dma_start3A_109 = arith.constant 0 : i32
    %dma_start3A_110 = arith.constant 0 : i32
    %dma_start3A_111 = tpu.memref_slice %arg6[%dma_start3A_108, %dma_start3A_109, %dma_start3A_110] : memref<5x40x128xf32, #tpu.memory_space<vmem>> -> memref<1x40x128xf32, #tpu.memory_space<vmem>>
    %dma_start3A_112 = tpu.memref_squeeze %dma_start3A_111 : memref<1x40x128xf32, #tpu.memory_space<vmem>> -> memref<40x128xf32, #tpu.memory_space<vmem>>
    %dma_start3A_113 = arith.constant 0 : i32
    %dma_start3A_114 = tpu.memref_slice %arg4[%add3A_107, %dma_start3A_113] : memref<160000x128xf32, #tpu.memory_space<hbm>> -> memref<40x128xf32, #tpu.memory_space<hbm>>
    %dma_start3A_115 = arith.constant 0 : i32
    %dma_start3A_116 = tpu.memref_slice %arg4[%add3A_107, %dma_start3A_115] : memref<160000x128xf32, #tpu.memory_space<hbm>> -> memref<40x128xf32, #tpu.memory_space<hbm>>
    %dma_start3A_117 = arith.constant 0 : i32
    %dma_start3A_118 = arith.constant 0 : i32
    %dma_start3A_119 = tpu.memref_slice %arg6[%dma_start3A_108, %dma_start3A_117, %dma_start3A_118] : memref<5x40x128xf32, #tpu.memory_space<vmem>> -> memref<1x40x128xf32, #tpu.memory_space<vmem>>
    %dma_start3A_120 = tpu.memref_squeeze %dma_start3A_119 : memref<1x40x128xf32, #tpu.memory_space<vmem>> -> memref<40x128xf32, #tpu.memory_space<vmem>>
    tpu.enqueue_dma source(%dma_start3A_120 : memref<40x128xf32, #tpu.memory_space<vmem>>) target(%dma_start3A_116 : memref<40x128xf32, #tpu.memory_space<hbm>>) target_semaphore(%arg13 : memref<!tpu.dma_semaphore, #tpu.memory_space<semaphore_mem>>)
    %add3A_121 = arith.constant 4840 : i32
    %add3A_122 = arith.addi %mul3A_2, %add3A_121 : i32
    %dma_wait3A_123 = arith.constant 1 : i32
    %dma_wait3A_124 = arith.constant 0 : i32
    %dma_wait3A_125 = arith.constant 0 : i32
    %dma_wait3A_126 = tpu.memref_slice %arg6[%dma_wait3A_123, %dma_wait3A_124, %dma_wait3A_125] : memref<5x40x128xf32, #tpu.memory_space<vmem>> -> memref<1x40x128xf32, #tpu.memory_space<vmem>>
    %dma_wait3A_127 = tpu.memref_squeeze %dma_wait3A_126 : memref<1x40x128xf32, #tpu.memory_space<vmem>> -> memref<40x128xf32, #tpu.memory_space<vmem>>
    %dma_wait3A_128 = arith.constant 0 : i32
    %dma_wait3A_129 = tpu.memref_slice %arg4[%add3A_122, %dma_wait3A_128] : memref<160000x128xf32, #tpu.memory_space<hbm>> -> memref<40x128xf32, #tpu.memory_space<hbm>>
    %dma_wait3A_130 = arith.constant 0 : i32
    %dma_wait3A_131 = tpu.memref_slice %arg4[%add3A_122, %dma_wait3A_130] : memref<160000x128xf32, #tpu.memory_space<hbm>> -> memref<40x128xf32, #tpu.memory_space<hbm>>
    %dma_wait3A_132 = arith.constant 0 : i32
    %dma_wait3A_133 = arith.constant 0 : i32
    %dma_wait3A_134 = tpu.memref_slice %arg6[%dma_wait3A_123, %dma_wait3A_132, %dma_wait3A_133] : memref<5x40x128xf32, #tpu.memory_space<vmem>> -> memref<1x40x128xf32, #tpu.memory_space<vmem>>
    %dma_wait3A_135 = tpu.memref_squeeze %dma_wait3A_134 : memref<1x40x128xf32, #tpu.memory_space<vmem>> -> memref<40x128xf32, #tpu.memory_space<vmem>>
    tpu.wait_dma2 semaphore(%arg13 : memref<!tpu.dma_semaphore, #tpu.memory_space<semaphore_mem>>) src(%dma_wait3A_135 : memref<40x128xf32, #tpu.memory_space<vmem>>) dst(%dma_wait3A_131 : memref<40x128xf32, #tpu.memory_space<hbm>>)
    %dma_wait3A_136 = arith.constant 2 : i32
    %dma_wait3A_137 = arith.constant 0 : i32
    %dma_wait3A_138 = arith.constant 0 : i32
    %dma_wait3A_139 = tpu.memref_slice %arg6[%dma_wait3A_136, %dma_wait3A_137, %dma_wait3A_138] : memref<5x40x128xf32, #tpu.memory_space<vmem>> -> memref<1x40x128xf32, #tpu.memory_space<vmem>>
    %dma_wait3A_140 = tpu.memref_squeeze %dma_wait3A_139 : memref<1x40x128xf32, #tpu.memory_space<vmem>> -> memref<40x128xf32, #tpu.memory_space<vmem>>
    %dma_wait3A_141 = arith.constant 4880 : i32
    %dma_wait3A_142 = tpu.memref_slice %arg5[%dma_wait3A_141] : memref<5000xi32, #tpu.memory_space<vmem>> -> memref<40xi32, #tpu.memory_space<vmem>>
    %dma_wait3A_143 = arith.constant 0 : i32
    %dma_wait3A_144 = arith.constant 0 : i32
    %dma_wait3A_145 = tpu.memref_slice %arg2[%dma_wait3A_143, %dma_wait3A_144] : memref<10000x128xf32, #tpu.memory_space<hbm>> -> memref<10000x128xf32, #tpu.memory_space<hbm>>
    tpu.wait_indirect_dma semaphore(%arg9 : memref<!tpu.dma_semaphore, #tpu.memory_space<semaphore_mem>>) src(%dma_wait3A_145 : memref<10000x128xf32, #tpu.memory_space<hbm>>) dst(%dma_wait3A_140 : memref<40x128xf32, #tpu.memory_space<vmem>>)
    %add3A_146 = arith.constant 4880 : i32
    %add3A_147 = arith.addi %mul3A_2, %add3A_146 : i32
    %dma_start3A_148 = arith.constant 2 : i32
    %dma_start3A_149 = arith.constant 0 : i32
    %dma_start3A_150 = arith.constant 0 : i32
    %dma_start3A_151 = tpu.memref_slice %arg6[%dma_start3A_148, %dma_start3A_149, %dma_start3A_150] : memref<5x40x128xf32, #tpu.memory_space<vmem>> -> memref<1x40x128xf32, #tpu.memory_space<vmem>>
    %dma_start3A_152 = tpu.memref_squeeze %dma_start3A_151 : memref<1x40x128xf32, #tpu.memory_space<vmem>> -> memref<40x128xf32, #tpu.memory_space<vmem>>
    %dma_start3A_153 = arith.constant 0 : i32
    %dma_start3A_154 = tpu.memref_slice %arg4[%add3A_147, %dma_start3A_153] : memref<160000x128xf32, #tpu.memory_space<hbm>> -> memref<40x128xf32, #tpu.memory_space<hbm>>
    %dma_start3A_155 = arith.constant 0 : i32
    %dma_start3A_156 = tpu.memref_slice %arg4[%add3A_147, %dma_start3A_155] : memref<160000x128xf32, #tpu.memory_space<hbm>> -> memref<40x128xf32, #tpu.memory_space<hbm>>
    %dma_start3A_157 = arith.constant 0 : i32
    %dma_start3A_158 = arith.constant 0 : i32
    %dma_start3A_159 = tpu.memref_slice %arg6[%dma_start3A_148, %dma_start3A_157, %dma_start3A_158] : memref<5x40x128xf32, #tpu.memory_space<vmem>> -> memref<1x40x128xf32, #tpu.memory_space<vmem>>
    %dma_start3A_160 = tpu.memref_squeeze %dma_start3A_159 : memref<1x40x128xf32, #tpu.memory_space<vmem>> -> memref<40x128xf32, #tpu.memory_space<vmem>>
    tpu.enqueue_dma source(%dma_start3A_160 : memref<40x128xf32, #tpu.memory_space<vmem>>) target(%dma_start3A_156 : memref<40x128xf32, #tpu.memory_space<hbm>>) target_semaphore(%arg14 : memref<!tpu.dma_semaphore, #tpu.memory_space<semaphore_mem>>)
    %add3A_161 = arith.constant 4880 : i32
    %add3A_162 = arith.addi %mul3A_2, %add3A_161 : i32
    %dma_wait3A_163 = arith.constant 2 : i32
    %dma_wait3A_164 = arith.constant 0 : i32
    %dma_wait3A_165 = arith.constant 0 : i32
    %dma_wait3A_166 = tpu.memref_slice %arg6[%dma_wait3A_163, %dma_wait3A_164, %dma_wait3A_165] : memref<5x40x128xf32, #tpu.memory_space<vmem>> -> memref<1x40x128xf32, #tpu.memory_space<vmem>>
    %dma_wait3A_167 = tpu.memref_squeeze %dma_wait3A_166 : memref<1x40x128xf32, #tpu.memory_space<vmem>> -> memref<40x128xf32, #tpu.memory_space<vmem>>
    %dma_wait3A_168 = arith.constant 0 : i32
    %dma_wait3A_169 = tpu.memref_slice %arg4[%add3A_162, %dma_wait3A_168] : memref<160000x128xf32, #tpu.memory_space<hbm>> -> memref<40x128xf32, #tpu.memory_space<hbm>>
    %dma_wait3A_170 = arith.constant 0 : i32
    %dma_wait3A_171 = tpu.memref_slice %arg4[%add3A_162, %dma_wait3A_170] : memref<160000x128xf32, #tpu.memory_space<hbm>> -> memref<40x128xf32, #tpu.memory_space<hbm>>
    %dma_wait3A_172 = arith.constant 0 : i32
    %dma_wait3A_173 = arith.constant 0 : i32
    %dma_wait3A_174 = tpu.memref_slice %arg6[%dma_wait3A_163, %dma_wait3A_172, %dma_wait3A_173] : memref<5x40x128xf32, #tpu.memory_space<vmem>> -> memref<1x40x128xf32, #tpu.memory_space<vmem>>
    %dma_wait3A_175 = tpu.memref_squeeze %dma_wait3A_174 : memref<1x40x128xf32, #tpu.memory_space<vmem>> -> memref<40x128xf32, #tpu.memory_space<vmem>>
    tpu.wait_dma2 semaphore(%arg14 : memref<!tpu.dma_semaphore, #tpu.memory_space<semaphore_mem>>) src(%dma_wait3A_175 : memref<40x128xf32, #tpu.memory_space<vmem>>) dst(%dma_wait3A_171 : memref<40x128xf32, #tpu.memory_space<hbm>>)
    %dma_wait3A_176 = arith.constant 3 : i32
    %dma_wait3A_177 = arith.constant 0 : i32
    %dma_wait3A_178 = arith.constant 0 : i32
    %dma_wait3A_179 = tpu.memref_slice %arg6[%dma_wait3A_176, %dma_wait3A_177, %dma_wait3A_178] : memref<5x40x128xf32, #tpu.memory_space<vmem>> -> memref<1x40x128xf32, #tpu.memory_space<vmem>>
    %dma_wait3A_180 = tpu.memref_squeeze %dma_wait3A_179 : memref<1x40x128xf32, #tpu.memory_space<vmem>> -> memref<40x128xf32, #tpu.memory_space<vmem>>
    %dma_wait3A_181 = arith.constant 4920 : i32
    %dma_wait3A_182 = tpu.memref_slice %arg5[%dma_wait3A_181] : memref<5000xi32, #tpu.memory_space<vmem>> -> memref<40xi32, #tpu.memory_space<vmem>>
    %dma_wait3A_183 = arith.constant 0 : i32
    %dma_wait3A_184 = arith.constant 0 : i32
    %dma_wait3A_185 = tpu.memref_slice %arg2[%dma_wait3A_183, %dma_wait3A_184] : memref<10000x128xf32, #tpu.memory_space<hbm>> -> memref<10000x128xf32, #tpu.memory_space<hbm>>
    tpu.wait_indirect_dma semaphore(%arg10 : memref<!tpu.dma_semaphore, #tpu.memory_space<semaphore_mem>>) src(%dma_wait3A_185 : memref<10000x128xf32, #tpu.memory_space<hbm>>) dst(%dma_wait3A_180 : memref<40x128xf32, #tpu.memory_space<vmem>>)
    %add3A_186 = arith.constant 4920 : i32
    %add3A_187 = arith.addi %mul3A_2, %add3A_186 : i32
    %dma_start3A_188 = arith.constant 3 : i32
    %dma_start3A_189 = arith.constant 0 : i32
    %dma_start3A_190 = arith.constant 0 : i32
    %dma_start3A_191 = tpu.memref_slice %arg6[%dma_start3A_188, %dma_start3A_189, %dma_start3A_190] : memref<5x40x128xf32, #tpu.memory_space<vmem>> -> memref<1x40x128xf32, #tpu.memory_space<vmem>>
    %dma_start3A_192 = tpu.memref_squeeze %dma_start3A_191 : memref<1x40x128xf32, #tpu.memory_space<vmem>> -> memref<40x128xf32, #tpu.memory_space<vmem>>
    %dma_start3A_193 = arith.constant 0 : i32
    %dma_start3A_194 = tpu.memref_slice %arg4[%add3A_187, %dma_start3A_193] : memref<160000x128xf32, #tpu.memory_space<hbm>> -> memref<40x128xf32, #tpu.memory_space<hbm>>
    %dma_start3A_195 = arith.constant 0 : i32
    %dma_start3A_196 = tpu.memref_slice %arg4[%add3A_187, %dma_start3A_195] : memref<160000x128xf32, #tpu.memory_space<hbm>> -> memref<40x128xf32, #tpu.memory_space<hbm>>
    %dma_start3A_197 = arith.constant 0 : i32
    %dma_start3A_198 = arith.constant 0 : i32
    %dma_start3A_199 = tpu.memref_slice %arg6[%dma_start3A_188, %dma_start3A_197, %dma_start3A_198] : memref<5x40x128xf32, #tpu.memory_space<vmem>> -> memref<1x40x128xf32, #tpu.memory_space<vmem>>
    %dma_start3A_200 = tpu.memref_squeeze %dma_start3A_199 : memref<1x40x128xf32, #tpu.memory_space<vmem>> -> memref<40x128xf32, #tpu.memory_space<vmem>>
    tpu.enqueue_dma source(%dma_start3A_200 : memref<40x128xf32, #tpu.memory_space<vmem>>) target(%dma_start3A_196 : memref<40x128xf32, #tpu.memory_space<hbm>>) target_semaphore(%arg15 : memref<!tpu.dma_semaphore, #tpu.memory_space<semaphore_mem>>)
    %add3A_201 = arith.constant 4920 : i32
    %add3A_202 = arith.addi %mul3A_2, %add3A_201 : i32
    %dma_wait3A_203 = arith.constant 3 : i32
    %dma_wait3A_204 = arith.constant 0 : i32
    %dma_wait3A_205 = arith.constant 0 : i32
    %dma_wait3A_206 = tpu.memref_slice %arg6[%dma_wait3A_203, %dma_wait3A_204, %dma_wait3A_205] : memref<5x40x128xf32, #tpu.memory_space<vmem>> -> memref<1x40x128xf32, #tpu.memory_space<vmem>>
    %dma_wait3A_207 = tpu.memref_squeeze %dma_wait3A_206 : memref<1x40x128xf32, #tpu.memory_space<vmem>> -> memref<40x128xf32, #tpu.memory_space<vmem>>
    %dma_wait3A_208 = arith.constant 0 : i32
    %dma_wait3A_209 = tpu.memref_slice %arg4[%add3A_202, %dma_wait3A_208] : memref<160000x128xf32, #tpu.memory_space<hbm>> -> memref<40x128xf32, #tpu.memory_space<hbm>>
    %dma_wait3A_210 = arith.constant 0 : i32
    %dma_wait3A_211 = tpu.memref_slice %arg4[%add3A_202, %dma_wait3A_210] : memref<160000x128xf32, #tpu.memory_space<hbm>> -> memref<40x128xf32, #tpu.memory_space<hbm>>
    %dma_wait3A_212 = arith.constant 0 : i32
    %dma_wait3A_213 = arith.constant 0 : i32
    %dma_wait3A_214 = tpu.memref_slice %arg6[%dma_wait3A_203, %dma_wait3A_212, %dma_wait3A_213] : memref<5x40x128xf32, #tpu.memory_space<vmem>> -> memref<1x40x128xf32, #tpu.memory_space<vmem>>
    %dma_wait3A_215 = tpu.memref_squeeze %dma_wait3A_214 : memref<1x40x128xf32, #tpu.memory_space<vmem>> -> memref<40x128xf32, #tpu.memory_space<vmem>>
    tpu.wait_dma2 semaphore(%arg15 : memref<!tpu.dma_semaphore, #tpu.memory_space<semaphore_mem>>) src(%dma_wait3A_215 : memref<40x128xf32, #tpu.memory_space<vmem>>) dst(%dma_wait3A_211 : memref<40x128xf32, #tpu.memory_space<hbm>>)
    %dma_wait3A_216 = arith.constant 4 : i32
    %dma_wait3A_217 = arith.constant 0 : i32
    %dma_wait3A_218 = arith.constant 0 : i32
    %dma_wait3A_219 = tpu.memref_slice %arg6[%dma_wait3A_216, %dma_wait3A_217, %dma_wait3A_218] : memref<5x40x128xf32, #tpu.memory_space<vmem>> -> memref<1x40x128xf32, #tpu.memory_space<vmem>>
    %dma_wait3A_220 = tpu.memref_squeeze %dma_wait3A_219 : memref<1x40x128xf32, #tpu.memory_space<vmem>> -> memref<40x128xf32, #tpu.memory_space<vmem>>
    %dma_wait3A_221 = arith.constant 4960 : i32
    %dma_wait3A_222 = tpu.memref_slice %arg5[%dma_wait3A_221] : memref<5000xi32, #tpu.memory_space<vmem>> -> memref<40xi32, #tpu.memory_space<vmem>>
    %dma_wait3A_223 = arith.constant 0 : i32
    %dma_wait3A_224 = arith.constant 0 : i32
    %dma_wait3A_225 = tpu.memref_slice %arg2[%dma_wait3A_223, %dma_wait3A_224] : memref<10000x128xf32, #tpu.memory_space<hbm>> -> memref<10000x128xf32, #tpu.memory_space<hbm>>
    tpu.wait_indirect_dma semaphore(%arg11 : memref<!tpu.dma_semaphore, #tpu.memory_space<semaphore_mem>>) src(%dma_wait3A_225 : memref<10000x128xf32, #tpu.memory_space<hbm>>) dst(%dma_wait3A_220 : memref<40x128xf32, #tpu.memory_space<vmem>>)
    %add3A_226 = arith.constant 4960 : i32
    %add3A_227 = arith.addi %mul3A_2, %add3A_226 : i32
    %dma_start3A_228 = arith.constant 4 : i32
    %dma_start3A_229 = arith.constant 0 : i32
    %dma_start3A_230 = arith.constant 0 : i32
    %dma_start3A_231 = tpu.memref_slice %arg6[%dma_start3A_228, %dma_start3A_229, %dma_start3A_230] : memref<5x40x128xf32, #tpu.memory_space<vmem>> -> memref<1x40x128xf32, #tpu.memory_space<vmem>>
    %dma_start3A_232 = tpu.memref_squeeze %dma_start3A_231 : memref<1x40x128xf32, #tpu.memory_space<vmem>> -> memref<40x128xf32, #tpu.memory_space<vmem>>
    %dma_start3A_233 = arith.constant 0 : i32
    %dma_start3A_234 = tpu.memref_slice %arg4[%add3A_227, %dma_start3A_233] : memref<160000x128xf32, #tpu.memory_space<hbm>> -> memref<40x128xf32, #tpu.memory_space<hbm>>
    %dma_start3A_235 = arith.constant 0 : i32
    %dma_start3A_236 = tpu.memref_slice %arg4[%add3A_227, %dma_start3A_235] : memref<160000x128xf32, #tpu.memory_space<hbm>> -> memref<40x128xf32, #tpu.memory_space<hbm>>
    %dma_start3A_237 = arith.constant 0 : i32
    %dma_start3A_238 = arith.constant 0 : i32
    %dma_start3A_239 = tpu.memref_slice %arg6[%dma_start3A_228, %dma_start3A_237, %dma_start3A_238] : memref<5x40x128xf32, #tpu.memory_space<vmem>> -> memref<1x40x128xf32, #tpu.memory_space<vmem>>
    %dma_start3A_240 = tpu.memref_squeeze %dma_start3A_239 : memref<1x40x128xf32, #tpu.memory_space<vmem>> -> memref<40x128xf32, #tpu.memory_space<vmem>>
    tpu.enqueue_dma source(%dma_start3A_240 : memref<40x128xf32, #tpu.memory_space<vmem>>) target(%dma_start3A_236 : memref<40x128xf32, #tpu.memory_space<hbm>>) target_semaphore(%arg16 : memref<!tpu.dma_semaphore, #tpu.memory_space<semaphore_mem>>)
    %add3A_241 = arith.constant 4960 : i32
    %add3A_242 = arith.addi %mul3A_2, %add3A_241 : i32
    %dma_wait3A_243 = arith.constant 4 : i32
    %dma_wait3A_244 = arith.constant 0 : i32
    %dma_wait3A_245 = arith.constant 0 : i32
    %dma_wait3A_246 = tpu.memref_slice %arg6[%dma_wait3A_243, %dma_wait3A_244, %dma_wait3A_245] : memref<5x40x128xf32, #tpu.memory_space<vmem>> -> memref<1x40x128xf32, #tpu.memory_space<vmem>>
    %dma_wait3A_247 = tpu.memref_squeeze %dma_wait3A_246 : memref<1x40x128xf32, #tpu.memory_space<vmem>> -> memref<40x128xf32, #tpu.memory_space<vmem>>
    %dma_wait3A_248 = arith.constant 0 : i32
    %dma_wait3A_249 = tpu.memref_slice %arg4[%add3A_242, %dma_wait3A_248] : memref<160000x128xf32, #tpu.memory_space<hbm>> -> memref<40x128xf32, #tpu.memory_space<hbm>>
    %dma_wait3A_250 = arith.constant 0 : i32
    %dma_wait3A_251 = tpu.memref_slice %arg4[%add3A_242, %dma_wait3A_250] : memref<160000x128xf32, #tpu.memory_space<hbm>> -> memref<40x128xf32, #tpu.memory_space<hbm>>
    %dma_wait3A_252 = arith.constant 0 : i32
    %dma_wait3A_253 = arith.constant 0 : i32
    %dma_wait3A_254 = tpu.memref_slice %arg6[%dma_wait3A_243, %dma_wait3A_252, %dma_wait3A_253] : memref<5x40x128xf32, #tpu.memory_space<vmem>> -> memref<1x40x128xf32, #tpu.memory_space<vmem>>
    %dma_wait3A_255 = tpu.memref_squeeze %dma_wait3A_254 : memref<1x40x128xf32, #tpu.memory_space<vmem>> -> memref<40x128xf32, #tpu.memory_space<vmem>>
    tpu.wait_dma2 semaphore(%arg16 : memref<!tpu.dma_semaphore, #tpu.memory_space<semaphore_mem>>) src(%dma_wait3A_255 : memref<40x128xf32, #tpu.memory_space<vmem>>) dst(%dma_wait3A_251 : memref<40x128xf32, #tpu.memory_space<hbm>>)
    return
  }
}

module attributes {stable_mosaic.version = 14 : i64} {
  func.func @_xw_body(%arg0: i32, %arg1: memref<2000x128xf32, #tpu.memory_space<vmem>>, %arg2: memref<128x128xf32, #tpu.memory_space<vmem>>, %arg3: memref<2000x128xf32, #tpu.memory_space<vmem>>) attributes {dimension_semantics = [#tpu.dimension_semantics<arbitrary>], iteration_bounds = array<i64: 5>, scalar_prefetch = 0 : i64, scratch_operands = 0 : i64, tpu.core_type = #tpu.core_type<tc>, window_params = [{transform_indices = @transform_0, window_bounds = array<i64: 2000, 128>}, {pipeline_mode = #tpu.pipeline_mode<synchronous>, transform_indices = @transform_1, window_bounds = array<i64: 128, 128>}, {transform_indices = @transform_2, window_bounds = array<i64: 2000, 128>}]} {
    %get3A = arith.constant 0 : index
    %get3A_0 = arith.constant 0 : index
    %get3A_1 = vector.load %arg1[%get3A, %get3A_0] : memref<2000x128xf32, #tpu.memory_space<vmem>>, vector<2000x128xf32>
    %get3A_2 = arith.constant 0 : index
    %get3A_3 = arith.constant 0 : index
    %get3A_4 = vector.load %arg2[%get3A_2, %get3A_3] : memref<128x128xf32, #tpu.memory_space<vmem>>, vector<128x128xf32>
    %dot_general3A = arith.constant dense<0.000000e+00> : vector<2000x128xf32>
    %dot_general3A_5 = tpu.matmul %get3A_1, %get3A_4, %dot_general3A {dimension_numbers = #tpu.dot_dimension_numbers<[1], [0], [0], [1], [0, 0, 1, 1], [], []>, transpose_lhs_hint = false} : vector<2000x128xf32>, vector<128x128xf32>, vector<2000x128xf32> -> vector<2000x128xf32>
    %swap3A = arith.constant 0 : index
    %swap3A_6 = arith.constant 0 : index
    %swap3A_7 = vector.load %arg3[%swap3A, %swap3A_6] : memref<2000x128xf32, #tpu.memory_space<vmem>>, vector<2000x128xf32>
    tpu.vector_store %arg3[%swap3A, %swap3A_6], %dot_general3A_5 {strides = array<i32>} : memref<2000x128xf32, #tpu.memory_space<vmem>>, vector<2000x128xf32>,
    return
  }
  func.func @transform_0(%arg0: i32) -> (i32, i32) {
    %c0_i32 = arith.constant 0 : i32
    %c0_i32_0 = arith.constant 0 : i32
    return %arg0, %c0_i32 : i32, i32
  }
  func.func @transform_1(%arg0: i32) -> (i32, i32) {
    %c0_i32 = arith.constant 0 : i32
    %c0_i32_0 = arith.constant 0 : i32
    %c0_i32_1 = arith.constant 0 : i32
    return %c0_i32, %c0_i32_0 : i32, i32
  }
  func.func @transform_2(%arg0: i32) -> (i32, i32) {
    %c0_i32 = arith.constant 0 : i32
    %c0_i32_0 = arith.constant 0 : i32
    return %arg0, %c0_i32 : i32, i32
  }
}

module attributes {stable_mosaic.version = 14 : i64} {
  func.func @_fused_body(%arg0: i32, %arg1: memref<16x1000x128xf32, #tpu.memory_space<vmem>>, %arg2: memref<1000x256xf32, #tpu.memory_space<vmem>>, %arg3: memref<16x128xf32, #tpu.memory_space<vmem>>, %arg4: memref<1x128xf32, #tpu.memory_space<vmem>>, %arg5: memref<128x128xf32, #tpu.memory_space<vmem>>, %arg6: memref<1x128xf32, #tpu.memory_space<vmem>>, %arg7: memref<128x1xf32, #tpu.memory_space<vmem>>, %arg8: memref<16x2048xf32, #tpu.memory_space<vmem>>, %arg9: memref<128x128xf32, #tpu.memory_space<vmem>>, %arg10: memref<1x128xf32, #tpu.memory_space<vmem>>, %arg11: memref<128x128xf32, #tpu.memory_space<vmem>>, %arg12: memref<1x128xf32, #tpu.memory_space<vmem>>, %arg13: memref<1000x128xf32, #tpu.memory_space<vmem>>, %arg14: memref<1000x16xf32, #tpu.memory_space<vmem>>, %arg15: memref<16x1000x128xf32, #tpu.memory_space<vmem>>) attributes {dimension_semantics = [#tpu.dimension_semantics<arbitrary>], iteration_bounds = array<i64: 10>, scalar_prefetch = 0 : i64, scratch_operands = 1 : i64, tpu.core_type = #tpu.core_type<tc>, window_params = [{transform_indices = @transform_0, window_bounds = array<i64: 16, 1000, 128>}, {transform_indices = @transform_1, window_bounds = array<i64: 1000, 256>}, {pipeline_mode = #tpu.pipeline_mode<synchronous>, transform_indices = @transform_2, window_bounds = array<i64: 16, 128>}, {pipeline_mode = #tpu.pipeline_mode<synchronous>, transform_indices = @transform_3, window_bounds = array<i64: 1, 128>}, {pipeline_mode = #tpu.pipeline_mode<synchronous>, transform_indices = @transform_4, window_bounds = array<i64: 128, 128>}, {pipeline_mode = #tpu.pipeline_mode<synchronous>, transform_indices = @transform_5, window_bounds = array<i64: 1, 128>}, {pipeline_mode = #tpu.pipeline_mode<synchronous>, transform_indices = @transform_6, window_bounds = array<i64: 128, 1>}, {pipeline_mode = #tpu.pipeline_mode<synchronous>, transform_indices = @transform_7, window_bounds = array<i64: 16, 2048>}, {pipeline_mode = #tpu.pipeline_mode<synchronous>, transform_indices = @transform_8, window_bounds = array<i64: 128, 128>}, {pipeline_mode = #tpu.pipeline_mode<synchronous>, transform_indices = @transform_9, window_bounds = array<i64: 1, 128>}, {pipeline_mode = #tpu.pipeline_mode<synchronous>, transform_indices = @transform_10, window_bounds = array<i64: 128, 128>}, {pipeline_mode = #tpu.pipeline_mode<synchronous>, transform_indices = @transform_11, window_bounds = array<i64: 1, 128>}, {transform_indices = @transform_12, window_bounds = array<i64: 1000, 128>}, {transform_indices = @transform_13, window_bounds = array<i64: 1000, 16>}]} {
    %get3A = arith.constant 0 : index
    %get3A_0 = arith.constant 0 : index
    %get3A_1 = vector.load %arg2[%get3A, %get3A_0] : memref<1000x256xf32, #tpu.memory_space<vmem>>, vector<1000x16xf32>
    %get3A_2 = arith.constant 0 : index
    %get3A_3 = arith.constant 0 : index
    %get3A_4 = vector.load %arg3[%get3A_2, %get3A_3] : memref<16x128xf32, #tpu.memory_space<vmem>>, vector<16x128xf32>
    %dot_general3A = arith.constant dense<0.000000e+00> : vector<1000x128xf32>
    %dot_general3A_5 = tpu.matmul %get3A_1, %get3A_4, %dot_general3A {dimension_numbers = #tpu.dot_dimension_numbers<[1], [0], [0], [1], [0, 0, 1, 1], [], []>, transpose_lhs_hint = false} : vector<1000x16xf32>, vector<16x128xf32>, vector<1000x128xf32> -> vector<1000x128xf32>
    %get3A_6 = arith.constant 0 : index
    %get3A_7 = arith.constant 0 : index
    %get3A_8 = vector.load %arg4[%get3A_6, %get3A_7] : memref<1x128xf32, #tpu.memory_space<vmem>>, vector<1x128xf32>
    %add3A = vector.broadcast %get3A_8 : vector<1x128xf32> to vector<1000x128xf32>
    %add3A_9 = arith.addf %dot_general3A_5, %add3A : vector<1000x128xf32>
    %tanh3A = math.tanh %add3A_9 : vector<1000x128xf32>
    %get3A_10 = arith.constant 0 : index
    %get3A_11 = arith.constant 0 : index
    %get3A_12 = vector.load %arg5[%get3A_10, %get3A_11] : memref<128x128xf32, #tpu.memory_space<vmem>>, vector<128x128xf32>
    %dot_general3A_13 = arith.constant dense<0.000000e+00> : vector<1000x128xf32>
    %dot_general3A_14 = tpu.matmul %tanh3A, %get3A_12, %dot_general3A_13 {dimension_numbers = #tpu.dot_dimension_numbers<[1], [0], [0], [1], [0, 0, 1, 1], [], []>, transpose_lhs_hint = false} : vector<1000x128xf32>, vector<128x128xf32>, vector<1000x128xf32> -> vector<1000x128xf32>
    %get3A_15 = arith.constant 0 : index
    %get3A_16 = arith.constant 0 : index
    %get3A_17 = vector.load %arg6[%get3A_15, %get3A_16] : memref<1x128xf32, #tpu.memory_space<vmem>>, vector<1x128xf32>
    %add3A_18 = vector.broadcast %get3A_17 : vector<1x128xf32> to vector<1000x128xf32>
    %add3A_19 = arith.addf %dot_general3A_14, %add3A_18 : vector<1000x128xf32>
    %get3A_20 = arith.constant 0 : index
    %get3A_21 = arith.constant 0 : index
    %get3A_22 = arith.constant 0 : index
    %get3A_23 = vector.load %arg1[%get3A_20, %get3A_21, %get3A_22] : memref<16x1000x128xf32, #tpu.memory_space<vmem>>, vector<1x1000x128xf32>
    %get3A_24 = vector.shape_cast %get3A_23 : vector<1x1000x128xf32> to vector<1000x128xf32>
    %mul3A = arith.mulf %get3A_24, %add3A_19 : vector<1000x128xf32>
    %swap3A = arith.constant 0 : index
    %swap3A_25 = arith.constant 0 : index
    %swap3A_26 = arith.constant 0 : index
    %swap3A_27 = vector.load %arg15[%swap3A, %swap3A_25, %swap3A_26] : memref<16x1000x128xf32, #tpu.memory_space<vmem>>, vector<1x1000x128xf32>
    %swap3A_28 = vector.shape_cast %swap3A_27 : vector<1x1000x128xf32> to vector<1000x128xf32>
    %swap3A_29 = vector.shape_cast %mul3A : vector<1000x128xf32> to vector<1x1000x128xf32>
    tpu.vector_store %arg15[%swap3A, %swap3A_25, %swap3A_26], %swap3A_29 {strides = array<i32>} : memref<16x1000x128xf32, #tpu.memory_space<vmem>>, vector<1x1000x128xf32>,
    %get3A_30 = arith.constant 0 : index
    %get3A_31 = arith.constant 0 : index
    %get3A_32 = vector.load %arg7[%get3A_30, %get3A_31] : memref<128x1xf32, #tpu.memory_space<vmem>>, vector<128x1xf32>
    %dot_general3A_33 = arith.constant dense<0.000000e+00> : vector<1000x1xf32>
    %dot_general3A_34 = tpu.matmul %mul3A, %get3A_32, %dot_general3A_33 {dimension_numbers = #tpu.dot_dimension_numbers<[1], [0], [0], [1], [0, 0, 1, 1], [], []>, transpose_lhs_hint = false} : vector<1000x128xf32>, vector<128x1xf32>, vector<1000x1xf32> -> vector<1000x1xf32>
    %get3A_35 = arith.constant 0 : index
    %get3A_36 = arith.constant 16 : index
    %get3A_37 = vector.load %arg2[%get3A_35, %get3A_36] : memref<1000x256xf32, #tpu.memory_space<vmem>>, vector<1000x16xf32>
    %get3A_38 = arith.constant 0 : index
    %get3A_39 = arith.constant 0 : index
    %get3A_40 = vector.load %arg3[%get3A_38, %get3A_39] : memref<16x128xf32, #tpu.memory_space<vmem>>, vector<16x128xf32>
    %dot_general3A_41 = arith.constant dense<0.000000e+00> : vector<1000x128xf32>
    %dot_general3A_42 = tpu.matmul %get3A_37, %get3A_40, %dot_general3A_41 {dimension_numbers = #tpu.dot_dimension_numbers<[1], [0], [0], [1], [0, 0, 1, 1], [], []>, transpose_lhs_hint = false} : vector<1000x16xf32>, vector<16x128xf32>, vector<1000x128xf32> -> vector<1000x128xf32>
    %get3A_43 = arith.constant 0 : index
    %get3A_44 = arith.constant 0 : index
    %get3A_45 = vector.load %arg4[%get3A_43, %get3A_44] : memref<1x128xf32, #tpu.memory_space<vmem>>, vector<1x128xf32>
    %add3A_46 = vector.broadcast %get3A_45 : vector<1x128xf32> to vector<1000x128xf32>
    %add3A_47 = arith.addf %dot_general3A_42, %add3A_46 : vector<1000x128xf32>
    %tanh3A_48 = math.tanh %add3A_47 : vector<1000x128xf32>
    %get3A_49 = arith.constant 0 : index
    %get3A_50 = arith.constant 0 : index
    %get3A_51 = vector.load %arg5[%get3A_49, %get3A_50] : memref<128x128xf32, #tpu.memory_space<vmem>>, vector<128x128xf32>
    %dot_general3A_52 = arith.constant dense<0.000000e+00> : vector<1000x128xf32>
    %dot_general3A_53 = tpu.matmul %tanh3A_48, %get3A_51, %dot_general3A_52 {dimension_numbers = #tpu.dot_dimension_numbers<[1], [0], [0], [1], [0, 0, 1, 1], [], []>, transpose_lhs_hint = false} : vector<1000x128xf32>, vector<128x128xf32>, vector<1000x128xf32> -> vector<1000x128xf32>
    %get3A_54 = arith.constant 0 : index
    %get3A_55 = arith.constant 0 : index
    %get3A_56 = vector.load %arg6[%get3A_54, %get3A_55] : memref<1x128xf32, #tpu.memory_space<vmem>>, vector<1x128xf32>
    %add3A_57 = vector.broadcast %get3A_56 : vector<1x128xf32> to vector<1000x128xf32>
    %add3A_58 = arith.addf %dot_general3A_53, %add3A_57 : vector<1000x128xf32>
    %get3A_59 = arith.constant 1 : index
    %get3A_60 = arith.constant 0 : index
    %get3A_61 = arith.constant 0 : index
    %get3A_62 = vector.load %arg1[%get3A_59, %get3A_60, %get3A_61] : memref<16x1000x128xf32, #tpu.memory_space<vmem>>, vector<1x1000x128xf32>
    %get3A_63 = vector.shape_cast %get3A_62 : vector<1x1000x128xf32> to vector<1000x128xf32>
    %mul3A_64 = arith.mulf %get3A_63, %add3A_58 : vector<1000x128xf32>
    %swap3A_65 = arith.constant 1 : index
    %swap3A_66 = arith.constant 0 : index
    %swap3A_67 = arith.constant 0 : index
    %swap3A_68 = vector.load %arg15[%swap3A_65, %swap3A_66, %swap3A_67] : memref<16x1000x128xf32, #tpu.memory_space<vmem>>, vector<1x1000x128xf32>
    %swap3A_69 = vector.shape_cast %swap3A_68 : vector<1x1000x128xf32> to vector<1000x128xf32>
    %swap3A_70 = vector.shape_cast %mul3A_64 : vector<1000x128xf32> to vector<1x1000x128xf32>
    tpu.vector_store %arg15[%swap3A_65, %swap3A_66, %swap3A_67], %swap3A_70 {strides = array<i32>} : memref<16x1000x128xf32, #tpu.memory_space<vmem>>, vector<1x1000x128xf32>,
    %get3A_71 = arith.constant 0 : index
    %get3A_72 = arith.constant 0 : index
    %get3A_73 = vector.load %arg7[%get3A_71, %get3A_72] : memref<128x1xf32, #tpu.memory_space<vmem>>, vector<128x1xf32>
    %dot_general3A_74 = arith.constant dense<0.000000e+00> : vector<1000x1xf32>
    %dot_general3A_75 = tpu.matmul %mul3A_64, %get3A_73, %dot_general3A_74 {dimension_numbers = #tpu.dot_dimension_numbers<[1], [0], [0], [1], [0, 0, 1, 1], [], []>, transpose_lhs_hint = false} : vector<1000x128xf32>, vector<128x1xf32>, vector<1000x1xf32> -> vector<1000x1xf32>
    %get3A_76 = arith.constant 0 : index
    %get3A_77 = arith.constant 32 : index
    %get3A_78 = vector.load %arg2[%get3A_76, %get3A_77] : memref<1000x256xf32, #tpu.memory_space<vmem>>, vector<1000x16xf32>
    %get3A_79 = arith.constant 0 : index
    %get3A_80 = arith.constant 0 : index
    %get3A_81 = vector.load %arg3[%get3A_79, %get3A_80] : memref<16x128xf32, #tpu.memory_space<vmem>>, vector<16x128xf32>
    %dot_general3A_82 = arith.constant dense<0.000000e+00> : vector<1000x128xf32>
    %dot_general3A_83 = tpu.matmul %get3A_78, %get3A_81, %dot_general3A_82 {dimension_numbers = #tpu.dot_dimension_numbers<[1], [0], [0], [1], [0, 0, 1, 1], [], []>, transpose_lhs_hint = false} : vector<1000x16xf32>, vector<16x128xf32>, vector<1000x128xf32> -> vector<1000x128xf32>
    %get3A_84 = arith.constant 0 : index
    %get3A_85 = arith.constant 0 : index
    %get3A_86 = vector.load %arg4[%get3A_84, %get3A_85] : memref<1x128xf32, #tpu.memory_space<vmem>>, vector<1x128xf32>
    %add3A_87 = vector.broadcast %get3A_86 : vector<1x128xf32> to vector<1000x128xf32>
    %add3A_88 = arith.addf %dot_general3A_83, %add3A_87 : vector<1000x128xf32>
    %tanh3A_89 = math.tanh %add3A_88 : vector<1000x128xf32>
    %get3A_90 = arith.constant 0 : index
    %get3A_91 = arith.constant 0 : index
    %get3A_92 = vector.load %arg5[%get3A_90, %get3A_91] : memref<128x128xf32, #tpu.memory_space<vmem>>, vector<128x128xf32>
    %dot_general3A_93 = arith.constant dense<0.000000e+00> : vector<1000x128xf32>
    %dot_general3A_94 = tpu.matmul %tanh3A_89, %get3A_92, %dot_general3A_93 {dimension_numbers = #tpu.dot_dimension_numbers<[1], [0], [0], [1], [0, 0, 1, 1], [], []>, transpose_lhs_hint = false} : vector<1000x128xf32>, vector<128x128xf32>, vector<1000x128xf32> -> vector<1000x128xf32>
    %get3A_95 = arith.constant 0 : index
    %get3A_96 = arith.constant 0 : index
    %get3A_97 = vector.load %arg6[%get3A_95, %get3A_96] : memref<1x128xf32, #tpu.memory_space<vmem>>, vector<1x128xf32>
    %add3A_98 = vector.broadcast %get3A_97 : vector<1x128xf32> to vector<1000x128xf32>
    %add3A_99 = arith.addf %dot_general3A_94, %add3A_98 : vector<1000x128xf32>
    %get3A_100 = arith.constant 2 : index
    %get3A_101 = arith.constant 0 : index
    %get3A_102 = arith.constant 0 : index
    %get3A_103 = vector.load %arg1[%get3A_100, %get3A_101, %get3A_102] : memref<16x1000x128xf32, #tpu.memory_space<vmem>>, vector<1x1000x128xf32>
    %get3A_104 = vector.shape_cast %get3A_103 : vector<1x1000x128xf32> to vector<1000x128xf32>
    %mul3A_105 = arith.mulf %get3A_104, %add3A_99 : vector<1000x128xf32>
    %swap3A_106 = arith.constant 2 : index
    %swap3A_107 = arith.constant 0 : index
    %swap3A_108 = arith.constant 0 : index
    %swap3A_109 = vector.load %arg15[%swap3A_106, %swap3A_107, %swap3A_108] : memref<16x1000x128xf32, #tpu.memory_space<vmem>>, vector<1x1000x128xf32>
    %swap3A_110 = vector.shape_cast %swap3A_109 : vector<1x1000x128xf32> to vector<1000x128xf32>
    %swap3A_111 = vector.shape_cast %mul3A_105 : vector<1000x128xf32> to vector<1x1000x128xf32>
    tpu.vector_store %arg15[%swap3A_106, %swap3A_107, %swap3A_108], %swap3A_111 {strides = array<i32>} : memref<16x1000x128xf32, #tpu.memory_space<vmem>>, vector<1x1000x128xf32>,
    %get3A_112 = arith.constant 0 : index
    %get3A_113 = arith.constant 0 : index
    %get3A_114 = vector.load %arg7[%get3A_112, %get3A_113] : memref<128x1xf32, #tpu.memory_space<vmem>>, vector<128x1xf32>
    %dot_general3A_115 = arith.constant dense<0.000000e+00> : vector<1000x1xf32>
    %dot_general3A_116 = tpu.matmul %mul3A_105, %get3A_114, %dot_general3A_115 {dimension_numbers = #tpu.dot_dimension_numbers<[1], [0], [0], [1], [0, 0, 1, 1], [], []>, transpose_lhs_hint = false} : vector<1000x128xf32>, vector<128x1xf32>, vector<1000x1xf32> -> vector<1000x1xf32>
    %get3A_117 = arith.constant 0 : index
    %get3A_118 = arith.constant 48 : index
    %get3A_119 = vector.load %arg2[%get3A_117, %get3A_118] : memref<1000x256xf32, #tpu.memory_space<vmem>>, vector<1000x16xf32>
    %get3A_120 = arith.constant 0 : index
    %get3A_121 = arith.constant 0 : index
    %get3A_122 = vector.load %arg3[%get3A_120, %get3A_121] : memref<16x128xf32, #tpu.memory_space<vmem>>, vector<16x128xf32>
    %dot_general3A_123 = arith.constant dense<0.000000e+00> : vector<1000x128xf32>
    %dot_general3A_124 = tpu.matmul %get3A_119, %get3A_122, %dot_general3A_123 {dimension_numbers = #tpu.dot_dimension_numbers<[1], [0], [0], [1], [0, 0, 1, 1], [], []>, transpose_lhs_hint = false} : vector<1000x16xf32>, vector<16x128xf32>, vector<1000x128xf32> -> vector<1000x128xf32>
    %get3A_125 = arith.constant 0 : index
    %get3A_126 = arith.constant 0 : index
    %get3A_127 = vector.load %arg4[%get3A_125, %get3A_126] : memref<1x128xf32, #tpu.memory_space<vmem>>, vector<1x128xf32>
    %add3A_128 = vector.broadcast %get3A_127 : vector<1x128xf32> to vector<1000x128xf32>
    %add3A_129 = arith.addf %dot_general3A_124, %add3A_128 : vector<1000x128xf32>
    %tanh3A_130 = math.tanh %add3A_129 : vector<1000x128xf32>
    %get3A_131 = arith.constant 0 : index
    %get3A_132 = arith.constant 0 : index
    %get3A_133 = vector.load %arg5[%get3A_131, %get3A_132] : memref<128x128xf32, #tpu.memory_space<vmem>>, vector<128x128xf32>
    %dot_general3A_134 = arith.constant dense<0.000000e+00> : vector<1000x128xf32>
    %dot_general3A_135 = tpu.matmul %tanh3A_130, %get3A_133, %dot_general3A_134 {dimension_numbers = #tpu.dot_dimension_numbers<[1], [0], [0], [1], [0, 0, 1, 1], [], []>, transpose_lhs_hint = false} : vector<1000x128xf32>, vector<128x128xf32>, vector<1000x128xf32> -> vector<1000x128xf32>
    %get3A_136 = arith.constant 0 : index
    %get3A_137 = arith.constant 0 : index
    %get3A_138 = vector.load %arg6[%get3A_136, %get3A_137] : memref<1x128xf32, #tpu.memory_space<vmem>>, vector<1x128xf32>
    %add3A_139 = vector.broadcast %get3A_138 : vector<1x128xf32> to vector<1000x128xf32>
    %add3A_140 = arith.addf %dot_general3A_135, %add3A_139 : vector<1000x128xf32>
    %get3A_141 = arith.constant 3 : index
    %get3A_142 = arith.constant 0 : index
    %get3A_143 = arith.constant 0 : index
    %get3A_144 = vector.load %arg1[%get3A_141, %get3A_142, %get3A_143] : memref<16x1000x128xf32, #tpu.memory_space<vmem>>, vector<1x1000x128xf32>
    %get3A_145 = vector.shape_cast %get3A_144 : vector<1x1000x128xf32> to vector<1000x128xf32>
    %mul3A_146 = arith.mulf %get3A_145, %add3A_140 : vector<1000x128xf32>
    %swap3A_147 = arith.constant 3 : index
    %swap3A_148 = arith.constant 0 : index
    %swap3A_149 = arith.constant 0 : index
    %swap3A_150 = vector.load %arg15[%swap3A_147, %swap3A_148, %swap3A_149] : memref<16x1000x128xf32, #tpu.memory_space<vmem>>, vector<1x1000x128xf32>
    %swap3A_151 = vector.shape_cast %swap3A_150 : vector<1x1000x128xf32> to vector<1000x128xf32>
    %swap3A_152 = vector.shape_cast %mul3A_146 : vector<1000x128xf32> to vector<1x1000x128xf32>
    tpu.vector_store %arg15[%swap3A_147, %swap3A_148, %swap3A_149], %swap3A_152 {strides = array<i32>} : memref<16x1000x128xf32, #tpu.memory_space<vmem>>, vector<1x1000x128xf32>,
    %get3A_153 = arith.constant 0 : index
    %get3A_154 = arith.constant 0 : index
    %get3A_155 = vector.load %arg7[%get3A_153, %get3A_154] : memref<128x1xf32, #tpu.memory_space<vmem>>, vector<128x1xf32>
    %dot_general3A_156 = arith.constant dense<0.000000e+00> : vector<1000x1xf32>
    %dot_general3A_157 = tpu.matmul %mul3A_146, %get3A_155, %dot_general3A_156 {dimension_numbers = #tpu.dot_dimension_numbers<[1], [0], [0], [1], [0, 0, 1, 1], [], []>, transpose_lhs_hint = false} : vector<1000x128xf32>, vector<128x1xf32>, vector<1000x1xf32> -> vector<1000x1xf32>
    %get3A_158 = arith.constant 0 : index
    %get3A_159 = arith.constant 64 : index
    %get3A_160 = vector.load %arg2[%get3A_158, %get3A_159] : memref<1000x256xf32, #tpu.memory_space<vmem>>, vector<1000x16xf32>
    %get3A_161 = arith.constant 0 : index
    %get3A_162 = arith.constant 0 : index
    %get3A_163 = vector.load %arg3[%get3A_161, %get3A_162] : memref<16x128xf32, #tpu.memory_space<vmem>>, vector<16x128xf32>
    %dot_general3A_164 = arith.constant dense<0.000000e+00> : vector<1000x128xf32>
    %dot_general3A_165 = tpu.matmul %get3A_160, %get3A_163, %dot_general3A_164 {dimension_numbers = #tpu.dot_dimension_numbers<[1], [0], [0], [1], [0, 0, 1, 1], [], []>, transpose_lhs_hint = false} : vector<1000x16xf32>, vector<16x128xf32>, vector<1000x128xf32> -> vector<1000x128xf32>
    %get3A_166 = arith.constant 0 : index
    %get3A_167 = arith.constant 0 : index
    %get3A_168 = vector.load %arg4[%get3A_166, %get3A_167] : memref<1x128xf32, #tpu.memory_space<vmem>>, vector<1x128xf32>
    %add3A_169 = vector.broadcast %get3A_168 : vector<1x128xf32> to vector<1000x128xf32>
    %add3A_170 = arith.addf %dot_general3A_165, %add3A_169 : vector<1000x128xf32>
    %tanh3A_171 = math.tanh %add3A_170 : vector<1000x128xf32>
    %get3A_172 = arith.constant 0 : index
    %get3A_173 = arith.constant 0 : index
    %get3A_174 = vector.load %arg5[%get3A_172, %get3A_173] : memref<128x128xf32, #tpu.memory_space<vmem>>, vector<128x128xf32>
    %dot_general3A_175 = arith.constant dense<0.000000e+00> : vector<1000x128xf32>
    %dot_general3A_176 = tpu.matmul %tanh3A_171, %get3A_174, %dot_general3A_175 {dimension_numbers = #tpu.dot_dimension_numbers<[1], [0], [0], [1], [0, 0, 1, 1], [], []>, transpose_lhs_hint = false} : vector<1000x128xf32>, vector<128x128xf32>, vector<1000x128xf32> -> vector<1000x128xf32>
    %get3A_177 = arith.constant 0 : index
    %get3A_178 = arith.constant 0 : index
    %get3A_179 = vector.load %arg6[%get3A_177, %get3A_178] : memref<1x128xf32, #tpu.memory_space<vmem>>, vector<1x128xf32>
    %add3A_180 = vector.broadcast %get3A_179 : vector<1x128xf32> to vector<1000x128xf32>
    %add3A_181 = arith.addf %dot_general3A_176, %add3A_180 : vector<1000x128xf32>
    %get3A_182 = arith.constant 4 : index
    %get3A_183 = arith.constant 0 : index
    %get3A_184 = arith.constant 0 : index
    %get3A_185 = vector.load %arg1[%get3A_182, %get3A_183, %get3A_184] : memref<16x1000x128xf32, #tpu.memory_space<vmem>>, vector<1x1000x128xf32>
    %get3A_186 = vector.shape_cast %get3A_185 : vector<1x1000x128xf32> to vector<1000x128xf32>
    %mul3A_187 = arith.mulf %get3A_186, %add3A_181 : vector<1000x128xf32>
    %swap3A_188 = arith.constant 4 : index
    %swap3A_189 = arith.constant 0 : index
    %swap3A_190 = arith.constant 0 : index
    %swap3A_191 = vector.load %arg15[%swap3A_188, %swap3A_189, %swap3A_190] : memref<16x1000x128xf32, #tpu.memory_space<vmem>>, vector<1x1000x128xf32>
    %swap3A_192 = vector.shape_cast %swap3A_191 : vector<1x1000x128xf32> to vector<1000x128xf32>
    %swap3A_193 = vector.shape_cast %mul3A_187 : vector<1000x128xf32> to vector<1x1000x128xf32>
    tpu.vector_store %arg15[%swap3A_188, %swap3A_189, %swap3A_190], %swap3A_193 {strides = array<i32>} : memref<16x1000x128xf32, #tpu.memory_space<vmem>>, vector<1x1000x128xf32>,
    %get3A_194 = arith.constant 0 : index
    %get3A_195 = arith.constant 0 : index
    %get3A_196 = vector.load %arg7[%get3A_194, %get3A_195] : memref<128x1xf32, #tpu.memory_space<vmem>>, vector<128x1xf32>
    %dot_general3A_197 = arith.constant dense<0.000000e+00> : vector<1000x1xf32>
    %dot_general3A_198 = tpu.matmul %mul3A_187, %get3A_196, %dot_general3A_197 {dimension_numbers = #tpu.dot_dimension_numbers<[1], [0], [0], [1], [0, 0, 1, 1], [], []>, transpose_lhs_hint = false} : vector<1000x128xf32>, vector<128x1xf32>, vector<1000x1xf32> -> vector<1000x1xf32>
    %get3A_199 = arith.constant 0 : index
    %get3A_200 = arith.constant 80 : index
    %get3A_201 = vector.load %arg2[%get3A_199, %get3A_200] : memref<1000x256xf32, #tpu.memory_space<vmem>>, vector<1000x16xf32>
    %get3A_202 = arith.constant 0 : index
    %get3A_203 = arith.constant 0 : index
    %get3A_204 = vector.load %arg3[%get3A_202, %get3A_203] : memref<16x128xf32, #tpu.memory_space<vmem>>, vector<16x128xf32>
    %dot_general3A_205 = arith.constant dense<0.000000e+00> : vector<1000x128xf32>
    %dot_general3A_206 = tpu.matmul %get3A_201, %get3A_204, %dot_general3A_205 {dimension_numbers = #tpu.dot_dimension_numbers<[1], [0], [0], [1], [0, 0, 1, 1], [], []>, transpose_lhs_hint = false} : vector<1000x16xf32>, vector<16x128xf32>, vector<1000x128xf32> -> vector<1000x128xf32>
    %get3A_207 = arith.constant 0 : index
    %get3A_208 = arith.constant 0 : index
    %get3A_209 = vector.load %arg4[%get3A_207, %get3A_208] : memref<1x128xf32, #tpu.memory_space<vmem>>, vector<1x128xf32>
    %add3A_210 = vector.broadcast %get3A_209 : vector<1x128xf32> to vector<1000x128xf32>
    %add3A_211 = arith.addf %dot_general3A_206, %add3A_210 : vector<1000x128xf32>
    %tanh3A_212 = math.tanh %add3A_211 : vector<1000x128xf32>
    %get3A_213 = arith.constant 0 : index
    %get3A_214 = arith.constant 0 : index
    %get3A_215 = vector.load %arg5[%get3A_213, %get3A_214] : memref<128x128xf32, #tpu.memory_space<vmem>>, vector<128x128xf32>
    %dot_general3A_216 = arith.constant dense<0.000000e+00> : vector<1000x128xf32>
    %dot_general3A_217 = tpu.matmul %tanh3A_212, %get3A_215, %dot_general3A_216 {dimension_numbers = #tpu.dot_dimension_numbers<[1], [0], [0], [1], [0, 0, 1, 1], [], []>, transpose_lhs_hint = false} : vector<1000x128xf32>, vector<128x128xf32>, vector<1000x128xf32> -> vector<1000x128xf32>
    %get3A_218 = arith.constant 0 : index
    %get3A_219 = arith.constant 0 : index
    %get3A_220 = vector.load %arg6[%get3A_218, %get3A_219] : memref<1x128xf32, #tpu.memory_space<vmem>>, vector<1x128xf32>
    %add3A_221 = vector.broadcast %get3A_220 : vector<1x128xf32> to vector<1000x128xf32>
    %add3A_222 = arith.addf %dot_general3A_217, %add3A_221 : vector<1000x128xf32>
    %get3A_223 = arith.constant 5 : index
    %get3A_224 = arith.constant 0 : index
    %get3A_225 = arith.constant 0 : index
    %get3A_226 = vector.load %arg1[%get3A_223, %get3A_224, %get3A_225] : memref<16x1000x128xf32, #tpu.memory_space<vmem>>, vector<1x1000x128xf32>
    %get3A_227 = vector.shape_cast %get3A_226 : vector<1x1000x128xf32> to vector<1000x128xf32>
    %mul3A_228 = arith.mulf %get3A_227, %add3A_222 : vector<1000x128xf32>
    %swap3A_229 = arith.constant 5 : index
    %swap3A_230 = arith.constant 0 : index
    %swap3A_231 = arith.constant 0 : index
    %swap3A_232 = vector.load %arg15[%swap3A_229, %swap3A_230, %swap3A_231] : memref<16x1000x128xf32, #tpu.memory_space<vmem>>, vector<1x1000x128xf32>
    %swap3A_233 = vector.shape_cast %swap3A_232 : vector<1x1000x128xf32> to vector<1000x128xf32>
    %swap3A_234 = vector.shape_cast %mul3A_228 : vector<1000x128xf32> to vector<1x1000x128xf32>
    tpu.vector_store %arg15[%swap3A_229, %swap3A_230, %swap3A_231], %swap3A_234 {strides = array<i32>} : memref<16x1000x128xf32, #tpu.memory_space<vmem>>, vector<1x1000x128xf32>,
    %get3A_235 = arith.constant 0 : index
    %get3A_236 = arith.constant 0 : index
    %get3A_237 = vector.load %arg7[%get3A_235, %get3A_236] : memref<128x1xf32, #tpu.memory_space<vmem>>, vector<128x1xf32>
    %dot_general3A_238 = arith.constant dense<0.000000e+00> : vector<1000x1xf32>
    %dot_general3A_239 = tpu.matmul %mul3A_228, %get3A_237, %dot_general3A_238 {dimension_numbers = #tpu.dot_dimension_numbers<[1], [0], [0], [1], [0, 0, 1, 1], [], []>, transpose_lhs_hint = false} : vector<1000x128xf32>, vector<128x1xf32>, vector<1000x1xf32> -> vector<1000x1xf32>
    %get3A_240 = arith.constant 0 : index
    %get3A_241 = arith.constant 96 : index
    %get3A_242 = vector.load %arg2[%get3A_240, %get3A_241] : memref<1000x256xf32, #tpu.memory_space<vmem>>, vector<1000x16xf32>
    %get3A_243 = arith.constant 0 : index
    %get3A_244 = arith.constant 0 : index
    %get3A_245 = vector.load %arg3[%get3A_243, %get3A_244] : memref<16x128xf32, #tpu.memory_space<vmem>>, vector<16x128xf32>
    %dot_general3A_246 = arith.constant dense<0.000000e+00> : vector<1000x128xf32>
    %dot_general3A_247 = tpu.matmul %get3A_242, %get3A_245, %dot_general3A_246 {dimension_numbers = #tpu.dot_dimension_numbers<[1], [0], [0], [1], [0, 0, 1, 1], [], []>, transpose_lhs_hint = false} : vector<1000x16xf32>, vector<16x128xf32>, vector<1000x128xf32> -> vector<1000x128xf32>
    %get3A_248 = arith.constant 0 : index
    %get3A_249 = arith.constant 0 : index
    %get3A_250 = vector.load %arg4[%get3A_248, %get3A_249] : memref<1x128xf32, #tpu.memory_space<vmem>>, vector<1x128xf32>
    %add3A_251 = vector.broadcast %get3A_250 : vector<1x128xf32> to vector<1000x128xf32>
    %add3A_252 = arith.addf %dot_general3A_247, %add3A_251 : vector<1000x128xf32>
    %tanh3A_253 = math.tanh %add3A_252 : vector<1000x128xf32>
    %get3A_254 = arith.constant 0 : index
    %get3A_255 = arith.constant 0 : index
    %get3A_256 = vector.load %arg5[%get3A_254, %get3A_255] : memref<128x128xf32, #tpu.memory_space<vmem>>, vector<128x128xf32>
    %dot_general3A_257 = arith.constant dense<0.000000e+00> : vector<1000x128xf32>
    %dot_general3A_258 = tpu.matmul %tanh3A_253, %get3A_256, %dot_general3A_257 {dimension_numbers = #tpu.dot_dimension_numbers<[1], [0], [0], [1], [0, 0, 1, 1], [], []>, transpose_lhs_hint = false} : vector<1000x128xf32>, vector<128x128xf32>, vector<1000x128xf32> -> vector<1000x128xf32>
    %get3A_259 = arith.constant 0 : index
    %get3A_260 = arith.constant 0 : index
    %get3A_261 = vector.load %arg6[%get3A_259, %get3A_260] : memref<1x128xf32, #tpu.memory_space<vmem>>, vector<1x128xf32>
    %add3A_262 = vector.broadcast %get3A_261 : vector<1x128xf32> to vector<1000x128xf32>
    %add3A_263 = arith.addf %dot_general3A_258, %add3A_262 : vector<1000x128xf32>
    %get3A_264 = arith.constant 6 : index
    %get3A_265 = arith.constant 0 : index
    %get3A_266 = arith.constant 0 : index
    %get3A_267 = vector.load %arg1[%get3A_264, %get3A_265, %get3A_266] : memref<16x1000x128xf32, #tpu.memory_space<vmem>>, vector<1x1000x128xf32>
    %get3A_268 = vector.shape_cast %get3A_267 : vector<1x1000x128xf32> to vector<1000x128xf32>
    %mul3A_269 = arith.mulf %get3A_268, %add3A_263 : vector<1000x128xf32>
    %swap3A_270 = arith.constant 6 : index
    %swap3A_271 = arith.constant 0 : index
    %swap3A_272 = arith.constant 0 : index
    %swap3A_273 = vector.load %arg15[%swap3A_270, %swap3A_271, %swap3A_272] : memref<16x1000x128xf32, #tpu.memory_space<vmem>>, vector<1x1000x128xf32>
    %swap3A_274 = vector.shape_cast %swap3A_273 : vector<1x1000x128xf32> to vector<1000x128xf32>
    %swap3A_275 = vector.shape_cast %mul3A_269 : vector<1000x128xf32> to vector<1x1000x128xf32>
    tpu.vector_store %arg15[%swap3A_270, %swap3A_271, %swap3A_272], %swap3A_275 {strides = array<i32>} : memref<16x1000x128xf32, #tpu.memory_space<vmem>>, vector<1x1000x128xf32>,
    %get3A_276 = arith.constant 0 : index
    %get3A_277 = arith.constant 0 : index
    %get3A_278 = vector.load %arg7[%get3A_276, %get3A_277] : memref<128x1xf32, #tpu.memory_space<vmem>>, vector<128x1xf32>
    %dot_general3A_279 = arith.constant dense<0.000000e+00> : vector<1000x1xf32>
    %dot_general3A_280 = tpu.matmul %mul3A_269, %get3A_278, %dot_general3A_279 {dimension_numbers = #tpu.dot_dimension_numbers<[1], [0], [0], [1], [0, 0, 1, 1], [], []>, transpose_lhs_hint = false} : vector<1000x128xf32>, vector<128x1xf32>, vector<1000x1xf32> -> vector<1000x1xf32>
    %get3A_281 = arith.constant 0 : index
    %get3A_282 = arith.constant 112 : index
    %get3A_283 = vector.load %arg2[%get3A_281, %get3A_282] : memref<1000x256xf32, #tpu.memory_space<vmem>>, vector<1000x16xf32>
    %get3A_284 = arith.constant 0 : index
    %get3A_285 = arith.constant 0 : index
    %get3A_286 = vector.load %arg3[%get3A_284, %get3A_285] : memref<16x128xf32, #tpu.memory_space<vmem>>, vector<16x128xf32>
    %dot_general3A_287 = arith.constant dense<0.000000e+00> : vector<1000x128xf32>
    %dot_general3A_288 = tpu.matmul %get3A_283, %get3A_286, %dot_general3A_287 {dimension_numbers = #tpu.dot_dimension_numbers<[1], [0], [0], [1], [0, 0, 1, 1], [], []>, transpose_lhs_hint = false} : vector<1000x16xf32>, vector<16x128xf32>, vector<1000x128xf32> -> vector<1000x128xf32>
    %get3A_289 = arith.constant 0 : index
    %get3A_290 = arith.constant 0 : index
    %get3A_291 = vector.load %arg4[%get3A_289, %get3A_290] : memref<1x128xf32, #tpu.memory_space<vmem>>, vector<1x128xf32>
    %add3A_292 = vector.broadcast %get3A_291 : vector<1x128xf32> to vector<1000x128xf32>
    %add3A_293 = arith.addf %dot_general3A_288, %add3A_292 : vector<1000x128xf32>
    %tanh3A_294 = math.tanh %add3A_293 : vector<1000x128xf32>
    %get3A_295 = arith.constant 0 : index
    %get3A_296 = arith.constant 0 : index
    %get3A_297 = vector.load %arg5[%get3A_295, %get3A_296] : memref<128x128xf32, #tpu.memory_space<vmem>>, vector<128x128xf32>
    %dot_general3A_298 = arith.constant dense<0.000000e+00> : vector<1000x128xf32>
    %dot_general3A_299 = tpu.matmul %tanh3A_294, %get3A_297, %dot_general3A_298 {dimension_numbers = #tpu.dot_dimension_numbers<[1], [0], [0], [1], [0, 0, 1, 1], [], []>, transpose_lhs_hint = false} : vector<1000x128xf32>, vector<128x128xf32>, vector<1000x128xf32> -> vector<1000x128xf32>
    %get3A_300 = arith.constant 0 : index
    %get3A_301 = arith.constant 0 : index
    %get3A_302 = vector.load %arg6[%get3A_300, %get3A_301] : memref<1x128xf32, #tpu.memory_space<vmem>>, vector<1x128xf32>
    %add3A_303 = vector.broadcast %get3A_302 : vector<1x128xf32> to vector<1000x128xf32>
    %add3A_304 = arith.addf %dot_general3A_299, %add3A_303 : vector<1000x128xf32>
    %get3A_305 = arith.constant 7 : index
    %get3A_306 = arith.constant 0 : index
    %get3A_307 = arith.constant 0 : index
    %get3A_308 = vector.load %arg1[%get3A_305, %get3A_306, %get3A_307] : memref<16x1000x128xf32, #tpu.memory_space<vmem>>, vector<1x1000x128xf32>
    %get3A_309 = vector.shape_cast %get3A_308 : vector<1x1000x128xf32> to vector<1000x128xf32>
    %mul3A_310 = arith.mulf %get3A_309, %add3A_304 : vector<1000x128xf32>
    %swap3A_311 = arith.constant 7 : index
    %swap3A_312 = arith.constant 0 : index
    %swap3A_313 = arith.constant 0 : index
    %swap3A_314 = vector.load %arg15[%swap3A_311, %swap3A_312, %swap3A_313] : memref<16x1000x128xf32, #tpu.memory_space<vmem>>, vector<1x1000x128xf32>
    %swap3A_315 = vector.shape_cast %swap3A_314 : vector<1x1000x128xf32> to vector<1000x128xf32>
    %swap3A_316 = vector.shape_cast %mul3A_310 : vector<1000x128xf32> to vector<1x1000x128xf32>
    tpu.vector_store %arg15[%swap3A_311, %swap3A_312, %swap3A_313], %swap3A_316 {strides = array<i32>} : memref<16x1000x128xf32, #tpu.memory_space<vmem>>, vector<1x1000x128xf32>,
    %get3A_317 = arith.constant 0 : index
    %get3A_318 = arith.constant 0 : index
    %get3A_319 = vector.load %arg7[%get3A_317, %get3A_318] : memref<128x1xf32, #tpu.memory_space<vmem>>, vector<128x1xf32>
    %dot_general3A_320 = arith.constant dense<0.000000e+00> : vector<1000x1xf32>
    %dot_general3A_321 = tpu.matmul %mul3A_310, %get3A_319, %dot_general3A_320 {dimension_numbers = #tpu.dot_dimension_numbers<[1], [0], [0], [1], [0, 0, 1, 1], [], []>, transpose_lhs_hint = false} : vector<1000x128xf32>, vector<128x1xf32>, vector<1000x1xf32> -> vector<1000x1xf32>
    %get3A_322 = arith.constant 0 : index
    %get3A_323 = arith.constant 128 : index
    %get3A_324 = vector.load %arg2[%get3A_322, %get3A_323] : memref<1000x256xf32, #tpu.memory_space<vmem>>, vector<1000x16xf32>
    %get3A_325 = arith.constant 0 : index
    %get3A_326 = arith.constant 0 : index
    %get3A_327 = vector.load %arg3[%get3A_325, %get3A_326] : memref<16x128xf32, #tpu.memory_space<vmem>>, vector<16x128xf32>
    %dot_general3A_328 = arith.constant dense<0.000000e+00> : vector<1000x128xf32>
    %dot_general3A_329 = tpu.matmul %get3A_324, %get3A_327, %dot_general3A_328 {dimension_numbers = #tpu.dot_dimension_numbers<[1], [0], [0], [1], [0, 0, 1, 1], [], []>, transpose_lhs_hint = false} : vector<1000x16xf32>, vector<16x128xf32>, vector<1000x128xf32> -> vector<1000x128xf32>
    %get3A_330 = arith.constant 0 : index
    %get3A_331 = arith.constant 0 : index
    %get3A_332 = vector.load %arg4[%get3A_330, %get3A_331] : memref<1x128xf32, #tpu.memory_space<vmem>>, vector<1x128xf32>
    %add3A_333 = vector.broadcast %get3A_332 : vector<1x128xf32> to vector<1000x128xf32>
    %add3A_334 = arith.addf %dot_general3A_329, %add3A_333 : vector<1000x128xf32>
    %tanh3A_335 = math.tanh %add3A_334 : vector<1000x128xf32>
    %get3A_336 = arith.constant 0 : index
    %get3A_337 = arith.constant 0 : index
    %get3A_338 = vector.load %arg5[%get3A_336, %get3A_337] : memref<128x128xf32, #tpu.memory_space<vmem>>, vector<128x128xf32>
    %dot_general3A_339 = arith.constant dense<0.000000e+00> : vector<1000x128xf32>
    %dot_general3A_340 = tpu.matmul %tanh3A_335, %get3A_338, %dot_general3A_339 {dimension_numbers = #tpu.dot_dimension_numbers<[1], [0], [0], [1], [0, 0, 1, 1], [], []>, transpose_lhs_hint = false} : vector<1000x128xf32>, vector<128x128xf32>, vector<1000x128xf32> -> vector<1000x128xf32>
    %get3A_341 = arith.constant 0 : index
    %get3A_342 = arith.constant 0 : index
    %get3A_343 = vector.load %arg6[%get3A_341, %get3A_342] : memref<1x128xf32, #tpu.memory_space<vmem>>, vector<1x128xf32>
    %add3A_344 = vector.broadcast %get3A_343 : vector<1x128xf32> to vector<1000x128xf32>
    %add3A_345 = arith.addf %dot_general3A_340, %add3A_344 : vector<1000x128xf32>
    %get3A_346 = arith.constant 8 : index
    %get3A_347 = arith.constant 0 : index
    %get3A_348 = arith.constant 0 : index
    %get3A_349 = vector.load %arg1[%get3A_346, %get3A_347, %get3A_348] : memref<16x1000x128xf32, #tpu.memory_space<vmem>>, vector<1x1000x128xf32>
    %get3A_350 = vector.shape_cast %get3A_349 : vector<1x1000x128xf32> to vector<1000x128xf32>
    %mul3A_351 = arith.mulf %get3A_350, %add3A_345 : vector<1000x128xf32>
    %swap3A_352 = arith.constant 8 : index
    %swap3A_353 = arith.constant 0 : index
    %swap3A_354 = arith.constant 0 : index
    %swap3A_355 = vector.load %arg15[%swap3A_352, %swap3A_353, %swap3A_354] : memref<16x1000x128xf32, #tpu.memory_space<vmem>>, vector<1x1000x128xf32>
    %swap3A_356 = vector.shape_cast %swap3A_355 : vector<1x1000x128xf32> to vector<1000x128xf32>
    %swap3A_357 = vector.shape_cast %mul3A_351 : vector<1000x128xf32> to vector<1x1000x128xf32>
    tpu.vector_store %arg15[%swap3A_352, %swap3A_353, %swap3A_354], %swap3A_357 {strides = array<i32>} : memref<16x1000x128xf32, #tpu.memory_space<vmem>>, vector<1x1000x128xf32>,
    %get3A_358 = arith.constant 0 : index
    %get3A_359 = arith.constant 0 : index
    %get3A_360 = vector.load %arg7[%get3A_358, %get3A_359] : memref<128x1xf32, #tpu.memory_space<vmem>>, vector<128x1xf32>
    %dot_general3A_361 = arith.constant dense<0.000000e+00> : vector<1000x1xf32>
    %dot_general3A_362 = tpu.matmul %mul3A_351, %get3A_360, %dot_general3A_361 {dimension_numbers = #tpu.dot_dimension_numbers<[1], [0], [0], [1], [0, 0, 1, 1], [], []>, transpose_lhs_hint = false} : vector<1000x128xf32>, vector<128x1xf32>, vector<1000x1xf32> -> vector<1000x1xf32>
    %get3A_363 = arith.constant 0 : index
    %get3A_364 = arith.constant 144 : index
    %get3A_365 = vector.load %arg2[%get3A_363, %get3A_364] : memref<1000x256xf32, #tpu.memory_space<vmem>>, vector<1000x16xf32>
    %get3A_366 = arith.constant 0 : index
    %get3A_367 = arith.constant 0 : index
    %get3A_368 = vector.load %arg3[%get3A_366, %get3A_367] : memref<16x128xf32, #tpu.memory_space<vmem>>, vector<16x128xf32>
    %dot_general3A_369 = arith.constant dense<0.000000e+00> : vector<1000x128xf32>
    %dot_general3A_370 = tpu.matmul %get3A_365, %get3A_368, %dot_general3A_369 {dimension_numbers = #tpu.dot_dimension_numbers<[1], [0], [0], [1], [0, 0, 1, 1], [], []>, transpose_lhs_hint = false} : vector<1000x16xf32>, vector<16x128xf32>, vector<1000x128xf32> -> vector<1000x128xf32>
    %get3A_371 = arith.constant 0 : index
    %get3A_372 = arith.constant 0 : index
    %get3A_373 = vector.load %arg4[%get3A_371, %get3A_372] : memref<1x128xf32, #tpu.memory_space<vmem>>, vector<1x128xf32>
    %add3A_374 = vector.broadcast %get3A_373 : vector<1x128xf32> to vector<1000x128xf32>
    %add3A_375 = arith.addf %dot_general3A_370, %add3A_374 : vector<1000x128xf32>
    %tanh3A_376 = math.tanh %add3A_375 : vector<1000x128xf32>
    %get3A_377 = arith.constant 0 : index
    %get3A_378 = arith.constant 0 : index
    %get3A_379 = vector.load %arg5[%get3A_377, %get3A_378] : memref<128x128xf32, #tpu.memory_space<vmem>>, vector<128x128xf32>
    %dot_general3A_380 = arith.constant dense<0.000000e+00> : vector<1000x128xf32>
    %dot_general3A_381 = tpu.matmul %tanh3A_376, %get3A_379, %dot_general3A_380 {dimension_numbers = #tpu.dot_dimension_numbers<[1], [0], [0], [1], [0, 0, 1, 1], [], []>, transpose_lhs_hint = false} : vector<1000x128xf32>, vector<128x128xf32>, vector<1000x128xf32> -> vector<1000x128xf32>
    %get3A_382 = arith.constant 0 : index
    %get3A_383 = arith.constant 0 : index
    %get3A_384 = vector.load %arg6[%get3A_382, %get3A_383] : memref<1x128xf32, #tpu.memory_space<vmem>>, vector<1x128xf32>
    %add3A_385 = vector.broadcast %get3A_384 : vector<1x128xf32> to vector<1000x128xf32>
    %add3A_386 = arith.addf %dot_general3A_381, %add3A_385 : vector<1000x128xf32>
    %get3A_387 = arith.constant 9 : index
    %get3A_388 = arith.constant 0 : index
    %get3A_389 = arith.constant 0 : index
    %get3A_390 = vector.load %arg1[%get3A_387, %get3A_388, %get3A_389] : memref<16x1000x128xf32, #tpu.memory_space<vmem>>, vector<1x1000x128xf32>
    %get3A_391 = vector.shape_cast %get3A_390 : vector<1x1000x128xf32> to vector<1000x128xf32>
    %mul3A_392 = arith.mulf %get3A_391, %add3A_386 : vector<1000x128xf32>
    %swap3A_393 = arith.constant 9 : index
    %swap3A_394 = arith.constant 0 : index
    %swap3A_395 = arith.constant 0 : index
    %swap3A_396 = vector.load %arg15[%swap3A_393, %swap3A_394, %swap3A_395] : memref<16x1000x128xf32, #tpu.memory_space<vmem>>, vector<1x1000x128xf32>
    %swap3A_397 = vector.shape_cast %swap3A_396 : vector<1x1000x128xf32> to vector<1000x128xf32>
    %swap3A_398 = vector.shape_cast %mul3A_392 : vector<1000x128xf32> to vector<1x1000x128xf32>
    tpu.vector_store %arg15[%swap3A_393, %swap3A_394, %swap3A_395], %swap3A_398 {strides = array<i32>} : memref<16x1000x128xf32, #tpu.memory_space<vmem>>, vector<1x1000x128xf32>,
    %get3A_399 = arith.constant 0 : index
    %get3A_400 = arith.constant 0 : index
    %get3A_401 = vector.load %arg7[%get3A_399, %get3A_400] : memref<128x1xf32, #tpu.memory_space<vmem>>, vector<128x1xf32>
    %dot_general3A_402 = arith.constant dense<0.000000e+00> : vector<1000x1xf32>
    %dot_general3A_403 = tpu.matmul %mul3A_392, %get3A_401, %dot_general3A_402 {dimension_numbers = #tpu.dot_dimension_numbers<[1], [0], [0], [1], [0, 0, 1, 1], [], []>, transpose_lhs_hint = false} : vector<1000x128xf32>, vector<128x1xf32>, vector<1000x1xf32> -> vector<1000x1xf32>
    %get3A_404 = arith.constant 0 : index
    %get3A_405 = arith.constant 160 : index
    %get3A_406 = vector.load %arg2[%get3A_404, %get3A_405] : memref<1000x256xf32, #tpu.memory_space<vmem>>, vector<1000x16xf32>
    %get3A_407 = arith.constant 0 : index
    %get3A_408 = arith.constant 0 : index
    %get3A_409 = vector.load %arg3[%get3A_407, %get3A_408] : memref<16x128xf32, #tpu.memory_space<vmem>>, vector<16x128xf32>
    %dot_general3A_410 = arith.constant dense<0.000000e+00> : vector<1000x128xf32>
    %dot_general3A_411 = tpu.matmul %get3A_406, %get3A_409, %dot_general3A_410 {dimension_numbers = #tpu.dot_dimension_numbers<[1], [0], [0], [1], [0, 0, 1, 1], [], []>, transpose_lhs_hint = false} : vector<1000x16xf32>, vector<16x128xf32>, vector<1000x128xf32> -> vector<1000x128xf32>
    %get3A_412 = arith.constant 0 : index
    %get3A_413 = arith.constant 0 : index
    %get3A_414 = vector.load %arg4[%get3A_412, %get3A_413] : memref<1x128xf32, #tpu.memory_space<vmem>>, vector<1x128xf32>
    %add3A_415 = vector.broadcast %get3A_414 : vector<1x128xf32> to vector<1000x128xf32>
    %add3A_416 = arith.addf %dot_general3A_411, %add3A_415 : vector<1000x128xf32>
    %tanh3A_417 = math.tanh %add3A_416 : vector<1000x128xf32>
    %get3A_418 = arith.constant 0 : index
    %get3A_419 = arith.constant 0 : index
    %get3A_420 = vector.load %arg5[%get3A_418, %get3A_419] : memref<128x128xf32, #tpu.memory_space<vmem>>, vector<128x128xf32>
    %dot_general3A_421 = arith.constant dense<0.000000e+00> : vector<1000x128xf32>
    %dot_general3A_422 = tpu.matmul %tanh3A_417, %get3A_420, %dot_general3A_421 {dimension_numbers = #tpu.dot_dimension_numbers<[1], [0], [0], [1], [0, 0, 1, 1], [], []>, transpose_lhs_hint = false} : vector<1000x128xf32>, vector<128x128xf32>, vector<1000x128xf32> -> vector<1000x128xf32>
    %get3A_423 = arith.constant 0 : index
    %get3A_424 = arith.constant 0 : index
    %get3A_425 = vector.load %arg6[%get3A_423, %get3A_424] : memref<1x128xf32, #tpu.memory_space<vmem>>, vector<1x128xf32>
    %add3A_426 = vector.broadcast %get3A_425 : vector<1x128xf32> to vector<1000x128xf32>
    %add3A_427 = arith.addf %dot_general3A_422, %add3A_426 : vector<1000x128xf32>
    %get3A_428 = arith.constant 10 : index
    %get3A_429 = arith.constant 0 : index
    %get3A_430 = arith.constant 0 : index
    %get3A_431 = vector.load %arg1[%get3A_428, %get3A_429, %get3A_430] : memref<16x1000x128xf32, #tpu.memory_space<vmem>>, vector<1x1000x128xf32>
    %get3A_432 = vector.shape_cast %get3A_431 : vector<1x1000x128xf32> to vector<1000x128xf32>
    %mul3A_433 = arith.mulf %get3A_432, %add3A_427 : vector<1000x128xf32>
    %swap3A_434 = arith.constant 10 : index
    %swap3A_435 = arith.constant 0 : index
    %swap3A_436 = arith.constant 0 : index
    %swap3A_437 = vector.load %arg15[%swap3A_434, %swap3A_435, %swap3A_436] : memref<16x1000x128xf32, #tpu.memory_space<vmem>>, vector<1x1000x128xf32>
    %swap3A_438 = vector.shape_cast %swap3A_437 : vector<1x1000x128xf32> to vector<1000x128xf32>
    %swap3A_439 = vector.shape_cast %mul3A_433 : vector<1000x128xf32> to vector<1x1000x128xf32>
    tpu.vector_store %arg15[%swap3A_434, %swap3A_435, %swap3A_436], %swap3A_439 {strides = array<i32>} : memref<16x1000x128xf32, #tpu.memory_space<vmem>>, vector<1x1000x128xf32>,
    %get3A_440 = arith.constant 0 : index
    %get3A_441 = arith.constant 0 : index
    %get3A_442 = vector.load %arg7[%get3A_440, %get3A_441] : memref<128x1xf32, #tpu.memory_space<vmem>>, vector<128x1xf32>
    %dot_general3A_443 = arith.constant dense<0.000000e+00> : vector<1000x1xf32>
    %dot_general3A_444 = tpu.matmul %mul3A_433, %get3A_442, %dot_general3A_443 {dimension_numbers = #tpu.dot_dimension_numbers<[1], [0], [0], [1], [0, 0, 1, 1], [], []>, transpose_lhs_hint = false} : vector<1000x128xf32>, vector<128x1xf32>, vector<1000x1xf32> -> vector<1000x1xf32>
    %get3A_445 = arith.constant 0 : index
    %get3A_446 = arith.constant 176 : index
    %get3A_447 = vector.load %arg2[%get3A_445, %get3A_446] : memref<1000x256xf32, #tpu.memory_space<vmem>>, vector<1000x16xf32>
    %get3A_448 = arith.constant 0 : index
    %get3A_449 = arith.constant 0 : index
    %get3A_450 = vector.load %arg3[%get3A_448, %get3A_449] : memref<16x128xf32, #tpu.memory_space<vmem>>, vector<16x128xf32>
    %dot_general3A_451 = arith.constant dense<0.000000e+00> : vector<1000x128xf32>
    %dot_general3A_452 = tpu.matmul %get3A_447, %get3A_450, %dot_general3A_451 {dimension_numbers = #tpu.dot_dimension_numbers<[1], [0], [0], [1], [0, 0, 1, 1], [], []>, transpose_lhs_hint = false} : vector<1000x16xf32>, vector<16x128xf32>, vector<1000x128xf32> -> vector<1000x128xf32>
    %get3A_453 = arith.constant 0 : index
    %get3A_454 = arith.constant 0 : index
    %get3A_455 = vector.load %arg4[%get3A_453, %get3A_454] : memref<1x128xf32, #tpu.memory_space<vmem>>, vector<1x128xf32>
    %add3A_456 = vector.broadcast %get3A_455 : vector<1x128xf32> to vector<1000x128xf32>
    %add3A_457 = arith.addf %dot_general3A_452, %add3A_456 : vector<1000x128xf32>
    %tanh3A_458 = math.tanh %add3A_457 : vector<1000x128xf32>
    %get3A_459 = arith.constant 0 : index
    %get3A_460 = arith.constant 0 : index
    %get3A_461 = vector.load %arg5[%get3A_459, %get3A_460] : memref<128x128xf32, #tpu.memory_space<vmem>>, vector<128x128xf32>
    %dot_general3A_462 = arith.constant dense<0.000000e+00> : vector<1000x128xf32>
    %dot_general3A_463 = tpu.matmul %tanh3A_458, %get3A_461, %dot_general3A_462 {dimension_numbers = #tpu.dot_dimension_numbers<[1], [0], [0], [1], [0, 0, 1, 1], [], []>, transpose_lhs_hint = false} : vector<1000x128xf32>, vector<128x128xf32>, vector<1000x128xf32> -> vector<1000x128xf32>
    %get3A_464 = arith.constant 0 : index
    %get3A_465 = arith.constant 0 : index
    %get3A_466 = vector.load %arg6[%get3A_464, %get3A_465] : memref<1x128xf32, #tpu.memory_space<vmem>>, vector<1x128xf32>
    %add3A_467 = vector.broadcast %get3A_466 : vector<1x128xf32> to vector<1000x128xf32>
    %add3A_468 = arith.addf %dot_general3A_463, %add3A_467 : vector<1000x128xf32>
    %get3A_469 = arith.constant 11 : index
    %get3A_470 = arith.constant 0 : index
    %get3A_471 = arith.constant 0 : index
    %get3A_472 = vector.load %arg1[%get3A_469, %get3A_470, %get3A_471] : memref<16x1000x128xf32, #tpu.memory_space<vmem>>, vector<1x1000x128xf32>
    %get3A_473 = vector.shape_cast %get3A_472 : vector<1x1000x128xf32> to vector<1000x128xf32>
    %mul3A_474 = arith.mulf %get3A_473, %add3A_468 : vector<1000x128xf32>
    %swap3A_475 = arith.constant 11 : index
    %swap3A_476 = arith.constant 0 : index
    %swap3A_477 = arith.constant 0 : index
    %swap3A_478 = vector.load %arg15[%swap3A_475, %swap3A_476, %swap3A_477] : memref<16x1000x128xf32, #tpu.memory_space<vmem>>, vector<1x1000x128xf32>
    %swap3A_479 = vector.shape_cast %swap3A_478 : vector<1x1000x128xf32> to vector<1000x128xf32>
    %swap3A_480 = vector.shape_cast %mul3A_474 : vector<1000x128xf32> to vector<1x1000x128xf32>
    tpu.vector_store %arg15[%swap3A_475, %swap3A_476, %swap3A_477], %swap3A_480 {strides = array<i32>} : memref<16x1000x128xf32, #tpu.memory_space<vmem>>, vector<1x1000x128xf32>,
    %get3A_481 = arith.constant 0 : index
    %get3A_482 = arith.constant 0 : index
    %get3A_483 = vector.load %arg7[%get3A_481, %get3A_482] : memref<128x1xf32, #tpu.memory_space<vmem>>, vector<128x1xf32>
    %dot_general3A_484 = arith.constant dense<0.000000e+00> : vector<1000x1xf32>
    %dot_general3A_485 = tpu.matmul %mul3A_474, %get3A_483, %dot_general3A_484 {dimension_numbers = #tpu.dot_dimension_numbers<[1], [0], [0], [1], [0, 0, 1, 1], [], []>, transpose_lhs_hint = false} : vector<1000x128xf32>, vector<128x1xf32>, vector<1000x1xf32> -> vector<1000x1xf32>
    %get3A_486 = arith.constant 0 : index
    %get3A_487 = arith.constant 192 : index
    %get3A_488 = vector.load %arg2[%get3A_486, %get3A_487] : memref<1000x256xf32, #tpu.memory_space<vmem>>, vector<1000x16xf32>
    %get3A_489 = arith.constant 0 : index
    %get3A_490 = arith.constant 0 : index
    %get3A_491 = vector.load %arg3[%get3A_489, %get3A_490] : memref<16x128xf32, #tpu.memory_space<vmem>>, vector<16x128xf32>
    %dot_general3A_492 = arith.constant dense<0.000000e+00> : vector<1000x128xf32>
    %dot_general3A_493 = tpu.matmul %get3A_488, %get3A_491, %dot_general3A_492 {dimension_numbers = #tpu.dot_dimension_numbers<[1], [0], [0], [1], [0, 0, 1, 1], [], []>, transpose_lhs_hint = false} : vector<1000x16xf32>, vector<16x128xf32>, vector<1000x128xf32> -> vector<1000x128xf32>
    %get3A_494 = arith.constant 0 : index
    %get3A_495 = arith.constant 0 : index
    %get3A_496 = vector.load %arg4[%get3A_494, %get3A_495] : memref<1x128xf32, #tpu.memory_space<vmem>>, vector<1x128xf32>
    %add3A_497 = vector.broadcast %get3A_496 : vector<1x128xf32> to vector<1000x128xf32>
    %add3A_498 = arith.addf %dot_general3A_493, %add3A_497 : vector<1000x128xf32>
    %tanh3A_499 = math.tanh %add3A_498 : vector<1000x128xf32>
    %get3A_500 = arith.constant 0 : index
    %get3A_501 = arith.constant 0 : index
    %get3A_502 = vector.load %arg5[%get3A_500, %get3A_501] : memref<128x128xf32, #tpu.memory_space<vmem>>, vector<128x128xf32>
    %dot_general3A_503 = arith.constant dense<0.000000e+00> : vector<1000x128xf32>
    %dot_general3A_504 = tpu.matmul %tanh3A_499, %get3A_502, %dot_general3A_503 {dimension_numbers = #tpu.dot_dimension_numbers<[1], [0], [0], [1], [0, 0, 1, 1], [], []>, transpose_lhs_hint = false} : vector<1000x128xf32>, vector<128x128xf32>, vector<1000x128xf32> -> vector<1000x128xf32>
    %get3A_505 = arith.constant 0 : index
    %get3A_506 = arith.constant 0 : index
    %get3A_507 = vector.load %arg6[%get3A_505, %get3A_506] : memref<1x128xf32, #tpu.memory_space<vmem>>, vector<1x128xf32>
    %add3A_508 = vector.broadcast %get3A_507 : vector<1x128xf32> to vector<1000x128xf32>
    %add3A_509 = arith.addf %dot_general3A_504, %add3A_508 : vector<1000x128xf32>
    %get3A_510 = arith.constant 12 : index
    %get3A_511 = arith.constant 0 : index
    %get3A_512 = arith.constant 0 : index
    %get3A_513 = vector.load %arg1[%get3A_510, %get3A_511, %get3A_512] : memref<16x1000x128xf32, #tpu.memory_space<vmem>>, vector<1x1000x128xf32>
    %get3A_514 = vector.shape_cast %get3A_513 : vector<1x1000x128xf32> to vector<1000x128xf32>
    %mul3A_515 = arith.mulf %get3A_514, %add3A_509 : vector<1000x128xf32>
    %swap3A_516 = arith.constant 12 : index
    %swap3A_517 = arith.constant 0 : index
    %swap3A_518 = arith.constant 0 : index
    %swap3A_519 = vector.load %arg15[%swap3A_516, %swap3A_517, %swap3A_518] : memref<16x1000x128xf32, #tpu.memory_space<vmem>>, vector<1x1000x128xf32>
    %swap3A_520 = vector.shape_cast %swap3A_519 : vector<1x1000x128xf32> to vector<1000x128xf32>
    %swap3A_521 = vector.shape_cast %mul3A_515 : vector<1000x128xf32> to vector<1x1000x128xf32>
    tpu.vector_store %arg15[%swap3A_516, %swap3A_517, %swap3A_518], %swap3A_521 {strides = array<i32>} : memref<16x1000x128xf32, #tpu.memory_space<vmem>>, vector<1x1000x128xf32>,
    %get3A_522 = arith.constant 0 : index
    %get3A_523 = arith.constant 0 : index
    %get3A_524 = vector.load %arg7[%get3A_522, %get3A_523] : memref<128x1xf32, #tpu.memory_space<vmem>>, vector<128x1xf32>
    %dot_general3A_525 = arith.constant dense<0.000000e+00> : vector<1000x1xf32>
    %dot_general3A_526 = tpu.matmul %mul3A_515, %get3A_524, %dot_general3A_525 {dimension_numbers = #tpu.dot_dimension_numbers<[1], [0], [0], [1], [0, 0, 1, 1], [], []>, transpose_lhs_hint = false} : vector<1000x128xf32>, vector<128x1xf32>, vector<1000x1xf32> -> vector<1000x1xf32>
    %get3A_527 = arith.constant 0 : index
    %get3A_528 = arith.constant 208 : index
    %get3A_529 = vector.load %arg2[%get3A_527, %get3A_528] : memref<1000x256xf32, #tpu.memory_space<vmem>>, vector<1000x16xf32>
    %get3A_530 = arith.constant 0 : index
    %get3A_531 = arith.constant 0 : index
    %get3A_532 = vector.load %arg3[%get3A_530, %get3A_531] : memref<16x128xf32, #tpu.memory_space<vmem>>, vector<16x128xf32>
    %dot_general3A_533 = arith.constant dense<0.000000e+00> : vector<1000x128xf32>
    %dot_general3A_534 = tpu.matmul %get3A_529, %get3A_532, %dot_general3A_533 {dimension_numbers = #tpu.dot_dimension_numbers<[1], [0], [0], [1], [0, 0, 1, 1], [], []>, transpose_lhs_hint = false} : vector<1000x16xf32>, vector<16x128xf32>, vector<1000x128xf32> -> vector<1000x128xf32>
    %get3A_535 = arith.constant 0 : index
    %get3A_536 = arith.constant 0 : index
    %get3A_537 = vector.load %arg4[%get3A_535, %get3A_536] : memref<1x128xf32, #tpu.memory_space<vmem>>, vector<1x128xf32>
    %add3A_538 = vector.broadcast %get3A_537 : vector<1x128xf32> to vector<1000x128xf32>
    %add3A_539 = arith.addf %dot_general3A_534, %add3A_538 : vector<1000x128xf32>
    %tanh3A_540 = math.tanh %add3A_539 : vector<1000x128xf32>
    %get3A_541 = arith.constant 0 : index
    %get3A_542 = arith.constant 0 : index
    %get3A_543 = vector.load %arg5[%get3A_541, %get3A_542] : memref<128x128xf32, #tpu.memory_space<vmem>>, vector<128x128xf32>
    %dot_general3A_544 = arith.constant dense<0.000000e+00> : vector<1000x128xf32>
    %dot_general3A_545 = tpu.matmul %tanh3A_540, %get3A_543, %dot_general3A_544 {dimension_numbers = #tpu.dot_dimension_numbers<[1], [0], [0], [1], [0, 0, 1, 1], [], []>, transpose_lhs_hint = false} : vector<1000x128xf32>, vector<128x128xf32>, vector<1000x128xf32> -> vector<1000x128xf32>
    %get3A_546 = arith.constant 0 : index
    %get3A_547 = arith.constant 0 : index
    %get3A_548 = vector.load %arg6[%get3A_546, %get3A_547] : memref<1x128xf32, #tpu.memory_space<vmem>>, vector<1x128xf32>
    %add3A_549 = vector.broadcast %get3A_548 : vector<1x128xf32> to vector<1000x128xf32>
    %add3A_550 = arith.addf %dot_general3A_545, %add3A_549 : vector<1000x128xf32>
    %get3A_551 = arith.constant 13 : index
    %get3A_552 = arith.constant 0 : index
    %get3A_553 = arith.constant 0 : index
    %get3A_554 = vector.load %arg1[%get3A_551, %get3A_552, %get3A_553] : memref<16x1000x128xf32, #tpu.memory_space<vmem>>, vector<1x1000x128xf32>
    %get3A_555 = vector.shape_cast %get3A_554 : vector<1x1000x128xf32> to vector<1000x128xf32>
    %mul3A_556 = arith.mulf %get3A_555, %add3A_550 : vector<1000x128xf32>
    %swap3A_557 = arith.constant 13 : index
    %swap3A_558 = arith.constant 0 : index
    %swap3A_559 = arith.constant 0 : index
    %swap3A_560 = vector.load %arg15[%swap3A_557, %swap3A_558, %swap3A_559] : memref<16x1000x128xf32, #tpu.memory_space<vmem>>, vector<1x1000x128xf32>
    %swap3A_561 = vector.shape_cast %swap3A_560 : vector<1x1000x128xf32> to vector<1000x128xf32>
    %swap3A_562 = vector.shape_cast %mul3A_556 : vector<1000x128xf32> to vector<1x1000x128xf32>
    tpu.vector_store %arg15[%swap3A_557, %swap3A_558, %swap3A_559], %swap3A_562 {strides = array<i32>} : memref<16x1000x128xf32, #tpu.memory_space<vmem>>, vector<1x1000x128xf32>,
    %get3A_563 = arith.constant 0 : index
    %get3A_564 = arith.constant 0 : index
    %get3A_565 = vector.load %arg7[%get3A_563, %get3A_564] : memref<128x1xf32, #tpu.memory_space<vmem>>, vector<128x1xf32>
    %dot_general3A_566 = arith.constant dense<0.000000e+00> : vector<1000x1xf32>
    %dot_general3A_567 = tpu.matmul %mul3A_556, %get3A_565, %dot_general3A_566 {dimension_numbers = #tpu.dot_dimension_numbers<[1], [0], [0], [1], [0, 0, 1, 1], [], []>, transpose_lhs_hint = false} : vector<1000x128xf32>, vector<128x1xf32>, vector<1000x1xf32> -> vector<1000x1xf32>
    %get3A_568 = arith.constant 0 : index
    %get3A_569 = arith.constant 224 : index
    %get3A_570 = vector.load %arg2[%get3A_568, %get3A_569] : memref<1000x256xf32, #tpu.memory_space<vmem>>, vector<1000x16xf32>
    %get3A_571 = arith.constant 0 : index
    %get3A_572 = arith.constant 0 : index
    %get3A_573 = vector.load %arg3[%get3A_571, %get3A_572] : memref<16x128xf32, #tpu.memory_space<vmem>>, vector<16x128xf32>
    %dot_general3A_574 = arith.constant dense<0.000000e+00> : vector<1000x128xf32>
    %dot_general3A_575 = tpu.matmul %get3A_570, %get3A_573, %dot_general3A_574 {dimension_numbers = #tpu.dot_dimension_numbers<[1], [0], [0], [1], [0, 0, 1, 1], [], []>, transpose_lhs_hint = false} : vector<1000x16xf32>, vector<16x128xf32>, vector<1000x128xf32> -> vector<1000x128xf32>
    %get3A_576 = arith.constant 0 : index
    %get3A_577 = arith.constant 0 : index
    %get3A_578 = vector.load %arg4[%get3A_576, %get3A_577] : memref<1x128xf32, #tpu.memory_space<vmem>>, vector<1x128xf32>
    %add3A_579 = vector.broadcast %get3A_578 : vector<1x128xf32> to vector<1000x128xf32>
    %add3A_580 = arith.addf %dot_general3A_575, %add3A_579 : vector<1000x128xf32>
    %tanh3A_581 = math.tanh %add3A_580 : vector<1000x128xf32>
    %get3A_582 = arith.constant 0 : index
    %get3A_583 = arith.constant 0 : index
    %get3A_584 = vector.load %arg5[%get3A_582, %get3A_583] : memref<128x128xf32, #tpu.memory_space<vmem>>, vector<128x128xf32>
    %dot_general3A_585 = arith.constant dense<0.000000e+00> : vector<1000x128xf32>
    %dot_general3A_586 = tpu.matmul %tanh3A_581, %get3A_584, %dot_general3A_585 {dimension_numbers = #tpu.dot_dimension_numbers<[1], [0], [0], [1], [0, 0, 1, 1], [], []>, transpose_lhs_hint = false} : vector<1000x128xf32>, vector<128x128xf32>, vector<1000x128xf32> -> vector<1000x128xf32>
    %get3A_587 = arith.constant 0 : index
    %get3A_588 = arith.constant 0 : index
    %get3A_589 = vector.load %arg6[%get3A_587, %get3A_588] : memref<1x128xf32, #tpu.memory_space<vmem>>, vector<1x128xf32>
    %add3A_590 = vector.broadcast %get3A_589 : vector<1x128xf32> to vector<1000x128xf32>
    %add3A_591 = arith.addf %dot_general3A_586, %add3A_590 : vector<1000x128xf32>
    %get3A_592 = arith.constant 14 : index
    %get3A_593 = arith.constant 0 : index
    %get3A_594 = arith.constant 0 : index
    %get3A_595 = vector.load %arg1[%get3A_592, %get3A_593, %get3A_594] : memref<16x1000x128xf32, #tpu.memory_space<vmem>>, vector<1x1000x128xf32>
    %get3A_596 = vector.shape_cast %get3A_595 : vector<1x1000x128xf32> to vector<1000x128xf32>
    %mul3A_597 = arith.mulf %get3A_596, %add3A_591 : vector<1000x128xf32>
    %swap3A_598 = arith.constant 14 : index
    %swap3A_599 = arith.constant 0 : index
    %swap3A_600 = arith.constant 0 : index
    %swap3A_601 = vector.load %arg15[%swap3A_598, %swap3A_599, %swap3A_600] : memref<16x1000x128xf32, #tpu.memory_space<vmem>>, vector<1x1000x128xf32>
    %swap3A_602 = vector.shape_cast %swap3A_601 : vector<1x1000x128xf32> to vector<1000x128xf32>
    %swap3A_603 = vector.shape_cast %mul3A_597 : vector<1000x128xf32> to vector<1x1000x128xf32>
    tpu.vector_store %arg15[%swap3A_598, %swap3A_599, %swap3A_600], %swap3A_603 {strides = array<i32>} : memref<16x1000x128xf32, #tpu.memory_space<vmem>>, vector<1x1000x128xf32>,
    %get3A_604 = arith.constant 0 : index
    %get3A_605 = arith.constant 0 : index
    %get3A_606 = vector.load %arg7[%get3A_604, %get3A_605] : memref<128x1xf32, #tpu.memory_space<vmem>>, vector<128x1xf32>
    %dot_general3A_607 = arith.constant dense<0.000000e+00> : vector<1000x1xf32>
    %dot_general3A_608 = tpu.matmul %mul3A_597, %get3A_606, %dot_general3A_607 {dimension_numbers = #tpu.dot_dimension_numbers<[1], [0], [0], [1], [0, 0, 1, 1], [], []>, transpose_lhs_hint = false} : vector<1000x128xf32>, vector<128x1xf32>, vector<1000x1xf32> -> vector<1000x1xf32>
    %get3A_609 = arith.constant 0 : index
    %get3A_610 = arith.constant 240 : index
    %get3A_611 = vector.load %arg2[%get3A_609, %get3A_610] : memref<1000x256xf32, #tpu.memory_space<vmem>>, vector<1000x16xf32>
    %get3A_612 = arith.constant 0 : index
    %get3A_613 = arith.constant 0 : index
    %get3A_614 = vector.load %arg3[%get3A_612, %get3A_613] : memref<16x128xf32, #tpu.memory_space<vmem>>, vector<16x128xf32>
    %dot_general3A_615 = arith.constant dense<0.000000e+00> : vector<1000x128xf32>
    %dot_general3A_616 = tpu.matmul %get3A_611, %get3A_614, %dot_general3A_615 {dimension_numbers = #tpu.dot_dimension_numbers<[1], [0], [0], [1], [0, 0, 1, 1], [], []>, transpose_lhs_hint = false} : vector<1000x16xf32>, vector<16x128xf32>, vector<1000x128xf32> -> vector<1000x128xf32>
    %get3A_617 = arith.constant 0 : index
    %get3A_618 = arith.constant 0 : index
    %get3A_619 = vector.load %arg4[%get3A_617, %get3A_618] : memref<1x128xf32, #tpu.memory_space<vmem>>, vector<1x128xf32>
    %add3A_620 = vector.broadcast %get3A_619 : vector<1x128xf32> to vector<1000x128xf32>
    %add3A_621 = arith.addf %dot_general3A_616, %add3A_620 : vector<1000x128xf32>
    %tanh3A_622 = math.tanh %add3A_621 : vector<1000x128xf32>
    %get3A_623 = arith.constant 0 : index
    %get3A_624 = arith.constant 0 : index
    %get3A_625 = vector.load %arg5[%get3A_623, %get3A_624] : memref<128x128xf32, #tpu.memory_space<vmem>>, vector<128x128xf32>
    %dot_general3A_626 = arith.constant dense<0.000000e+00> : vector<1000x128xf32>
    %dot_general3A_627 = tpu.matmul %tanh3A_622, %get3A_625, %dot_general3A_626 {dimension_numbers = #tpu.dot_dimension_numbers<[1], [0], [0], [1], [0, 0, 1, 1], [], []>, transpose_lhs_hint = false} : vector<1000x128xf32>, vector<128x128xf32>, vector<1000x128xf32> -> vector<1000x128xf32>
    %get3A_628 = arith.constant 0 : index
    %get3A_629 = arith.constant 0 : index
    %get3A_630 = vector.load %arg6[%get3A_628, %get3A_629] : memref<1x128xf32, #tpu.memory_space<vmem>>, vector<1x128xf32>
    %add3A_631 = vector.broadcast %get3A_630 : vector<1x128xf32> to vector<1000x128xf32>
    %add3A_632 = arith.addf %dot_general3A_627, %add3A_631 : vector<1000x128xf32>
    %get3A_633 = arith.constant 15 : index
    %get3A_634 = arith.constant 0 : index
    %get3A_635 = arith.constant 0 : index
    %get3A_636 = vector.load %arg1[%get3A_633, %get3A_634, %get3A_635] : memref<16x1000x128xf32, #tpu.memory_space<vmem>>, vector<1x1000x128xf32>
    %get3A_637 = vector.shape_cast %get3A_636 : vector<1x1000x128xf32> to vector<1000x128xf32>
    %mul3A_638 = arith.mulf %get3A_637, %add3A_632 : vector<1000x128xf32>
    %swap3A_639 = arith.constant 15 : index
    %swap3A_640 = arith.constant 0 : index
    %swap3A_641 = arith.constant 0 : index
    %swap3A_642 = vector.load %arg15[%swap3A_639, %swap3A_640, %swap3A_641] : memref<16x1000x128xf32, #tpu.memory_space<vmem>>, vector<1x1000x128xf32>
    %swap3A_643 = vector.shape_cast %swap3A_642 : vector<1x1000x128xf32> to vector<1000x128xf32>
    %swap3A_644 = vector.shape_cast %mul3A_638 : vector<1000x128xf32> to vector<1x1000x128xf32>
    tpu.vector_store %arg15[%swap3A_639, %swap3A_640, %swap3A_641], %swap3A_644 {strides = array<i32>} : memref<16x1000x128xf32, #tpu.memory_space<vmem>>, vector<1x1000x128xf32>,
    %get3A_645 = arith.constant 0 : index
    %get3A_646 = arith.constant 0 : index
    %get3A_647 = vector.load %arg7[%get3A_645, %get3A_646] : memref<128x1xf32, #tpu.memory_space<vmem>>, vector<128x1xf32>
    %dot_general3A_648 = arith.constant dense<0.000000e+00> : vector<1000x1xf32>
    %dot_general3A_649 = tpu.matmul %mul3A_638, %get3A_647, %dot_general3A_648 {dimension_numbers = #tpu.dot_dimension_numbers<[1], [0], [0], [1], [0, 0, 1, 1], [], []>, transpose_lhs_hint = false} : vector<1000x128xf32>, vector<128x1xf32>, vector<1000x1xf32> -> vector<1000x1xf32>
    %concatenate3A = tpu.concatenate %dot_general3A_34, %dot_general3A_75, %dot_general3A_116, %dot_general3A_157, %dot_general3A_198, %dot_general3A_239, %dot_general3A_280, %dot_general3A_321, %dot_general3A_362, %dot_general3A_403, %dot_general3A_444, %dot_general3A_485, %dot_general3A_526, %dot_general3A_567, %dot_general3A_608, %dot_general3A_649 in 1 : vector<1000x1xf32>, vector<1000x1xf32>, vector<1000x1xf32>, vector<1000x1xf32>, vector<1000x1xf32>, vector<1000x1xf32>, vector<1000x1xf32>, vector<1000x1xf32>, vector<1000x1xf32>, vector<1000x1xf32>, vector<1000x1xf32>, vector<1000x1xf32>, vector<1000x1xf32>, vector<1000x1xf32>, vector<1000x1xf32>, vector<1000x1xf32> -> vector<1000x16xf32>
    %reduce_max3A = arith.constant dense<0xFF800000> : vector<1000xf32>
    %reduce_max3A_650 = vector.multi_reduction <maximumf>, %concatenate3A, %reduce_max3A [1] : vector<1000x16xf32> to vector<1000xf32>
    %broadcast_in_dim3A = vector.shape_cast %reduce_max3A_650 : vector<1000xf32> to vector<1000x1xf32>
    %sub3A = vector.broadcast %broadcast_in_dim3A : vector<1000x1xf32> to vector<1000x16xf32>
    %sub3A_651 = arith.subf %concatenate3A, %sub3A : vector<1000x16xf32>
    %exp3A = math.exp %sub3A_651 : vector<1000x16xf32>
    %reduce_sum3A = arith.constant dense<0.000000e+00> : vector<1000xf32>
    %reduce_sum3A_652 = vector.multi_reduction <add>, %exp3A, %reduce_sum3A [1] : vector<1000x16xf32> to vector<1000xf32>
    %broadcast_in_dim3A_653 = vector.shape_cast %reduce_sum3A_652 : vector<1000xf32> to vector<1000x1xf32>
    %div3A = vector.broadcast %broadcast_in_dim3A_653 : vector<1000x1xf32> to vector<1000x16xf32>
    %div3A_654 = arith.divf %exp3A, %div3A : vector<1000x16xf32>
    %swap3A_655 = arith.constant 0 : index
    %swap3A_656 = arith.constant 0 : index
    %swap3A_657 = vector.load %arg14[%swap3A_655, %swap3A_656] : memref<1000x16xf32, #tpu.memory_space<vmem>>, vector<1000x16xf32>
    tpu.vector_store %arg14[%swap3A_655, %swap3A_656], %div3A_654 {strides = array<i32>} : memref<1000x16xf32, #tpu.memory_space<vmem>>, vector<1000x16xf32>,
    %get3A_658 = arith.constant 0 : index
    %get3A_659 = arith.constant 0 : index
    %get3A_660 = vector.load %arg8[%get3A_658, %get3A_659] : memref<16x2048xf32, #tpu.memory_space<vmem>>, vector<16x2048xf32>
    %dot_general3A_661 = arith.constant dense<0.000000e+00> : vector<1000x2048xf32>
    %dot_general3A_662 = tpu.matmul %div3A_654, %get3A_660, %dot_general3A_661 {dimension_numbers = #tpu.dot_dimension_numbers<[1], [0], [0], [1], [0, 0, 1, 1], [], []>, transpose_lhs_hint = false} : vector<1000x16xf32>, vector<16x2048xf32>, vector<1000x2048xf32> -> vector<1000x2048xf32>
    %broadcast_in_dim3A_663 = arith.constant 0.000000e+00 : f32
    %broadcast_in_dim3A_664 = vector.broadcast %broadcast_in_dim3A_663 : f32 to vector<1000x128xf32>
    %slice3A = vector.extract_strided_slice %dot_general3A_662 {offsets = [0, 0], sizes = [1000, 128], strides = [1, 1]} : vector<1000x2048xf32> to vector<1000x128xf32>
    %get3A_665 = arith.constant 0 : index
    %get3A_666 = arith.constant 0 : index
    %get3A_667 = arith.constant 0 : index
    %get3A_668 = vector.load %arg15[%get3A_665, %get3A_666, %get3A_667] : memref<16x1000x128xf32, #tpu.memory_space<vmem>>, vector<1x1000x128xf32>
    %get3A_669 = vector.shape_cast %get3A_668 : vector<1x1000x128xf32> to vector<1000x128xf32>
    %mul3A_670 = arith.mulf %slice3A, %get3A_669 : vector<1000x128xf32>
    %add3A_671 = arith.addf %broadcast_in_dim3A_664, %mul3A_670 : vector<1000x128xf32>
    %slice3A_672 = vector.extract_strided_slice %dot_general3A_662 {offsets = [0, 128], sizes = [1000, 128], strides = [1, 1]} : vector<1000x2048xf32> to vector<1000x128xf32>
    %get3A_673 = arith.constant 1 : index
    %get3A_674 = arith.constant 0 : index
    %get3A_675 = arith.constant 0 : index
    %get3A_676 = vector.load %arg15[%get3A_673, %get3A_674, %get3A_675] : memref<16x1000x128xf32, #tpu.memory_space<vmem>>, vector<1x1000x128xf32>
    %get3A_677 = vector.shape_cast %get3A_676 : vector<1x1000x128xf32> to vector<1000x128xf32>
    %mul3A_678 = arith.mulf %slice3A_672, %get3A_677 : vector<1000x128xf32>
    %add3A_679 = arith.addf %add3A_671, %mul3A_678 : vector<1000x128xf32>
    %slice3A_680 = vector.extract_strided_slice %dot_general3A_662 {offsets = [0, 256], sizes = [1000, 128], strides = [1, 1]} : vector<1000x2048xf32> to vector<1000x128xf32>
    %get3A_681 = arith.constant 2 : index
    %get3A_682 = arith.constant 0 : index
    %get3A_683 = arith.constant 0 : index
    %get3A_684 = vector.load %arg15[%get3A_681, %get3A_682, %get3A_683] : memref<16x1000x128xf32, #tpu.memory_space<vmem>>, vector<1x1000x128xf32>
    %get3A_685 = vector.shape_cast %get3A_684 : vector<1x1000x128xf32> to vector<1000x128xf32>
    %mul3A_686 = arith.mulf %slice3A_680, %get3A_685 : vector<1000x128xf32>
    %add3A_687 = arith.addf %add3A_679, %mul3A_686 : vector<1000x128xf32>
    %slice3A_688 = vector.extract_strided_slice %dot_general3A_662 {offsets = [0, 384], sizes = [1000, 128], strides = [1, 1]} : vector<1000x2048xf32> to vector<1000x128xf32>
    %get3A_689 = arith.constant 3 : index
    %get3A_690 = arith.constant 0 : index
    %get3A_691 = arith.constant 0 : index
    %get3A_692 = vector.load %arg15[%get3A_689, %get3A_690, %get3A_691] : memref<16x1000x128xf32, #tpu.memory_space<vmem>>, vector<1x1000x128xf32>
    %get3A_693 = vector.shape_cast %get3A_692 : vector<1x1000x128xf32> to vector<1000x128xf32>
    %mul3A_694 = arith.mulf %slice3A_688, %get3A_693 : vector<1000x128xf32>
    %add3A_695 = arith.addf %add3A_687, %mul3A_694 : vector<1000x128xf32>
    %slice3A_696 = vector.extract_strided_slice %dot_general3A_662 {offsets = [0, 512], sizes = [1000, 128], strides = [1, 1]} : vector<1000x2048xf32> to vector<1000x128xf32>
    %get3A_697 = arith.constant 4 : index
    %get3A_698 = arith.constant 0 : index
    %get3A_699 = arith.constant 0 : index
    %get3A_700 = vector.load %arg15[%get3A_697, %get3A_698, %get3A_699] : memref<16x1000x128xf32, #tpu.memory_space<vmem>>, vector<1x1000x128xf32>
    %get3A_701 = vector.shape_cast %get3A_700 : vector<1x1000x128xf32> to vector<1000x128xf32>
    %mul3A_702 = arith.mulf %slice3A_696, %get3A_701 : vector<1000x128xf32>
    %add3A_703 = arith.addf %add3A_695, %mul3A_702 : vector<1000x128xf32>
    %slice3A_704 = vector.extract_strided_slice %dot_general3A_662 {offsets = [0, 640], sizes = [1000, 128], strides = [1, 1]} : vector<1000x2048xf32> to vector<1000x128xf32>
    %get3A_705 = arith.constant 5 : index
    %get3A_706 = arith.constant 0 : index
    %get3A_707 = arith.constant 0 : index
    %get3A_708 = vector.load %arg15[%get3A_705, %get3A_706, %get3A_707] : memref<16x1000x128xf32, #tpu.memory_space<vmem>>, vector<1x1000x128xf32>
    %get3A_709 = vector.shape_cast %get3A_708 : vector<1x1000x128xf32> to vector<1000x128xf32>
    %mul3A_710 = arith.mulf %slice3A_704, %get3A_709 : vector<1000x128xf32>
    %add3A_711 = arith.addf %add3A_703, %mul3A_710 : vector<1000x128xf32>
    %slice3A_712 = vector.extract_strided_slice %dot_general3A_662 {offsets = [0, 768], sizes = [1000, 128], strides = [1, 1]} : vector<1000x2048xf32> to vector<1000x128xf32>
    %get3A_713 = arith.constant 6 : index
    %get3A_714 = arith.constant 0 : index
    %get3A_715 = arith.constant 0 : index
    %get3A_716 = vector.load %arg15[%get3A_713, %get3A_714, %get3A_715] : memref<16x1000x128xf32, #tpu.memory_space<vmem>>, vector<1x1000x128xf32>
    %get3A_717 = vector.shape_cast %get3A_716 : vector<1x1000x128xf32> to vector<1000x128xf32>
    %mul3A_718 = arith.mulf %slice3A_712, %get3A_717 : vector<1000x128xf32>
    %add3A_719 = arith.addf %add3A_711, %mul3A_718 : vector<1000x128xf32>
    %slice3A_720 = vector.extract_strided_slice %dot_general3A_662 {offsets = [0, 896], sizes = [1000, 128], strides = [1, 1]} : vector<1000x2048xf32> to vector<1000x128xf32>
    %get3A_721 = arith.constant 7 : index
    %get3A_722 = arith.constant 0 : index
    %get3A_723 = arith.constant 0 : index
    %get3A_724 = vector.load %arg15[%get3A_721, %get3A_722, %get3A_723] : memref<16x1000x128xf32, #tpu.memory_space<vmem>>, vector<1x1000x128xf32>
    %get3A_725 = vector.shape_cast %get3A_724 : vector<1x1000x128xf32> to vector<1000x128xf32>
    %mul3A_726 = arith.mulf %slice3A_720, %get3A_725 : vector<1000x128xf32>
    %add3A_727 = arith.addf %add3A_719, %mul3A_726 : vector<1000x128xf32>
    %slice3A_728 = vector.extract_strided_slice %dot_general3A_662 {offsets = [0, 1024], sizes = [1000, 128], strides = [1, 1]} : vector<1000x2048xf32> to vector<1000x128xf32>
    %get3A_729 = arith.constant 8 : index
    %get3A_730 = arith.constant 0 : index
    %get3A_731 = arith.constant 0 : index
    %get3A_732 = vector.load %arg15[%get3A_729, %get3A_730, %get3A_731] : memref<16x1000x128xf32, #tpu.memory_space<vmem>>, vector<1x1000x128xf32>
    %get3A_733 = vector.shape_cast %get3A_732 : vector<1x1000x128xf32> to vector<1000x128xf32>
    %mul3A_734 = arith.mulf %slice3A_728, %get3A_733 : vector<1000x128xf32>
    %add3A_735 = arith.addf %add3A_727, %mul3A_734 : vector<1000x128xf32>
    %slice3A_736 = vector.extract_strided_slice %dot_general3A_662 {offsets = [0, 1152], sizes = [1000, 128], strides = [1, 1]} : vector<1000x2048xf32> to vector<1000x128xf32>
    %get3A_737 = arith.constant 9 : index
    %get3A_738 = arith.constant 0 : index
    %get3A_739 = arith.constant 0 : index
    %get3A_740 = vector.load %arg15[%get3A_737, %get3A_738, %get3A_739] : memref<16x1000x128xf32, #tpu.memory_space<vmem>>, vector<1x1000x128xf32>
    %get3A_741 = vector.shape_cast %get3A_740 : vector<1x1000x128xf32> to vector<1000x128xf32>
    %mul3A_742 = arith.mulf %slice3A_736, %get3A_741 : vector<1000x128xf32>
    %add3A_743 = arith.addf %add3A_735, %mul3A_742 : vector<1000x128xf32>
    %slice3A_744 = vector.extract_strided_slice %dot_general3A_662 {offsets = [0, 1280], sizes = [1000, 128], strides = [1, 1]} : vector<1000x2048xf32> to vector<1000x128xf32>
    %get3A_745 = arith.constant 10 : index
    %get3A_746 = arith.constant 0 : index
    %get3A_747 = arith.constant 0 : index
    %get3A_748 = vector.load %arg15[%get3A_745, %get3A_746, %get3A_747] : memref<16x1000x128xf32, #tpu.memory_space<vmem>>, vector<1x1000x128xf32>
    %get3A_749 = vector.shape_cast %get3A_748 : vector<1x1000x128xf32> to vector<1000x128xf32>
    %mul3A_750 = arith.mulf %slice3A_744, %get3A_749 : vector<1000x128xf32>
    %add3A_751 = arith.addf %add3A_743, %mul3A_750 : vector<1000x128xf32>
    %slice3A_752 = vector.extract_strided_slice %dot_general3A_662 {offsets = [0, 1408], sizes = [1000, 128], strides = [1, 1]} : vector<1000x2048xf32> to vector<1000x128xf32>
    %get3A_753 = arith.constant 11 : index
    %get3A_754 = arith.constant 0 : index
    %get3A_755 = arith.constant 0 : index
    %get3A_756 = vector.load %arg15[%get3A_753, %get3A_754, %get3A_755] : memref<16x1000x128xf32, #tpu.memory_space<vmem>>, vector<1x1000x128xf32>
    %get3A_757 = vector.shape_cast %get3A_756 : vector<1x1000x128xf32> to vector<1000x128xf32>
    %mul3A_758 = arith.mulf %slice3A_752, %get3A_757 : vector<1000x128xf32>
    %add3A_759 = arith.addf %add3A_751, %mul3A_758 : vector<1000x128xf32>
    %slice3A_760 = vector.extract_strided_slice %dot_general3A_662 {offsets = [0, 1536], sizes = [1000, 128], strides = [1, 1]} : vector<1000x2048xf32> to vector<1000x128xf32>
    %get3A_761 = arith.constant 12 : index
    %get3A_762 = arith.constant 0 : index
    %get3A_763 = arith.constant 0 : index
    %get3A_764 = vector.load %arg15[%get3A_761, %get3A_762, %get3A_763] : memref<16x1000x128xf32, #tpu.memory_space<vmem>>, vector<1x1000x128xf32>
    %get3A_765 = vector.shape_cast %get3A_764 : vector<1x1000x128xf32> to vector<1000x128xf32>
    %mul3A_766 = arith.mulf %slice3A_760, %get3A_765 : vector<1000x128xf32>
    %add3A_767 = arith.addf %add3A_759, %mul3A_766 : vector<1000x128xf32>
    %slice3A_768 = vector.extract_strided_slice %dot_general3A_662 {offsets = [0, 1664], sizes = [1000, 128], strides = [1, 1]} : vector<1000x2048xf32> to vector<1000x128xf32>
    %get3A_769 = arith.constant 13 : index
    %get3A_770 = arith.constant 0 : index
    %get3A_771 = arith.constant 0 : index
    %get3A_772 = vector.load %arg15[%get3A_769, %get3A_770, %get3A_771] : memref<16x1000x128xf32, #tpu.memory_space<vmem>>, vector<1x1000x128xf32>
    %get3A_773 = vector.shape_cast %get3A_772 : vector<1x1000x128xf32> to vector<1000x128xf32>
    %mul3A_774 = arith.mulf %slice3A_768, %get3A_773 : vector<1000x128xf32>
    %add3A_775 = arith.addf %add3A_767, %mul3A_774 : vector<1000x128xf32>
    %slice3A_776 = vector.extract_strided_slice %dot_general3A_662 {offsets = [0, 1792], sizes = [1000, 128], strides = [1, 1]} : vector<1000x2048xf32> to vector<1000x128xf32>
    %get3A_777 = arith.constant 14 : index
    %get3A_778 = arith.constant 0 : index
    %get3A_779 = arith.constant 0 : index
    %get3A_780 = vector.load %arg15[%get3A_777, %get3A_778, %get3A_779] : memref<16x1000x128xf32, #tpu.memory_space<vmem>>, vector<1x1000x128xf32>
    %get3A_781 = vector.shape_cast %get3A_780 : vector<1x1000x128xf32> to vector<1000x128xf32>
    %mul3A_782 = arith.mulf %slice3A_776, %get3A_781 : vector<1000x128xf32>
    %add3A_783 = arith.addf %add3A_775, %mul3A_782 : vector<1000x128xf32>
    %slice3A_784 = vector.extract_strided_slice %dot_general3A_662 {offsets = [0, 1920], sizes = [1000, 128], strides = [1, 1]} : vector<1000x2048xf32> to vector<1000x128xf32>
    %get3A_785 = arith.constant 15 : index
    %get3A_786 = arith.constant 0 : index
    %get3A_787 = arith.constant 0 : index
    %get3A_788 = vector.load %arg15[%get3A_785, %get3A_786, %get3A_787] : memref<16x1000x128xf32, #tpu.memory_space<vmem>>, vector<1x1000x128xf32>
    %get3A_789 = vector.shape_cast %get3A_788 : vector<1x1000x128xf32> to vector<1000x128xf32>
    %mul3A_790 = arith.mulf %slice3A_784, %get3A_789 : vector<1000x128xf32>
    %add3A_791 = arith.addf %add3A_783, %mul3A_790 : vector<1000x128xf32>
    %get3A_792 = arith.constant 0 : index
    %get3A_793 = arith.constant 0 : index
    %get3A_794 = vector.load %arg9[%get3A_792, %get3A_793] : memref<128x128xf32, #tpu.memory_space<vmem>>, vector<128x128xf32>
    %dot_general3A_795 = arith.constant dense<0.000000e+00> : vector<1000x128xf32>
    %dot_general3A_796 = tpu.matmul %add3A_791, %get3A_794, %dot_general3A_795 {dimension_numbers = #tpu.dot_dimension_numbers<[1], [0], [0], [1], [0, 0, 1, 1], [], []>, transpose_lhs_hint = false} : vector<1000x128xf32>, vector<128x128xf32>, vector<1000x128xf32> -> vector<1000x128xf32>
    %get3A_797 = arith.constant 0 : index
    %get3A_798 = arith.constant 0 : index
    %get3A_799 = vector.load %arg10[%get3A_797, %get3A_798] : memref<1x128xf32, #tpu.memory_space<vmem>>, vector<1x128xf32>
    %add3A_800 = vector.broadcast %get3A_799 : vector<1x128xf32> to vector<1000x128xf32>
    %add3A_801 = arith.addf %dot_general3A_796, %add3A_800 : vector<1000x128xf32>
    %tanh3A_802 = math.tanh %add3A_801 : vector<1000x128xf32>
    %get3A_803 = arith.constant 0 : index
    %get3A_804 = arith.constant 0 : index
    %get3A_805 = vector.load %arg11[%get3A_803, %get3A_804] : memref<128x128xf32, #tpu.memory_space<vmem>>, vector<128x128xf32>
    %dot_general3A_806 = arith.constant dense<0.000000e+00> : vector<1000x128xf32>
    %dot_general3A_807 = tpu.matmul %tanh3A_802, %get3A_805, %dot_general3A_806 {dimension_numbers = #tpu.dot_dimension_numbers<[1], [0], [0], [1], [0, 0, 1, 1], [], []>, transpose_lhs_hint = false} : vector<1000x128xf32>, vector<128x128xf32>, vector<1000x128xf32> -> vector<1000x128xf32>
    %get3A_808 = arith.constant 0 : index
    %get3A_809 = arith.constant 0 : index
    %get3A_810 = vector.load %arg12[%get3A_808, %get3A_809] : memref<1x128xf32, #tpu.memory_space<vmem>>, vector<1x128xf32>
    %add3A_811 = vector.broadcast %get3A_810 : vector<1x128xf32> to vector<1000x128xf32>
    %add3A_812 = arith.addf %dot_general3A_807, %add3A_811 : vector<1000x128xf32>
    %swap3A_813 = arith.constant 0 : index
    %swap3A_814 = arith.constant 0 : index
    %swap3A_815 = vector.load %arg13[%swap3A_813, %swap3A_814] : memref<1000x128xf32, #tpu.memory_space<vmem>>, vector<1000x128xf32>
    tpu.vector_store %arg13[%swap3A_813, %swap3A_814], %add3A_812 {strides = array<i32>} : memref<1000x128xf32, #tpu.memory_space<vmem>>, vector<1000x128xf32>,
    return
  }
  func.func @transform_0(%arg0: i32) -> (i32, i32, i32) {
    %c0_i32 = arith.constant 0 : i32
    %c0_i32_0 = arith.constant 0 : i32
    %c0_i32_1 = arith.constant 0 : i32
    return %c0_i32, %arg0, %c0_i32_0 : i32, i32, i32
  }
  func.func @transform_1(%arg0: i32) -> (i32, i32) {
    %c0_i32 = arith.constant 0 : i32
    %c0_i32_0 = arith.constant 0 : i32
    return %arg0, %c0_i32 : i32, i32
  }
  func.func @transform_2(%arg0: i32) -> (i32, i32) {
    %c0_i32 = arith.constant 0 : i32
    %c0_i32_0 = arith.constant 0 : i32
    %c0_i32_1 = arith.constant 0 : i32
    return %c0_i32, %c0_i32_0 : i32, i32
  }
  func.func @transform_3(%arg0: i32) -> (i32, i32) {
    %c0_i32 = arith.constant 0 : i32
    %c0_i32_0 = arith.constant 0 : i32
    %c0_i32_1 = arith.constant 0 : i32
    return %c0_i32, %c0_i32_0 : i32, i32
  }
  func.func @transform_4(%arg0: i32) -> (i32, i32) {
    %c0_i32 = arith.constant 0 : i32
    %c0_i32_0 = arith.constant 0 : i32
    %c0_i32_1 = arith.constant 0 : i32
    return %c0_i32, %c0_i32_0 : i32, i32
  }
  func.func @transform_5(%arg0: i32) -> (i32, i32) {
    %c0_i32 = arith.constant 0 : i32
    %c0_i32_0 = arith.constant 0 : i32
    %c0_i32_1 = arith.constant 0 : i32
    return %c0_i32, %c0_i32_0 : i32, i32
  }
  func.func @transform_6(%arg0: i32) -> (i32, i32) {
    %c0_i32 = arith.constant 0 : i32
    %c0_i32_0 = arith.constant 0 : i32
    %c0_i32_1 = arith.constant 0 : i32
    return %c0_i32, %c0_i32_0 : i32, i32
  }
  func.func @transform_7(%arg0: i32) -> (i32, i32) {
    %c0_i32 = arith.constant 0 : i32
    %c0_i32_0 = arith.constant 0 : i32
    %c0_i32_1 = arith.constant 0 : i32
    return %c0_i32, %c0_i32_0 : i32, i32
  }
  func.func @transform_8(%arg0: i32) -> (i32, i32) {
    %c0_i32 = arith.constant 0 : i32
    %c0_i32_0 = arith.constant 0 : i32
    %c0_i32_1 = arith.constant 0 : i32
    return %c0_i32, %c0_i32_0 : i32, i32
  }
  func.func @transform_9(%arg0: i32) -> (i32, i32) {
    %c0_i32 = arith.constant 0 : i32
    %c0_i32_0 = arith.constant 0 : i32
    %c0_i32_1 = arith.constant 0 : i32
    return %c0_i32, %c0_i32_0 : i32, i32
  }
  func.func @transform_10(%arg0: i32) -> (i32, i32) {
    %c0_i32 = arith.constant 0 : i32
    %c0_i32_0 = arith.constant 0 : i32
    %c0_i32_1 = arith.constant 0 : i32
    return %c0_i32, %c0_i32_0 : i32, i32
  }
  func.func @transform_11(%arg0: i32) -> (i32, i32) {
    %c0_i32 = arith.constant 0 : i32
    %c0_i32_0 = arith.constant 0 : i32
    %c0_i32_1 = arith.constant 0 : i32
    return %c0_i32, %c0_i32_0 : i32, i32
  }
  func.func @transform_12(%arg0: i32) -> (i32, i32) {
    %c0_i32 = arith.constant 0 : i32
    %c0_i32_0 = arith.constant 0 : i32
    return %arg0, %c0_i32 : i32, i32
  }
  func.func @transform_13(%arg0: i32) -> (i32, i32) {
    %c0_i32 = arith.constant 0 : i32
    %c0_i32_0 = arith.constant 0 : i32
    return %arg0, %c0_i32 : i32, i32
  }
}

</mosaic_0001>

<sc_bundles>
// kernel: kernel.11.cloned.1.call-start
scs
__scs_entry_jumppad:
0x0: {  	(pc) =	sbr.rel $0x88, $3  }
0x1: {  	(tag) =	ssettag $0x0;
	lr =	simm.s32 $0x1  }
0x2: {  	[smem:$0x3F94] =	sst lr;
	_ =	strace $0xD0000000  }
0x3: {  	_ = 	snop  }
0x4: {  	_ = 	snop  }
0x5: {  	_ = 	snop  }
0x6: {  	_ = 	snop  }
0x7: {  	_ = 	snop  }
__scs_overlays_trampoline_lowered:
0x8: {  	[smem:$0x3FA3] =	sst s0  }
0x9: {  	[smem:$0x3FA4] =	sst s1  }
0xa: {  	[smem:$0x3FA5] =	sst s2  }
0xb: {  	[smem:$0x3FA6] =	sst s3  }
0xc: {  	[smem:$0x3FA7] =	sst s4  }
0xd: {  	[smem:$0x3FA8] =	sst s5  }
0xe: {  	[smem:$0x3FA9] =	sst s6  }
0xf: {  	[smem:$0x3FAA] =	sst s7  }
0x10: {  	[smem:$0x3FAB] =	sst s8  }
0x11: {  	[smem:$0x3FAC] =	sst s9;
	s0 =	simm.s32 @!p0 $0x0  }
0x12: {  	s1 =	sld [smem:$0x3F92];
	s0 =	simm.s32 @p0 $0x1  }
0x13: {  	[smem:$0x3FAD] =	sst s0;
	s0 =	simm.s32 @!p1 $0x0  }
0x14: {  	s2 =	sld [smem:$0x3F91];
	s0 =	simm.s32 @p1 $0x1  }
0x15: {  	[smem:$0x3FAE] =	sst s0;
	s0 =	simm.s32 @!p2 $0x0  }
0x16: {  	s3 =	sld [smem:$0x3FDB];
	s0 =	simm.s32 @p2 $0x1  }
0x17: {  	s4 =	simm.s32 $0x1BF5;
	[smem:$0x3FB0] =	sst s0  }
0x18: {  	s0 =	sld [smem:$0x3F93];
	_ =	swait.ge [sflag:s4], $0x0  }
0x19: {  	s7 =	sld [smem:$0x3F94]  }
0x1a: {  	s8 =	sadd.s32 $0xFFFFE003, lr  }
0x1b: {  	s9 =	sadd.s32 $0xFFFFFEF7, lr;
	s5 =	simm.s32 $0xFFFFFFFF;
	p2 =	slt.u32 s8, $0xFFFFF086  }
0x1c: {  	p1 =	slt.u32 s9, $0xF7A;
	s5 =	simm.s32 @!p2 $0x0  }
0x1d: {  	s5 =	simm.s32 @p1 $0x1;
	p0 =	seq.s32 s7, s2  }
0x1e: {  	s7 =	smul.u32 @!p0 $0xF7A, s2;
	p2 =	seq.s32 @!p0 s5, $0x0  }
0x1f: {  	s9 =	smul.u32 $0xF7A, s1;
	s8 =	simm.s32 @!p0 $0x1BF5;
	p2 =	por !p2, p0  }
0x20: {  	[sflag:s8] =	ssyncset.s32 @!p0 $0xFFFFF086;
	s6 =	sadd.s32 @!p0 s3, s7;
	s7 =	simm.s32 @!p0 $0x108  }
0x21: {  	s3 =	sadd.s32 s3, s9;
	s6 =	sadd.s32 @!p0 $0x88, s6;
	s7 =	simm.s32 @p2 $0x1082  }
0x22: {  	[simem:s7], [sflag:s8] =	dma.local @!p0 [hbm:s6], $0xF7A  }
0x23: {  	s9 =	sor.u32 $0xD0000000, s2;
	s6 =	simm.s32 $0x108;
	_ =	swait.ge @!p0 [sflag:s8], $0x0  }
0x24: {  	s3 =	sadd.s32 $0x88, s3;
	s6 =	simm.s32 @!p1 $0x1082;
	[sflag:s4] =	ssyncset.s32 $0xFFFFF086  }
0x25: {  	[simem:s6], [sflag:s4] =	dma.local [hbm:s3], $0xF7A  }
0x26: {  	[smem:$0x3F94] =	sst s1;
	(tag) =	ssettag s2;
	_ =	strace s9  }
0x27: {  	s1 =	sld [smem:$0x3FA4]  }
0x28: {  	s2 =	sld [smem:$0x3FA5]  }
0x29: {  	s4 =	sld [smem:$0x3FA7]  }
0x2a: {  	p0 =	seq.s32 s5, $0x0;
	s5 =	sld [smem:$0x3FA8]  }
0x2b: {  	s6 =	sld [smem:$0x3FA9]  }
0x2c: {  	s7 =	sld [smem:$0x3FAA]  }
0x2d: {  	s3 =	simm.s32 $0x108;
	s8 =	sld [smem:$0x3FAB]  }
0x2e: {  	s3 =	simm.s32 @!p0 $0x1082;
	s9 =	sld [smem:$0x3FAC]  }
0x2f: {  	lr =	sadd.s32 s0, s3;
	s0 =	sld [smem:$0x3FA3]  }
0x30: {  	s3 =	sld [smem:$0x3FA6]  }
0x31: {  	[smem:$0x3FAF] =	sst s10  }
0x32: {  	s10 =	sld [smem:$0x3FAD];
	_ =	sdelay $0x3  }
0x33: {  	p0 =	seq.s32 s10, $0x1;
	s10 =	sld [smem:$0x3FAF];
	_ =	sdelay $0x3  }
0x34: {  	[smem:$0x3FAF] =	sst s10  }
0x35: {  	s10 =	sld [smem:$0x3FAE];
	_ =	sdelay $0x3  }
0x36: {  	p1 =	seq.s32 s10, $0x1;
	s10 =	sld [smem:$0x3FAF];
	_ =	sdelay $0x3  }
0x37: {  	[smem:$0x3FAF] =	sst s10  }
0x38: {  	s10 =	sld [smem:$0x3FB0]  }
0x39: {  	_ = 	snop;
	(pc) =	sbr.ind lr, $3  }
0x3a: {  	_ = 	snop  }
0x3b: {  	_ = 	snop  }
0x3c: {  	p2 =	seq.s32 s10, $0x1;
	s10 =	sld [smem:$0x3FAF]  }
0x3d: {  	_ =	shalt  }
0x3e: {  	_ =	shalt  }
0x3f: {  	_ =	shalt  }
0x40: {  	_ =	shalt  }
0x41: {  	_ =	shalt  }
0x42: {  	_ =	shalt  }
0x43: {  	_ =	shalt  }
0x44: {  	_ =	shalt  }
0x45: {  	_ =	shalt  }
0x46: {  	_ =	shalt  }
0x47: {  	_ =	shalt  }
0x48: {  	_ =	shalt  }
0x49: {  	_ =	shalt  }
0x4a: {  	_ =	shalt  }
0x4b: {  	_ =	shalt  }
0x4c: {  	_ =	shalt  }
0x4d: {  	_ =	shalt  }
0x4e: {  	_ =	shalt  }
0x4f: {  	_ =	shalt  }
0x50: {  	_ =	shalt  }
0x51: {  	_ =	shalt  }
0x52: {  	_ =	shalt  }
0x53: {  	_ =	shalt  }
0x54: {  	_ =	shalt  }
0x55: {  	_ =	shalt  }
0x56: {  	_ =	shalt  }
0x57: {  	_ =	shalt  }
0x58: {  	_ =	shalt  }
0x59: {  	_ =	shalt  }
0x5a: {  	_ =	shalt  }
0x5b: {  	_ =	shalt  }
0x5c: {  	_ =	shalt  }
0x5d: {  	_ =	shalt  }
0x5e: {  	_ =	shalt  }
0x5f: {  	_ =	shalt  }
0x60: {  	_ =	shalt  }
0x61: {  	_ =	shalt  }
0x62: {  	_ =	shalt  }
0x63: {  	_ =	shalt  }
0x64: {  	_ =	shalt  }
0x65: {  	_ =	shalt  }
0x66: {  	_ =	shalt  }
0x67: {  	_ =	shalt  }
0x68: {  	_ =	shalt  }
0x69: {  	_ =	shalt  }
0x6a: {  	_ =	shalt  }
0x6b: {  	_ =	shalt  }
0x6c: {  	_ =	shalt  }
0x6d: {  	_ =	shalt  }
0x6e: {  	_ =	shalt  }
0x6f: {  	_ =	shalt  }
0x70: {  	_ =	shalt  }
0x71: {  	_ =	shalt  }
0x72: {  	_ =	shalt  }
0x73: {  	_ =	shalt  }
0x74: {  	_ =	shalt  }
0x75: {  	_ =	shalt  }
0x76: {  	_ =	shalt  }
0x77: {  	_ =	shalt  }
0x78: {  	_ =	shalt  }
0x79: {  	_ =	shalt  }
0x7a: {  	_ =	shalt  }
0x7b: {  	_ =	shalt  }
0x7c: {  	_ =	shalt  }
0x7d: {  	_ =	shalt  }
0x7e: {  	_ =	shalt  }
0x7f: {  	_ =	shalt  }
0x80: {  	_ =	shalt  }
0x81: {  	_ =	shalt  }
0x82: {  	_ =	shalt  }
0x83: {  	_ =	shalt  }
0x84: {  	_ =	shalt  }
0x85: {  	_ =	shalt  }
0x86: {  	_ =	shalt  }
0x87: {  	_ =	shalt  }
.Lfunc_end0:
.L_simem_size_0:
called_computation.1_lowered:
.L_overlay_start_0:
0x88: {  	s2 =	sld [smem:$0x3FD9]  }
0x89: {  	s3 =	sld [smem:$0x3FFE];
	_ =	sdelay $0x1  }
0x8a: {  	s1 =	srdreg.scid  }
0x8b: {  	s0 =	sand.u32 $0x1, s1  }
0x8c: {  	s14 =	sshll.u32 s0, $0xA;
	s2 =	sadd.s32 s3, s2  }
0x8d: {  	s2 =	sadd.s32 s2, s14  }
0x8e: {  	[smem:$0x3FBB] =	sst s2  }
0x8f: {  	_ = 	snop  }
0x90: {  	s2 =	sld [smem:$0x3FD0];
	_ =	sdelay $0x2  }
0x91: {  	s15 =	simm.s32 $0xB;
	s4 =	simm.s32 $0x10  }
0x92: {  	[smem:s4], [sflag:s15] =	dma.local [hbm:s2], $0x1  }
0x93: {  	_ =	swait.eq [sflag:s15], $0x1  }
0x94: {  	[sflag:s15] =	ssyncset.done $0x0  }
0x95: {  	s16 =	sld [smem:$0x10];
	[sflag:s15] =	ssyncadd.s32 $0xFFFFFFFF  }
0x96: {  	s17 =	sld [smem:$0x11];
	(tm) =	ssettm $0x1  }
0x97: {  	s18 =	sld [smem:$0x3FFB];
	_ =	sdelay $0x3  }
0x98: {  	_ =	strace s18  }
0x99: {  	s4 =	sld [smem:$0x3FFC];
	_ =	sdelay $0x3  }
0x9a: {  	_ =	strace s4  }
0x9b: {  	s4 =	sld [smem:$0x3FFD];
	_ =	sdelay $0x3  }
0x9c: {  	_ =	strace s4  }
0x9d: {  	_ =	strace $0x8FFFFFFF  }
0x9e: {  	s19 =	sld [smem:$0x3FDB];
	_ =	sdelay $0x1  }
0x9f: {  	s5 =	simm.s32 $_scs_section_size  }
0xa0: {  	s6 =	simm.s32 $_size__tile_overlayer_lowered;
	s7 =	simm.s32 $_tile_overlayer_lowered  }
0xa1: {  	s22 =	simm.s32 $0x1BFF;
	s21 =	sshll.u32 s7, $0x1;
	s4 =	sadd.s32 s5, s19  }
0xa2: {  	s8 =	simm.s32 $0x0;
	s20 =	sshll.u32 s6, $0x1;
	s6 =	sadd.s32 s21, s4  }
0xa3: {  	[timem:s8], [sflag:s22] =	dma.local [hbm:s6], s20  }
0xa4: {  	_ =	swait.ge [sflag:s22], s20  }
0xa5: {  	s5 =	ssub.s32 $0x0, s20;
	[sflag:s22] =	ssyncset.done $0x0  }
0xa6: {  	[sflag:s22] =	ssyncadd.s32 s5;
	_ =	sdelay $0x1  }
0xa7: {  	s23 =	simm.s32 $0x1B8B  }
0xa8: {  	_ =	swait.ge [sflag:s23], $0x1  }
0xa9: {  	[sflag:s23] =	ssyncset.done $0x0  }
0xaa: {  	s25 =	simm.s32 $0x1B8E;
	s24 =	sld [smem:$0x3FFE];
	[sflag:s23] =	ssyncadd.s32 $0xFFFFFFFF  }
0xab: {  	s26 =	simm.s32 $execute0_lowered;
	[smem:$0x3FD2] =	sst s25  }
0xac: {  	s6 =	sshll.u32 s26, $0x1;
	_ =	strace $0x80000046;
	[dreg:$0x1] =	wrdreg $0xFFFFFFFF  }
0xad: {  	s28 =	simm.s32 $_size_execute0_lowered;
	s4 =	sadd.s32 s4, s6;
	[dreg:$0x0] =	wrdreg $0x0  }
0xae: {  	s6 =	sshll.u32 s28, $0x1;
	[dreg:$0x2] =	wrdreg s4  }
0xaf: {  	[dreg:$0x3] =	wrdreg s6  }
0xb0: {  	[dreg:$0x4] =	wrdreg $0xC0  }
0xb1: {  	_ =	task [dreg:s8], $0x5FFFF  }
0xb2: {  	[dreg:$0x1] =	wrdreg $0xFFFFFFFF  }
0xb3: {  	[dreg:$0x0] =	wrdreg $0x60  }
0xb4: {  	[dreg:$0x2] =	wrdreg s16  }
0xb5: {  	[dreg:$0x3] =	wrdreg s17  }
0xb6: {  	[dreg:$0x4] =	wrdreg s24  }
0xb7: {  	[dreg:$0x5] =	wrdreg $0xA  }
0xb8: {  	_ =	task.clear_ibuf [dreg:s8], $0x6FFFF;
	_ =	strace $0x90000046  }
0xb9: {  	s29 =	simm.s32 $0xA;
	_ =	strace $0x80000048  }
0xba: {  	_ =	swait.ge [sflag:s29], $0x1  }
0xbb: {  	[sflag:s29] =	ssyncadd.s32 $0xFFFFFFFF  }
0xbc: {  	_ =	strace $0x90000048  }
0xbd: {  	_ =	sfence  }
0xbe: {  	s30 =	sld [smem:$0x0];
	_ =	sdelay $0x2  }
0xbf: {  	s31 =	sshll.u32 s1, $0xD;
	s1 =	sshrl.u32 s1, $0x2  }
0xc0: {  	s3 =	sand.u32 $0x4000, s31;
	s1 =	sadd.s32 s1, s30  }
0xc1: {  	s0 =	sor.u32 s3, s0;
	s1 =	sshll.u32 s1, $0x11  }
0xc2: {  	s0 =	sor.u32 s1, s0  }
0xc3: {  	s0 =	sadd.s32 $0x8F2B, s0  }
0xc4: {  	[sflag:s0] =	ssyncadd.remote.s32 $0x1  }
0xc5: {  	_ =	sfence.sel $0xFFFF  }
0xc6: {  	[dreg:$0x0] =	wrdreg $0xFFFFFFFF;
	(pc) =	sbr.abs _section_cstart, $3  }
0xc7: {  	[dreg:$0x1] =	wrdreg $0xFFFFFFFF  }
0xc8: {  	_ =	task.clear_ibuf [dreg:s8], $0x2FFFF;
	_ =	strace $0x9FFFFFFF  }
0xc9: {  	(tm) =	ssettm $0x7FFFFFFF  }
tec
execute0_lowered:
.L_overlay_start_1:
0x0: {  	(tag) =	ssettag $0x1  }
0x1: {  	s1 =	rddreg [dreg:$0x0]  }
0x2: {  	s0 =	rddreg [dreg:$0x1];
	s2 =	srdreg.scid  }
0x3: {  	s11 =	stileid.u32;
	s4 =	rddreg [dreg:$0x2];
	s12 =	simm.s32 $0xB  }
0x4: {  	s13 =	simm.s32 $0x28;
	s14 =	simm.s32 $0x1400;
	s15 =	simm.s32 $0x2800  }
0x5: {  	s17 =	simm.s32 $0x3C00;
	s19 =	simm.s32 $0x5000;
	s21 =	simm.s32 $0x6400  }
0x6: {  	s22 =	simm.s32 $0x1;
	s23 =	simm.s32 $0x6;
	s28 =	simm.s32 $0x8  }
0x7: {  	s29 =	simm.s32 $0x4;
	s30 =	simm.s32 $0x9;
	s31 =	simm.s32 $0x5  }
0x8: {  	s2 =	sand.u32 $0x1, s2;
	s3 =	sshll.u32 s11, $0x1;
	s25 =	smul.u32 $0x27100, s11  }
0x9: {  	s5 =	sor.u32 s2, s3;
	s6 =	ssub.s32 $0x2, s2;
	s2 =	smul.u32 $0x13880, s2  }
0xa: {  	s9 =	sadd.s32 $0x3400, s4;
	s3 =	simm.s32 $0x0;
	s7 =	smul.u32 $0x1388, s5  }
0xb: {  	[smem:$0x7FF] =	sst s3;
	s8 =	sshrl.u32 s6, $0x1;
	s5 =	smul.u32 $0x9C400, s5  }
0xc: {  	_ =	strace $0x80000047;
	s10 =	ssub.s32 s6, s8;
	s24 =	sshrl.u32 s7, $0x3  }
0xd: {  	s5 =	sshrl.u32 s5, $0x3;
	s10 =	smax.u32 s10, $0x1;
	s0 =	sadd.s32 s0, s24  }
0xe: {  	s26 =	sadd.s32 s9, s5;
	s9 =	sadd.s32 s25, s9;
	s24 =	simm.s32 $0x2  }
0xf: {  	s25 =	simm.s32 $0x7;
	[dreg:$0x4] =	wrdreg s0;
	s5 =	sadd.s32 $0x12C00, s26  }
0x10: {  	s6 =	sadd.s32 $0x12E80, s26;
	s7 =	sadd.s32 $0x13100, s26;
	s8 =	sadd.s32 $0x13380, s26  }
0x11: {  	s2 =	sadd.s32 s2, s9;
	s9 =	sadd.s32 $0x13600, s26;
	s26 =	simm.s32 $0x3  }
0x12: {  	s0 =	simm.s32 $0x0;
	s11 =	sadd.s32 $0xA00, s2;
	s2 =	simm.s32 $0xA  }
.LBB2_1:
0x13: {  	s4 =	rddreg [dreg:$0x4]  }
0x14: {  	[tilespmem:s3], [sflag:$0xB] =	stream.linear.gather [hbm4b:s4+s3], $0x1388, $0x38;
	[tilespmem:$0x7800] =	vst v63  }
0x15: {  	_ =	swait.ge [sflag:s12], $0x1388  }
0x16: {  	[sflag:s12] =	ssyncset.done $0x0  }
0x17: {  	[sflag:s12] =	ssyncadd.s32 $0xFFFFEC78  }
0x18: {  	[tilespmem:s14], [sflag:$0x1] =	stream.indirect.gather [hbm4b:s1+s13], $0x80, s3, s13, $0xb8;
	[tilespmem:$0x7800] =	vst v63  }
0x19: {  	_ = 	snop  }
0x1a: {  	[tilespmem:s15], [sflag:$0x2] =	stream.indirect.gather [hbm4b:s1+s13], $0x80, s13, s13, $0xb8;
	[tilespmem:$0x7800] =	vst v63  }
0x1b: {  	s20 =	simm.s32 $0x50  }
0x1c: {  	[tilespmem:s17], [sflag:$0x3] =	stream.indirect.gather [hbm4b:s1+s13], $0x80, s20, s13, $0xb8;
	[tilespmem:$0x7800] =	vst v63  }
0x1d: {  	s16 =	simm.s32 $0x78  }
0x1e: {  	[tilespmem:s19], [sflag:$0x4] =	stream.indirect.gather [hbm4b:s1+s13], $0x80, s16, s13, $0xb8;
	[tilespmem:$0x7800] =	vst v63  }
0x1f: {  	s18 =	simm.s32 $0xA0  }
0x20: {  	[tilespmem:s21], [sflag:$0x5] =	stream.indirect.gather [hbm4b:s1+s13], $0x80, s18, s13, $0xb8;
	[tilespmem:$0x7800] =	vst v63  }
0x21: {  	_ =	swait.ge [sflag:s22], $0x1400  }
0x22: {  	[sflag:s22] =	ssyncset.done $0x0  }
0x23: {  	s16 =	sadd.s32 $0xFFFFF600, s11;
	[sflag:s22] =	ssyncadd.s32 $0xFFFFEC00  }
0x24: {  	[hbm4b:s16+s3] =	stream.linear.scatter [tilespmem:s14], [sflag:$0x6], $0x1400, $0x38;
	[tilespmem:$0x7800] =	vst v63  }
0x25: {  	_ =	swait.ge [sflag:s23], $0x1400  }
0x26: {  	[sflag:s23] =	ssyncset.done $0x0  }
0x27: {  	s20 =	simm.s32 $0xC8;
	[sflag:s23] =	ssyncadd.s32 $0xFFFFEC00  }
0x28: {  	[tilespmem:s14], [sflag:$0x1] =	stream.indirect.gather [hbm4b:s1+s13], $0x80, s20, s13, $0xb8;
	[tilespmem:$0x7800] =	vst v63  }
0x29: {  	_ =	swait.ge [sflag:s24], $0x1400  }
0x2a: {  	[sflag:s24] =	ssyncset.done $0x0  }
0x2b: {  	s4 =	sadd.s32 $0xFFFFF880, s11;
	[sflag:s24] =	ssyncadd.s32 $0xFFFFEC00  }
0x2c: {  	[hbm4b:s4+s3] =	stream.linear.scatter [tilespmem:s15], [sflag:$0x7], $0x1400, $0x38;
	[tilespmem:$0x7800] =	vst v63  }
0x2d: {  	_ =	swait.ge [sflag:s25], $0x1400  }
0x2e: {  	[sflag:s25] =	ssyncset.done $0x0  }
0x2f: {  	s18 =	simm.s32 $0xF0;
	[sflag:s25] =	ssyncadd.s32 $0xFFFFEC00  }
0x30: {  	[tilespmem:s15], [sflag:$0x2] =	stream.indirect.gather [hbm4b:s1+s13], $0x80, s18, s13, $0xb8;
	[tilespmem:$0x7800] =	vst v63  }
0x31: {  	_ =	swait.ge [sflag:s26], $0x1400  }
0x32: {  	[sflag:s26] =	ssyncset.done $0x0  }
0x33: {  	s20 =	sadd.s32 $0xFFFFFB00, s11;
	[sflag:s26] =	ssyncadd.s32 $0xFFFFEC00  }
0x34: {  	[hbm4b:s20+s3] =	stream.linear.scatter [tilespmem:s17], [sflag:$0x8], $0x1400, $0x38;
	[tilespmem:$0x7800] =	vst v63  }
0x35: {  	_ =	swait.ge [sflag:s28], $0x1400  }
0x36: {  	[sflag:s28] =	ssyncset.done $0x0  }
0x37: {  	s4 =	simm.s32 $0x118;
	[sflag:s28] =	ssyncadd.s32 $0xFFFFEC00  }
0x38: {  	[tilespmem:s17], [sflag:$0x3] =	stream.indirect.gather [hbm4b:s1+s13], $0x80, s4, s13, $0xb8;
	[tilespmem:$0x7800] =	vst v63  }
0x39: {  	_ =	swait.ge [sflag:s29], $0x1400  }
0x3a: {  	[sflag:s29] =	ssyncset.done $0x0  }
0x3b: {  	s18 =	sadd.s32 $0xFFFFFD80, s11;
	[sflag:s29] =	ssyncadd.s32 $0xFFFFEC00  }
0x3c: {  	[hbm4b:s18+s3] =	stream.linear.scatter [tilespmem:s19], [sflag:$0x9], $0x1400, $0x38;
	[tilespmem:$0x7800] =	vst v63  }
0x3d: {  	_ =	swait.ge [sflag:s30], $0x1400  }
0x3e: {  	[sflag:s30] =	ssyncset.done $0x0  }
0x3f: {  	s20 =	simm.s32 $0x140;
	[sflag:s30] =	ssyncadd.s32 $0xFFFFEC00  }
0x40: {  	[tilespmem:s19], [sflag:$0x4] =	stream.indirect.gather [hbm4b:s1+s13], $0x80, s20, s13, $0xb8;
	[tilespmem:$0x7800] =	vst v63  }
0x41: {  	_ =	swait.ge [sflag:s31], $0x1400  }
0x42: {  	[sflag:s31] =	ssyncset.done $0x0  }
0x43: {  	[sflag:s31] =	ssyncadd.s32 $0xFFFFEC00  }
0x44: {  	[hbm4b:s11+s3] =	stream.linear.scatter [tilespmem:s21], [sflag:$0xA], $0x1400, $0x38;
	[tilespmem:$0x7800] =	vst v63  }
0x45: {  	_ =	swait.ge [sflag:s2], $0x1400  }
0x46: {  	s16 =	simm.s32 $0x320;
	[sflag:s2] =	ssyncset.done $0x0  }
0x47: {  	s18 =	sadd.s32 $0xC80, s11;
	s20 =	simm.s32 $0x168;
	[sflag:s2] =	ssyncadd.s32 $0xFFFFEC00  }
.LBB2_2:
0x48: {  	[tilespmem:s21], [sflag:$0x5] =	stream.indirect.gather [hbm4b:s1+s13], $0x80, s20, s13, $0xb8;
	[tilespmem:$0x7800] =	vst v63  }
0x49: {  	s20 =	smov.u32 s16  }
0x4a: {  	p0 =	sne.s32 s16, $0x47E0;
	s16 =	sadd.s32 $0x320, s16;
	_ =	swait.ge [sflag:s22], $0x1400  }
0x4b: {  	[sflag:s22] =	ssyncset.done $0x0  }
0x4c: {  	s4 =	sadd.s32 $0xFFFFF600, s18;
	[sflag:s22] =	ssyncadd.s32 $0xFFFFEC00  }
0x4d: {  	[hbm4b:s4+s3] =	stream.linear.scatter [tilespmem:s14], [sflag:$0x6], $0x1400, $0x38;
	[tilespmem:$0x7800] =	vst v63  }
0x4e: {  	_ =	swait.ge [sflag:s23], $0x1400  }
0x4f: {  	s20 =	sshra.s32 s20, $0x2;
	[sflag:s23] =	ssyncset.done $0x0  }
0x50: {  	s4 =	sadd.s32 $0xC8, s20;
	[sflag:s23] =	ssyncadd.s32 $0xFFFFEC00  }
0x51: {  	[tilespmem:s14], [sflag:$0x1] =	stream.indirect.gather [hbm4b:s1+s13], $0x80, s4, s13, $0xb8;
	[tilespmem:$0x7800] =	vst v63  }
0x52: {  	_ =	swait.ge [sflag:s24], $0x1400  }
0x53: {  	[sflag:s24] =	ssyncset.done $0x0  }
0x54: {  	s4 =	sadd.s32 $0xFFFFF880, s18;
	[sflag:s24] =	ssyncadd.s32 $0xFFFFEC00  }
0x55: {  	[hbm4b:s4+s3] =	stream.linear.scatter [tilespmem:s15], [sflag:$0x7], $0x1400, $0x38;
	[tilespmem:$0x7800] =	vst v63  }
0x56: {  	_ =	swait.ge [sflag:s25], $0x1400  }
0x57: {  	[sflag:s25] =	ssyncset.done $0x0  }
0x58: {  	s4 =	sadd.s32 $0xF0, s20;
	[sflag:s25] =	ssyncadd.s32 $0xFFFFEC00  }
0x59: {  	[tilespmem:s15], [sflag:$0x2] =	stream.indirect.gather [hbm4b:s1+s13], $0x80, s4, s13, $0xb8;
	[tilespmem:$0x7800] =	vst v63  }
0x5a: {  	_ =	swait.ge [sflag:s26], $0x1400  }
0x5b: {  	[sflag:s26] =	ssyncset.done $0x0  }
0x5c: {  	s4 =	sadd.s32 $0xFFFFFB00, s18;
	[sflag:s26] =	ssyncadd.s32 $0xFFFFEC00  }
0x5d: {  	[hbm4b:s4+s3] =	stream.linear.scatter [tilespmem:s17], [sflag:$0x8], $0x1400, $0x38;
	[tilespmem:$0x7800] =	vst v63  }
0x5e: {  	_ =	swait.ge [sflag:s28], $0x1400  }
0x5f: {  	[sflag:s28] =	ssyncset.done $0x0  }
0x60: {  	s4 =	sadd.s32 $0x118, s20;
	[sflag:s28] =	ssyncadd.s32 $0xFFFFEC00  }
0x61: {  	[tilespmem:s17], [sflag:$0x3] =	stream.indirect.gather [hbm4b:s1+s13], $0x80, s4, s13, $0xb8;
	[tilespmem:$0x7800] =	vst v63  }
0x62: {  	_ =	swait.ge [sflag:s29], $0x1400  }
0x63: {  	[sflag:s29] =	ssyncset.done $0x0  }
0x64: {  	s4 =	sadd.s32 $0xFFFFFD80, s18;
	[sflag:s29] =	ssyncadd.s32 $0xFFFFEC00  }
0x65: {  	[hbm4b:s4+s3] =	stream.linear.scatter [tilespmem:s19], [sflag:$0x9], $0x1400, $0x38;
	[tilespmem:$0x7800] =	vst v63  }
0x66: {  	_ =	swait.ge [sflag:s30], $0x1400  }
0x67: {  	[sflag:s30] =	ssyncset.done $0x0  }
0x68: {  	s4 =	sadd.s32 $0x140, s20;
	[sflag:s30] =	ssyncadd.s32 $0xFFFFEC00  }
0x69: {  	[tilespmem:s19], [sflag:$0x4] =	stream.indirect.gather [hbm4b:s1+s13], $0x80, s4, s13, $0xb8;
	[tilespmem:$0x7800] =	vst v63  }
0x6a: {  	_ =	swait.ge [sflag:s31], $0x1400  }
0x6b: {  	[sflag:s31] =	ssyncset.done $0x0  }
.Ltmp0:
0x6c: {  	[sflag:s31] =	ssyncadd.s32 $0xFFFFEC00;
	(pc) =	sbr.rel @p0 .LBB2_2-.Ltmp0, $4  }
0x6d: {  	[hbm4b:s18+s3] =	stream.linear.scatter [tilespmem:s21], [sflag:$0xA], $0x1400, $0x38;
	[tilespmem:$0x7800] =	vst v63  }
0x6e: {  	_ =	swait.ge [sflag:s2], $0x1400  }
0x6f: {  	[sflag:s2] =	ssyncset.done $0x0  }
0x70: {  	s20 =	sadd.s32 $0x168, s20;
	s18 =	sadd.s32 $0xC80, s18;
	[sflag:s2] =	ssyncadd.s32 $0xFFFFEC00  }
0x71: {  	[tilespmem:s21], [sflag:$0x5] =	stream.indirect.gather [hbm4b:s1+s13], $0x80, s20, s13, $0xb8;
	[tilespmem:$0x7800] =	vst v63  }
0x72: {  	_ =	swait.ge [sflag:s22], $0x1400  }
0x73: {  	[sflag:s22] =	ssyncset.done $0x0  }
0x74: {  	[sflag:s22] =	ssyncadd.s32 $0xFFFFEC00  }
0x75: {  	[hbm4b:s5+s3] =	stream.linear.scatter [tilespmem:s14], [sflag:$0x6], $0x1400, $0x38;
	[tilespmem:$0x7800] =	vst v63  }
0x76: {  	_ =	swait.ge [sflag:s23], $0x1400  }
0x77: {  	[sflag:s23] =	ssyncset.done $0x0  }
0x78: {  	[sflag:s23] =	ssyncadd.s32 $0xFFFFEC00  }
0x79: {  	_ =	swait.ge [sflag:s24], $0x1400  }
0x7a: {  	[sflag:s24] =	ssyncset.done $0x0  }
0x7b: {  	[sflag:s24] =	ssyncadd.s32 $0xFFFFEC00  }
0x7c: {  	[hbm4b:s6+s3] =	stream.linear.scatter [tilespmem:s15], [sflag:$0x7], $0x1400, $0x38;
	[tilespmem:$0x7800] =	vst v63  }
0x7d: {  	_ =	swait.ge [sflag:s25], $0x1400  }
0x7e: {  	[sflag:s25] =	ssyncset.done $0x0  }
0x7f: {  	[sflag:s25] =	ssyncadd.s32 $0xFFFFEC00  }
0x80: {  	_ =	swait.ge [sflag:s26], $0x1400  }
0x81: {  	[sflag:s26] =	ssyncset.done $0x0  }
0x82: {  	[sflag:s26] =	ssyncadd.s32 $0xFFFFEC00  }
0x83: {  	[hbm4b:s7+s3] =	stream.linear.scatter [tilespmem:s17], [sflag:$0x8], $0x1400, $0x38;
	[tilespmem:$0x7800] =	vst v63  }
0x84: {  	_ =	swait.ge [sflag:s28], $0x1400  }
0x85: {  	[sflag:s28] =	ssyncset.done $0x0  }
0x86: {  	[sflag:s28] =	ssyncadd.s32 $0xFFFFEC00  }
0x87: {  	_ =	swait.ge [sflag:s29], $0x1400  }
0x88: {  	[sflag:s29] =	ssyncset.done $0x0  }
0x89: {  	[sflag:s29] =	ssyncadd.s32 $0xFFFFEC00  }
0x8a: {  	[hbm4b:s8+s3] =	stream.linear.scatter [tilespmem:s19], [sflag:$0x9], $0x1400, $0x38;
	[tilespmem:$0x7800] =	vst v63  }
0x8b: {  	_ =	swait.ge [sflag:s30], $0x1400  }
0x8c: {  	[sflag:s30] =	ssyncset.done $0x0  }
0x8d: {  	[sflag:s30] =	ssyncadd.s32 $0xFFFFEC00  }
0x8e: {  	s0 =	sadd.s32 $0x1, s0;
	_ =	swait.ge [sflag:s31], $0x1400  }
0x8f: {  	p0 =	sne.s32 s0, s10;
	[sflag:s31] =	ssyncset.done $0x0  }
.Ltmp1:
0x90: {  	[sflag:s31] =	ssyncadd.s32 $0xFFFFEC00;
	(pc) =	sbr.rel @p0 .LBB2_1-.Ltmp1, $4  }
0x91: {  	[hbm4b:s9+s3] =	stream.linear.scatter [tilespmem:s21], [sflag:$0xA], $0x1400, $0x38;
	[tilespmem:$0x7800] =	vst v63  }
0x92: {  	_ =	swait.ge [sflag:s2], $0x1400  }
0x93: {  	[sflag:s2] =	ssyncset.done $0x0  }
0x94: {  	[sflag:s2] =	ssyncadd.s32 $0xFFFFEC00  }
0x95: {  	_ =	sfence.sel $0x180000  }
0x96: {  	[bflag:$0x0] =	sbarrier.arrive $0xFFFF  }
0x97: {  	_ =	strace $0x90000047  }
0x98: {  	s0 =	stileid.u32;
	[bflag:$0x2] =	sbarrier.arrive $0xFFFF  }
0x99: {  	p0 =	sne.s32 s0, $0x0;
	s0 =	rddreg [dreg:$0x3]  }
0x9a: {  	s0 =	sadd.s32 @!p0 $0x100000, s0  }
0x9b: {  	[sflag:s0] =	ssyncadd.tile.s32 @!p0 $0x1;
	_ =	shalt  }
.Lfunc_end2:
_tile_overlayer_lowered:
.L_overlay_start_2:
0x9c: {  	(tag) =	ssettag $0x2  }
0x9d: {  	s0 =	rddreg [dreg:$0x0];
	s2 =	stileid.u32  }
0x9e: {  	s1 =	rddreg [dreg:$0x1];
	p0 =	sne.s32 s2, $0x0  }
0x9f: {  	s3 =	rddreg [dreg:$0x2];
	[bflag:$0x3] =	sbarrier.arrive $0xFFFF;
	s2 =	simm.s32 @!p0 $0x1C0B  }
0xa0: {  	[timem:s3], [sflag:s2] =	dma.local @!p0 [hbm:s0], s1  }
0xa1: {  	s0 =	simm.s32 @!p0 $0xB  }
0xa2: {  	_ =	swait.ge @!p0 [sflag:s0], s1  }
0xa3: {  	s1 =	ssub.s32 @!p0 $0x0, s1;
	[sflag:s0] =	ssyncset.done @!p0 $0x0  }
0xa4: {  	[sflag:s0] =	ssyncadd.s32 @!p0 s1  }
0xa5: {  	[bflag:$0x3] =	sbarrier.arrive $0xFFFF  }
0xa6: {  	_ =	shalt  }

// kernel: kernel.8.cloned.1.call-start
scs
__scs_entry_jumppad:
0x0: {  	(pc) =	sbr.rel $0x88, $3  }
0x1: {  	(tag) =	ssettag $0x0;
	lr =	simm.s32 $0x1  }
0x2: {  	[smem:$0x3F94] =	sst lr;
	_ =	strace $0xD0000000  }
0x3: {  	_ = 	snop  }
0x4: {  	_ = 	snop  }
0x5: {  	_ = 	snop  }
0x6: {  	_ = 	snop  }
0x7: {  	_ = 	snop  }
__scs_overlays_trampoline_lowered:
0x8: {  	[smem:$0x3FA3] =	sst s0  }
0x9: {  	[smem:$0x3FA4] =	sst s1  }
0xa: {  	[smem:$0x3FA5] =	sst s2  }
0xb: {  	[smem:$0x3FA6] =	sst s3  }
0xc: {  	[smem:$0x3FA7] =	sst s4  }
0xd: {  	[smem:$0x3FA8] =	sst s5  }
0xe: {  	[smem:$0x3FA9] =	sst s6  }
0xf: {  	[smem:$0x3FAA] =	sst s7  }
0x10: {  	[smem:$0x3FAB] =	sst s8  }
0x11: {  	[smem:$0x3FAC] =	sst s9;
	s0 =	simm.s32 @!p0 $0x0  }
0x12: {  	s1 =	sld [smem:$0x3F92];
	s0 =	simm.s32 @p0 $0x1  }
0x13: {  	[smem:$0x3FAD] =	sst s0;
	s0 =	simm.s32 @!p1 $0x0  }
0x14: {  	s2 =	sld [smem:$0x3F91];
	s0 =	simm.s32 @p1 $0x1  }
0x15: {  	[smem:$0x3FAE] =	sst s0;
	s0 =	simm.s32 @!p2 $0x0  }
0x16: {  	s3 =	sld [smem:$0x3FDB];
	s0 =	simm.s32 @p2 $0x1  }
0x17: {  	s4 =	simm.s32 $0x1BF5;
	[smem:$0x3FB0] =	sst s0  }
0x18: {  	s0 =	sld [smem:$0x3F93];
	_ =	swait.ge [sflag:s4], $0x0  }
0x19: {  	s7 =	sld [smem:$0x3F94]  }
0x1a: {  	s8 =	sadd.s32 $0xFFFFE003, lr  }
0x1b: {  	s9 =	sadd.s32 $0xFFFFFEF7, lr;
	s5 =	simm.s32 $0xFFFFFFFF;
	p2 =	slt.u32 s8, $0xFFFFF086  }
0x1c: {  	p1 =	slt.u32 s9, $0xF7A;
	s5 =	simm.s32 @!p2 $0x0  }
0x1d: {  	s5 =	simm.s32 @p1 $0x1;
	p0 =	seq.s32 s7, s2  }
0x1e: {  	s7 =	smul.u32 @!p0 $0xF7A, s2;
	p2 =	seq.s32 @!p0 s5, $0x0  }
0x1f: {  	s9 =	smul.u32 $0xF7A, s1;
	s8 =	simm.s32 @!p0 $0x1BF5;
	p2 =	por !p2, p0  }
0x20: {  	[sflag:s8] =	ssyncset.s32 @!p0 $0xFFFFF086;
	s6 =	sadd.s32 @!p0 s3, s7;
	s7 =	simm.s32 @!p0 $0x108  }
0x21: {  	s3 =	sadd.s32 s3, s9;
	s6 =	sadd.s32 @!p0 $0x88, s6;
	s7 =	simm.s32 @p2 $0x1082  }
0x22: {  	[simem:s7], [sflag:s8] =	dma.local @!p0 [hbm:s6], $0xF7A  }
0x23: {  	s9 =	sor.u32 $0xD0000000, s2;
	s6 =	simm.s32 $0x108;
	_ =	swait.ge @!p0 [sflag:s8], $0x0  }
0x24: {  	s3 =	sadd.s32 $0x88, s3;
	s6 =	simm.s32 @!p1 $0x1082;
	[sflag:s4] =	ssyncset.s32 $0xFFFFF086  }
0x25: {  	[simem:s6], [sflag:s4] =	dma.local [hbm:s3], $0xF7A  }
0x26: {  	[smem:$0x3F94] =	sst s1;
	(tag) =	ssettag s2;
	_ =	strace s9  }
0x27: {  	s1 =	sld [smem:$0x3FA4]  }
0x28: {  	s2 =	sld [smem:$0x3FA5]  }
0x29: {  	s4 =	sld [smem:$0x3FA7]  }
0x2a: {  	p0 =	seq.s32 s5, $0x0;
	s5 =	sld [smem:$0x3FA8]  }
0x2b: {  	s6 =	sld [smem:$0x3FA9]  }
0x2c: {  	s7 =	sld [smem:$0x3FAA]  }
0x2d: {  	s3 =	simm.s32 $0x108;
	s8 =	sld [smem:$0x3FAB]  }
0x2e: {  	s3 =	simm.s32 @!p0 $0x1082;
	s9 =	sld [smem:$0x3FAC]  }
0x2f: {  	lr =	sadd.s32 s0, s3;
	s0 =	sld [smem:$0x3FA3]  }
0x30: {  	s3 =	sld [smem:$0x3FA6]  }
0x31: {  	[smem:$0x3FAF] =	sst s10  }
0x32: {  	s10 =	sld [smem:$0x3FAD];
	_ =	sdelay $0x3  }
0x33: {  	p0 =	seq.s32 s10, $0x1;
	s10 =	sld [smem:$0x3FAF];
	_ =	sdelay $0x3  }
0x34: {  	[smem:$0x3FAF] =	sst s10  }
0x35: {  	s10 =	sld [smem:$0x3FAE];
	_ =	sdelay $0x3  }
0x36: {  	p1 =	seq.s32 s10, $0x1;
	s10 =	sld [smem:$0x3FAF];
	_ =	sdelay $0x3  }
0x37: {  	[smem:$0x3FAF] =	sst s10  }
0x38: {  	s10 =	sld [smem:$0x3FB0]  }
0x39: {  	_ = 	snop;
	(pc) =	sbr.ind lr, $3  }
0x3a: {  	_ = 	snop  }
0x3b: {  	_ = 	snop  }
0x3c: {  	p2 =	seq.s32 s10, $0x1;
	s10 =	sld [smem:$0x3FAF]  }
0x3d: {  	_ =	shalt  }
0x3e: {  	_ =	shalt  }
0x3f: {  	_ =	shalt  }
0x40: {  	_ =	shalt  }
0x41: {  	_ =	shalt  }
0x42: {  	_ =	shalt  }
0x43: {  	_ =	shalt  }
0x44: {  	_ =	shalt  }
0x45: {  	_ =	shalt  }
0x46: {  	_ =	shalt  }
0x47: {  	_ =	shalt  }
0x48: {  	_ =	shalt  }
0x49: {  	_ =	shalt  }
0x4a: {  	_ =	shalt  }
0x4b: {  	_ =	shalt  }
0x4c: {  	_ =	shalt  }
0x4d: {  	_ =	shalt  }
0x4e: {  	_ =	shalt  }
0x4f: {  	_ =	shalt  }
0x50: {  	_ =	shalt  }
0x51: {  	_ =	shalt  }
0x52: {  	_ =	shalt  }
0x53: {  	_ =	shalt  }
0x54: {  	_ =	shalt  }
0x55: {  	_ =	shalt  }
0x56: {  	_ =	shalt  }
0x57: {  	_ =	shalt  }
0x58: {  	_ =	shalt  }
0x59: {  	_ =	shalt  }
0x5a: {  	_ =	shalt  }
0x5b: {  	_ =	shalt  }
0x5c: {  	_ =	shalt  }
0x5d: {  	_ =	shalt  }
0x5e: {  	_ =	shalt  }
0x5f: {  	_ =	shalt  }
0x60: {  	_ =	shalt  }
0x61: {  	_ =	shalt  }
0x62: {  	_ =	shalt  }
0x63: {  	_ =	shalt  }
0x64: {  	_ =	shalt  }
0x65: {  	_ =	shalt  }
0x66: {  	_ =	shalt  }
0x67: {  	_ =	shalt  }
0x68: {  	_ =	shalt  }
0x69: {  	_ =	shalt  }
0x6a: {  	_ =	shalt  }
0x6b: {  	_ =	shalt  }
0x6c: {  	_ =	shalt  }
0x6d: {  	_ =	shalt  }
0x6e: {  	_ =	shalt  }
0x6f: {  	_ =	shalt  }
0x70: {  	_ =	shalt  }
0x71: {  	_ =	shalt  }
0x72: {  	_ =	shalt  }
0x73: {  	_ =	shalt  }
0x74: {  	_ =	shalt  }
0x75: {  	_ =	shalt  }
0x76: {  	_ =	shalt  }
0x77: {  	_ =	shalt  }
0x78: {  	_ =	shalt  }
0x79: {  	_ =	shalt  }
0x7a: {  	_ =	shalt  }
0x7b: {  	_ =	shalt  }
0x7c: {  	_ =	shalt  }
0x7d: {  	_ =	shalt  }
0x7e: {  	_ =	shalt  }
0x7f: {  	_ =	shalt  }
0x80: {  	_ =	shalt  }
0x81: {  	_ =	shalt  }
0x82: {  	_ =	shalt  }
0x83: {  	_ =	shalt  }
0x84: {  	_ =	shalt  }
0x85: {  	_ =	shalt  }
0x86: {  	_ =	shalt  }
0x87: {  	_ =	shalt  }
.Lfunc_end0:
.L_simem_size_0:
called_computation_lowered:
.L_overlay_start_0:
0x88: {  	s2 =	sld [smem:$0x3FD9]  }
0x89: {  	s3 =	sld [smem:$0x3FFE];
	_ =	sdelay $0x1  }
0x8a: {  	s1 =	srdreg.scid  }
0x8b: {  	s0 =	sand.u32 $0x1, s1  }
0x8c: {  	s17 =	sshll.u32 s0, $0xA;
	s2 =	sadd.s32 s3, s2  }
0x8d: {  	s2 =	sadd.s32 s2, s17  }
0x8e: {  	[smem:$0x3FBB] =	sst s2  }
0x8f: {  	_ = 	snop  }
0x90: {  	(tm) =	ssettm $0x1  }
0x91: {  	s18 =	sld [smem:$0x3FFB];
	_ =	sdelay $0x3  }
0x92: {  	_ =	strace s18  }
0x93: {  	s2 =	sld [smem:$0x3FFC];
	_ =	sdelay $0x3  }
0x94: {  	_ =	strace s2  }
0x95: {  	s2 =	sld [smem:$0x3FFD];
	_ =	sdelay $0x3  }
0x96: {  	_ =	strace s2  }
0x97: {  	_ =	strace $0x8FFFFFFF  }
0x98: {  	s19 =	sld [smem:$0x3FDB];
	_ =	sdelay $0x1  }
0x99: {  	s20 =	simm.s32 $_scs_section_size  }
0x9a: {  	s4 =	simm.s32 $_size__tile_overlayer_lowered;
	s5 =	simm.s32 $_tile_overlayer_lowered  }
0x9b: {  	s6 =	simm.s32 $0x1BFF;
	s21 =	sshll.u32 s5, $0x1;
	s3 =	sadd.s32 s20, s19  }
0x9c: {  	s22 =	simm.s32 $0x0;
	s4 =	sshll.u32 s4, $0x1;
	s5 =	sadd.s32 s21, s3  }
0x9d: {  	[timem:s22], [sflag:s6] =	dma.local [hbm:s5], s4  }
0x9e: {  	_ =	swait.ge [sflag:s6], s4  }
0x9f: {  	s4 =	ssub.s32 $0x0, s4;
	[sflag:s6] =	ssyncset.done $0x0  }
0xa0: {  	[sflag:s6] =	ssyncadd.s32 s4;
	_ =	sdelay $0x1  }
0xa1: {  	s23 =	simm.s32 $0x1B8B  }
0xa2: {  	_ =	swait.ge [sflag:s23], $0x1  }
0xa3: {  	[sflag:s23] =	ssyncset.done $0x0  }
0xa4: {  	[sflag:s23] =	ssyncadd.s32 $0xFFFFFFFF  }
0xa5: {  	s4 =	sld [smem:$0x0]  }
0xa6: {  	s5 =	sand.u32 $0xFFFFFFFE, s1  }
0xa7: {  	p0 =	sne.s32 s1, s5  }
0xa8: {  	s5 =	sshll.u32 @p0 s5, $0xE  }
0xa9: {  	s5 =	sadd.s32 @p0 $0x11B8D, s5;
	s6 =	sshll.u32 @p0 s4, $0x11  }
0xaa: {  	s5 =	sor.u32 @p0 s6, s5  }
0xab: {  	[sflag:s5] =	ssyncadd.remote.s32 @p0 $0x1;
	_ =	sdelay $0x1  }
0xac: {  	s5 =	simm.s32 @p0 $0x1B8D  }
0xad: {  	_ =	swait.eq @p0 [sflag:s5], $0x1  }
0xae: {  	[sflag:s5] =	ssyncadd.s32 @p0 $0xFFFFFFFF  }
0xaf: {  	s6 =	sshll.u32 @!p0 s1, $0xE  }
0xb0: {  	s6 =	sor.u32 @!p0 $0x4000, s6;
	s5 =	simm.s32 @!p0 $0x1B8D  }
0xb1: {  	s4 =	sshll.u32 @!p0 s4, $0x11;
	s6 =	sadd.s32 @!p0 $0x11B8D, s6;
	_ =	swait.eq @!p0 [sflag:s5], $0x1  }
0xb2: {  	s4 =	sor.u32 @!p0 s4, s6;
	[sflag:s5] =	ssyncadd.s32 @!p0 $0xFFFFFFFF  }
0xb3: {  	s25 =	simm.s32 $0x1B8E;
	s24 =	sld [smem:$0x3FFE];
	[sflag:s4] =	ssyncadd.remote.s32 @!p0 $0x1  }
0xb4: {  	s26 =	simm.s32 $execute0_lowered;
	[smem:$0x3FD2] =	sst s25  }
0xb5: {  	s5 =	sshll.u32 s26, $0x1;
	_ =	strace $0x80000049;
	[dreg:$0x1] =	wrdreg $0xFFFFFFFF  }
0xb6: {  	s28 =	simm.s32 $_size_execute0_lowered;
	s3 =	sadd.s32 s3, s5;
	[dreg:$0x0] =	wrdreg $0x0  }
0xb7: {  	s5 =	sshll.u32 s28, $0x1;
	[dreg:$0x2] =	wrdreg s3  }
0xb8: {  	[dreg:$0x3] =	wrdreg s5  }
0xb9: {  	[dreg:$0x4] =	wrdreg $0xC0  }
0xba: {  	_ =	task [dreg:s22], $0x5FFFF  }
0xbb: {  	[dreg:$0x1] =	wrdreg $0xFFFFFFFF  }
0xbc: {  	[dreg:$0x0] =	wrdreg $0x60  }
0xbd: {  	[dreg:$0x2] =	wrdreg s24  }
0xbe: {  	[dreg:$0x3] =	wrdreg $0x9  }
0xbf: {  	_ =	task.clear_ibuf [dreg:s22], $0x4FFFF;
	_ =	strace $0x90000049  }
0xc0: {  	s29 =	simm.s32 $0x9;
	_ =	strace $0x8000004B  }
0xc1: {  	_ =	swait.ge [sflag:s29], $0x1  }
0xc2: {  	[sflag:s29] =	ssyncadd.s32 $0xFFFFFFFF  }
0xc3: {  	_ =	strace $0x9000004B  }
0xc4: {  	_ =	sfence  }
0xc5: {  	s30 =	sld [smem:$0x0];
	_ =	sdelay $0x2  }
0xc6: {  	s31 =	sshll.u32 s1, $0xD;
	s1 =	sshrl.u32 s1, $0x2  }
0xc7: {  	s4 =	sand.u32 $0x4000, s31;
	s1 =	sadd.s32 s1, s30  }
0xc8: {  	s0 =	sor.u32 s4, s0;
	s1 =	sshll.u32 s1, $0x11  }
0xc9: {  	s0 =	sor.u32 s1, s0  }
0xca: {  	s0 =	sadd.s32 $0x8F2B, s0  }
0xcb: {  	[sflag:s0] =	ssyncadd.remote.s32 $0x1  }
0xcc: {  	_ =	sfence.sel $0xFFFF  }
0xcd: {  	[dreg:$0x0] =	wrdreg $0xFFFFFFFF;
	(pc) =	sbr.abs _section_cstart, $3  }
0xce: {  	[dreg:$0x1] =	wrdreg $0xFFFFFFFF  }
0xcf: {  	_ =	task.clear_ibuf [dreg:s22], $0x2FFFF;
	_ =	strace $0x9FFFFFFF  }
0xd0: {  	(tm) =	ssettm $0x7FFFFFFF  }
0xd1: {  	_ =	shalt  }
tec
execute0_lowered:
.L_overlay_start_1:
0x0: {  	(tag) =	ssettag $0x1  }
0x1: {  	s0 =	srdreg.scid  }
0x2: {  	s8 =	stileid.u32;
	s1 =	rddreg [dreg:$0x0]  }
0x3: {  	s2 =	simm.s32 $0x0;
	s12 =	simm.s32 $0xB;
	s13 =	simm.s32 $0x28  }
0x4: {  	s14 =	simm.s32 $0x1400;
	s15 =	simm.s32 $0x2800;
	s17 =	simm.s32 $0x3C00  }
0x5: {  	s19 =	simm.s32 $0x5000;
	s21 =	simm.s32 $0x6400;
	s22 =	simm.s32 $0x1  }
0x6: {  	s23 =	simm.s32 $0x6;
	s28 =	simm.s32 $0x8;
	s29 =	simm.s32 $0x4  }
0x7: {  	s30 =	simm.s32 $0x9;
	s0 =	sand.u32 $0x1, s0;
	s3 =	sshll.u32 s8, $0x1  }
0x8: {  	[smem:$0x7FF] =	sst s2;
	s25 =	smul.u32 $0x27100, s8;
	s4 =	sor.u32 s0, s3  }
0x9: {  	s31 =	simm.s32 $0x5;
	_ =	strace $0x8000004A;
	s5 =	smul.u32 $0x1388, s4  }
0xa: {  	s3 =	sadd.s32 $0x279400, s1;
	s6 =	ssub.s32 $0x2, s0;
	s4 =	smul.u32 $0x9C400, s4  }
0xb: {  	s0 =	smul.u32 $0x13880, s0;
	s7 =	sshrl.u32 s6, $0x1;
	s5 =	sshrl.u32 s5, $0x3  }
0xc: {  	s10 =	ssub.s32 s6, s7;
	s24 =	sshrl.u32 s4, $0x3;
	s5 =	sadd.s32 s5, s1  }
0xd: {  	s10 =	smax.u32 s10, $0x1;
	s1 =	sadd.s32 $0x2A0600, s1;
	s26 =	sadd.s32 $0x274400, s5  }
0xe: {  	s9 =	sadd.s32 s1, s24;
	s1 =	sadd.s32 s25, s1;
	s24 =	simm.s32 $0x2  }
0xf: {  	s25 =	simm.s32 $0x7;
	[dreg:$0x2] =	wrdreg s26;
	s5 =	sadd.s32 $0x12C00, s9  }
0x10: {  	s6 =	sadd.s32 $0x12E80, s9;
	s7 =	sadd.s32 $0x13100, s9;
	s8 =	sadd.s32 $0x13380, s9  }
0x11: {  	s0 =	sadd.s32 s0, s1;
	s9 =	sadd.s32 $0x13600, s9;
	s26 =	simm.s32 $0x3  }
0x12: {  	s1 =	simm.s32 $0xA;
	s11 =	sadd.s32 $0xA00, s0;
	s0 =	simm.s32 $0x0  }
.LBB2_1:
0x13: {  	s4 =	rddreg [dreg:$0x2]  }
0x14: {  	[tilespmem:s2], [sflag:$0xB] =	stream.linear.gather [hbm4b:s4+s2], $0x1388, $0x38;
	[tilespmem:$0x7800] =	vst v63  }
0x15: {  	_ =	swait.ge [sflag:s12], $0x1388  }
0x16: {  	[sflag:s12] =	ssyncset.done $0x0  }
0x17: {  	[sflag:s12] =	ssyncadd.s32 $0xFFFFEC78  }
0x18: {  	[tilespmem:s14], [sflag:$0x1] =	stream.indirect.gather [hbm4b:s3+s13], $0x80, s2, s13, $0xb8;
	[tilespmem:$0x7800] =	vst v63  }
0x19: {  	_ = 	snop  }
0x1a: {  	[tilespmem:s15], [sflag:$0x2] =	stream.indirect.gather [hbm4b:s3+s13], $0x80, s13, s13, $0xb8;
	[tilespmem:$0x7800] =	vst v63  }
0x1b: {  	s20 =	simm.s32 $0x50  }
0x1c: {  	[tilespmem:s17], [sflag:$0x3] =	stream.indirect.gather [hbm4b:s3+s13], $0x80, s20, s13, $0xb8;
	[tilespmem:$0x7800] =	vst v63  }
0x1d: {  	s16 =	simm.s32 $0x78  }
0x1e: {  	[tilespmem:s19], [sflag:$0x4] =	stream.indirect.gather [hbm4b:s3+s13], $0x80, s16, s13, $0xb8;
	[tilespmem:$0x7800] =	vst v63  }
0x1f: {  	s18 =	simm.s32 $0xA0  }
0x20: {  	[tilespmem:s21], [sflag:$0x5] =	stream.indirect.gather [hbm4b:s3+s13], $0x80, s18, s13, $0xb8;
	[tilespmem:$0x7800] =	vst v63  }
0x21: {  	_ =	swait.ge [sflag:s22], $0x1400  }
0x22: {  	[sflag:s22] =	ssyncset.done $0x0  }
0x23: {  	s16 =	sadd.s32 $0xFFFFF600, s11;
	[sflag:s22] =	ssyncadd.s32 $0xFFFFEC00  }
0x24: {  	[hbm4b:s16+s2] =	stream.linear.scatter [tilespmem:s14], [sflag:$0x6], $0x1400, $0x38;
	[tilespmem:$0x7800] =	vst v63  }
0x25: {  	_ =	swait.ge [sflag:s23], $0x1400  }
0x26: {  	[sflag:s23] =	ssyncset.done $0x0  }
0x27: {  	s20 =	simm.s32 $0xC8;
	[sflag:s23] =	ssyncadd.s32 $0xFFFFEC00  }
0x28: {  	[tilespmem:s14], [sflag:$0x1] =	stream.indirect.gather [hbm4b:s3+s13], $0x80, s20, s13, $0xb8;
	[tilespmem:$0x7800] =	vst v63  }
0x29: {  	_ =	swait.ge [sflag:s24], $0x1400  }
0x2a: {  	[sflag:s24] =	ssyncset.done $0x0  }
0x2b: {  	s4 =	sadd.s32 $0xFFFFF880, s11;
	[sflag:s24] =	ssyncadd.s32 $0xFFFFEC00  }
0x2c: {  	[hbm4b:s4+s2] =	stream.linear.scatter [tilespmem:s15], [sflag:$0x7], $0x1400, $0x38;
	[tilespmem:$0x7800] =	vst v63  }
0x2d: {  	_ =	swait.ge [sflag:s25], $0x1400  }
0x2e: {  	[sflag:s25] =	ssyncset.done $0x0  }
0x2f: {  	s18 =	simm.s32 $0xF0;
	[sflag:s25] =	ssyncadd.s32 $0xFFFFEC00  }
0x30: {  	[tilespmem:s15], [sflag:$0x2] =	stream.indirect.gather [hbm4b:s3+s13], $0x80, s18, s13, $0xb8;
	[tilespmem:$0x7800] =	vst v63  }
0x31: {  	_ =	swait.ge [sflag:s26], $0x1400  }
0x32: {  	[sflag:s26] =	ssyncset.done $0x0  }
0x33: {  	s20 =	sadd.s32 $0xFFFFFB00, s11;
	[sflag:s26] =	ssyncadd.s32 $0xFFFFEC00  }
0x34: {  	[hbm4b:s20+s2] =	stream.linear.scatter [tilespmem:s17], [sflag:$0x8], $0x1400, $0x38;
	[tilespmem:$0x7800] =	vst v63  }
0x35: {  	_ =	swait.ge [sflag:s28], $0x1400  }
0x36: {  	[sflag:s28] =	ssyncset.done $0x0  }
0x37: {  	s4 =	simm.s32 $0x118;
	[sflag:s28] =	ssyncadd.s32 $0xFFFFEC00  }
0x38: {  	[tilespmem:s17], [sflag:$0x3] =	stream.indirect.gather [hbm4b:s3+s13], $0x80, s4, s13, $0xb8;
	[tilespmem:$0x7800] =	vst v63  }
0x39: {  	_ =	swait.ge [sflag:s29], $0x1400  }
0x3a: {  	[sflag:s29] =	ssyncset.done $0x0  }
0x3b: {  	s18 =	sadd.s32 $0xFFFFFD80, s11;
	[sflag:s29] =	ssyncadd.s32 $0xFFFFEC00  }
0x3c: {  	[hbm4b:s18+s2] =	stream.linear.scatter [tilespmem:s19], [sflag:$0x9], $0x1400, $0x38;
	[tilespmem:$0x7800] =	vst v63  }
0x3d: {  	_ =	swait.ge [sflag:s30], $0x1400  }
0x3e: {  	[sflag:s30] =	ssyncset.done $0x0  }
0x3f: {  	s20 =	simm.s32 $0x140;
	[sflag:s30] =	ssyncadd.s32 $0xFFFFEC00  }
0x40: {  	[tilespmem:s19], [sflag:$0x4] =	stream.indirect.gather [hbm4b:s3+s13], $0x80, s20, s13, $0xb8;
	[tilespmem:$0x7800] =	vst v63  }
0x41: {  	_ =	swait.ge [sflag:s31], $0x1400  }
0x42: {  	[sflag:s31] =	ssyncset.done $0x0  }
0x43: {  	[sflag:s31] =	ssyncadd.s32 $0xFFFFEC00  }
0x44: {  	[hbm4b:s11+s2] =	stream.linear.scatter [tilespmem:s21], [sflag:$0xA], $0x1400, $0x38;
	[tilespmem:$0x7800] =	vst v63  }
0x45: {  	_ =	swait.ge [sflag:s1], $0x1400  }
0x46: {  	s16 =	simm.s32 $0x320;
	[sflag:s1] =	ssyncset.done $0x0  }
0x47: {  	s18 =	sadd.s32 $0xC80, s11;
	s20 =	simm.s32 $0x168;
	[sflag:s1] =	ssyncadd.s32 $0xFFFFEC00  }
.LBB2_2:
0x48: {  	[tilespmem:s21], [sflag:$0x5] =	stream.indirect.gather [hbm4b:s3+s13], $0x80, s20, s13, $0xb8;
	[tilespmem:$0x7800] =	vst v63  }
0x49: {  	s20 =	smov.u32 s16  }
0x4a: {  	p0 =	sne.s32 s16, $0x47E0;
	s16 =	sadd.s32 $0x320, s16;
	_ =	swait.ge [sflag:s22], $0x1400  }
0x4b: {  	[sflag:s22] =	ssyncset.done $0x0  }
0x4c: {  	s4 =	sadd.s32 $0xFFFFF600, s18;
	[sflag:s22] =	ssyncadd.s32 $0xFFFFEC00  }
0x4d: {  	[hbm4b:s4+s2] =	stream.linear.scatter [tilespmem:s14], [sflag:$0x6], $0x1400, $0x38;
	[tilespmem:$0x7800] =	vst v63  }
0x4e: {  	_ =	swait.ge [sflag:s23], $0x1400  }
0x4f: {  	s20 =	sshra.s32 s20, $0x2;
	[sflag:s23] =	ssyncset.done $0x0  }
0x50: {  	s4 =	sadd.s32 $0xC8, s20;
	[sflag:s23] =	ssyncadd.s32 $0xFFFFEC00  }
0x51: {  	[tilespmem:s14], [sflag:$0x1] =	stream.indirect.gather [hbm4b:s3+s13], $0x80, s4, s13, $0xb8;
	[tilespmem:$0x7800] =	vst v63  }
0x52: {  	_ =	swait.ge [sflag:s24], $0x1400  }
0x53: {  	[sflag:s24] =	ssyncset.done $0x0  }
0x54: {  	s4 =	sadd.s32 $0xFFFFF880, s18;
	[sflag:s24] =	ssyncadd.s32 $0xFFFFEC00  }
0x55: {  	[hbm4b:s4+s2] =	stream.linear.scatter [tilespmem:s15], [sflag:$0x7], $0x1400, $0x38;
	[tilespmem:$0x7800] =	vst v63  }
0x56: {  	_ =	swait.ge [sflag:s25], $0x1400  }
0x57: {  	[sflag:s25] =	ssyncset.done $0x0  }
0x58: {  	s4 =	sadd.s32 $0xF0, s20;
	[sflag:s25] =	ssyncadd.s32 $0xFFFFEC00  }
0x59: {  	[tilespmem:s15], [sflag:$0x2] =	stream.indirect.gather [hbm4b:s3+s13], $0x80, s4, s13, $0xb8;
	[tilespmem:$0x7800] =	vst v63  }
0x5a: {  	_ =	swait.ge [sflag:s26], $0x1400  }
0x5b: {  	[sflag:s26] =	ssyncset.done $0x0  }
0x5c: {  	s4 =	sadd.s32 $0xFFFFFB00, s18;
	[sflag:s26] =	ssyncadd.s32 $0xFFFFEC00  }
0x5d: {  	[hbm4b:s4+s2] =	stream.linear.scatter [tilespmem:s17], [sflag:$0x8], $0x1400, $0x38;
	[tilespmem:$0x7800] =	vst v63  }
0x5e: {  	_ =	swait.ge [sflag:s28], $0x1400  }
0x5f: {  	[sflag:s28] =	ssyncset.done $0x0  }
0x60: {  	s4 =	sadd.s32 $0x118, s20;
	[sflag:s28] =	ssyncadd.s32 $0xFFFFEC00  }
0x61: {  	[tilespmem:s17], [sflag:$0x3] =	stream.indirect.gather [hbm4b:s3+s13], $0x80, s4, s13, $0xb8;
	[tilespmem:$0x7800] =	vst v63  }
0x62: {  	_ =	swait.ge [sflag:s29], $0x1400  }
0x63: {  	[sflag:s29] =	ssyncset.done $0x0  }
0x64: {  	s4 =	sadd.s32 $0xFFFFFD80, s18;
	[sflag:s29] =	ssyncadd.s32 $0xFFFFEC00  }
0x65: {  	[hbm4b:s4+s2] =	stream.linear.scatter [tilespmem:s19], [sflag:$0x9], $0x1400, $0x38;
	[tilespmem:$0x7800] =	vst v63  }
0x66: {  	_ =	swait.ge [sflag:s30], $0x1400  }
0x67: {  	[sflag:s30] =	ssyncset.done $0x0  }
0x68: {  	s4 =	sadd.s32 $0x140, s20;
	[sflag:s30] =	ssyncadd.s32 $0xFFFFEC00  }
0x69: {  	[tilespmem:s19], [sflag:$0x4] =	stream.indirect.gather [hbm4b:s3+s13], $0x80, s4, s13, $0xb8;
	[tilespmem:$0x7800] =	vst v63  }
0x6a: {  	_ =	swait.ge [sflag:s31], $0x1400  }
0x6b: {  	[sflag:s31] =	ssyncset.done $0x0  }
.Ltmp0:
0x6c: {  	[sflag:s31] =	ssyncadd.s32 $0xFFFFEC00;
	(pc) =	sbr.rel @p0 .LBB2_2-.Ltmp0, $4  }
0x6d: {  	[hbm4b:s18+s2] =	stream.linear.scatter [tilespmem:s21], [sflag:$0xA], $0x1400, $0x38;
	[tilespmem:$0x7800] =	vst v63  }
0x6e: {  	_ =	swait.ge [sflag:s1], $0x1400  }
0x6f: {  	[sflag:s1] =	ssyncset.done $0x0  }
0x70: {  	s20 =	sadd.s32 $0x168, s20;
	s18 =	sadd.s32 $0xC80, s18;
	[sflag:s1] =	ssyncadd.s32 $0xFFFFEC00  }
0x71: {  	[tilespmem:s21], [sflag:$0x5] =	stream.indirect.gather [hbm4b:s3+s13], $0x80, s20, s13, $0xb8;
	[tilespmem:$0x7800] =	vst v63  }
0x72: {  	_ =	swait.ge [sflag:s22], $0x1400  }
0x73: {  	[sflag:s22] =	ssyncset.done $0x0  }
0x74: {  	[sflag:s22] =	ssyncadd.s32 $0xFFFFEC00  }
0x75: {  	[hbm4b:s5+s2] =	stream.linear.scatter [tilespmem:s14], [sflag:$0x6], $0x1400, $0x38;
	[tilespmem:$0x7800] =	vst v63  }
0x76: {  	_ =	swait.ge [sflag:s23], $0x1400  }
0x77: {  	[sflag:s23] =	ssyncset.done $0x0  }
0x78: {  	[sflag:s23] =	ssyncadd.s32 $0xFFFFEC00  }
0x79: {  	_ =	swait.ge [sflag:s24], $0x1400  }
0x7a: {  	[sflag:s24] =	ssyncset.done $0x0  }
0x7b: {  	[sflag:s24] =	ssyncadd.s32 $0xFFFFEC00  }
0x7c: {  	[hbm4b:s6+s2] =	stream.linear.scatter [tilespmem:s15], [sflag:$0x7], $0x1400, $0x38;
	[tilespmem:$0x7800] =	vst v63  }
0x7d: {  	_ =	swait.ge [sflag:s25], $0x1400  }
0x7e: {  	[sflag:s25] =	ssyncset.done $0x0  }
0x7f: {  	[sflag:s25] =	ssyncadd.s32 $0xFFFFEC00  }
0x80: {  	_ =	swait.ge [sflag:s26], $0x1400  }
0x81: {  	[sflag:s26] =	ssyncset.done $0x0  }
0x82: {  	[sflag:s26] =	ssyncadd.s32 $0xFFFFEC00  }
0x83: {  	[hbm4b:s7+s2] =	stream.linear.scatter [tilespmem:s17], [sflag:$0x8], $0x1400, $0x38;
	[tilespmem:$0x7800] =	vst v63  }
0x84: {  	_ =	swait.ge [sflag:s28], $0x1400  }
0x85: {  	[sflag:s28] =	ssyncset.done $0x0  }
0x86: {  	[sflag:s28] =	ssyncadd.s32 $0xFFFFEC00  }
0x87: {  	_ =	swait.ge [sflag:s29], $0x1400  }
0x88: {  	[sflag:s29] =	ssyncset.done $0x0  }
0x89: {  	[sflag:s29] =	ssyncadd.s32 $0xFFFFEC00  }
0x8a: {  	[hbm4b:s8+s2] =	stream.linear.scatter [tilespmem:s19], [sflag:$0x9], $0x1400, $0x38;
	[tilespmem:$0x7800] =	vst v63  }
0x8b: {  	_ =	swait.ge [sflag:s30], $0x1400  }
0x8c: {  	[sflag:s30] =	ssyncset.done $0x0  }
0x8d: {  	[sflag:s30] =	ssyncadd.s32 $0xFFFFEC00  }
0x8e: {  	s0 =	sadd.s32 $0x1, s0;
	_ =	swait.ge [sflag:s31], $0x1400  }
0x8f: {  	p0 =	sne.s32 s0, s10;
	[sflag:s31] =	ssyncset.done $0x0  }
.Ltmp1:
0x90: {  	[sflag:s31] =	ssyncadd.s32 $0xFFFFEC00;
	(pc) =	sbr.rel @p0 .LBB2_1-.Ltmp1, $4  }
0x91: {  	[hbm4b:s9+s2] =	stream.linear.scatter [tilespmem:s21], [sflag:$0xA], $0x1400, $0x38;
	[tilespmem:$0x7800] =	vst v63  }
0x92: {  	_ =	swait.ge [sflag:s1], $0x1400  }
0x93: {  	[sflag:s1] =	ssyncset.done $0x0  }
0x94: {  	[sflag:s1] =	ssyncadd.s32 $0xFFFFEC00  }
0x95: {  	_ =	sfence.sel $0x180000  }
0x96: {  	[bflag:$0x0] =	sbarrier.arrive $0xFFFF  }
0x97: {  	_ =	strace $0x9000004A  }
0x98: {  	s0 =	stileid.u32;
	[bflag:$0x2] =	sbarrier.arrive $0xFFFF  }
0x99: {  	p0 =	sne.s32 s0, $0x0;
	s0 =	rddreg [dreg:$0x1]  }
0x9a: {  	s0 =	sadd.s32 @!p0 $0x100000, s0  }
0x9b: {  	[sflag:s0] =	ssyncadd.tile.s32 @!p0 $0x1;
	_ =	shalt  }
.Lfunc_end2:
_tile_overlayer_lowered:
.L_overlay_start_2:
0x9c: {  	(tag) =	ssettag $0x2  }
0x9d: {  	s0 =	rddreg [dreg:$0x0];
	s2 =	stileid.u32  }
0x9e: {  	s1 =	rddreg [dreg:$0x1];
	p0 =	sne.s32 s2, $0x0  }
0x9f: {  	s3 =	rddreg [dreg:$0x2];
	[bflag:$0x3] =	sbarrier.arrive $0xFFFF;
	s2 =	simm.s32 @!p0 $0x1C0B  }
0xa0: {  	[timem:s3], [sflag:s2] =	dma.local @!p0 [hbm:s0], s1  }
0xa1: {  	s0 =	simm.s32 @!p0 $0xB  }
0xa2: {  	_ =	swait.ge @!p0 [sflag:s0], s1  }
0xa3: {  	s1 =	ssub.s32 @!p0 $0x0, s1;
	[sflag:s0] =	ssyncset.done @!p0 $0x0  }
0xa4: {  	[sflag:s0] =	ssyncadd.s32 @!p0 s1  }
0xa5: {  	[bflag:$0x3] =	sbarrier.arrive $0xFFFF  }
0xa6: {  	_ =	shalt  }

</sc_bundles>
